<compile_context>
chip_gen: v7x
topology: tpu7x:2x2x1
jax: 0.10.2.dev20260603
libtpu: 0.0.44.dev20260713+nightly
codegen_flags: <defaults>
</compile_context>

<pallas_src>
import jax
import jax.numpy as jnp
from jax import lax
from jax.experimental import pallas as pl
from jax.experimental.pallas import tpu as pltpu
from jax.experimental.pallas import tpu_sc as plsc

_N = 10000
_E = 320000
_D = 128
_G = 64
_EPS = 1e-5

_NC = 2
_NS = 16
_NW = _NC * _NS
_CHUNK = 128
_EPT = 10240
_CH = _EPT // _CHUNK
_NIDX = 2
_CHH = _CH // _NIDX
_NBUF = 2
_E_PAD = _NW * _EPT
_ACC_ROWS = 10240
_ZPT = _ACC_ROWS // _NS
_RPT = _N // _NS



def _sc_degree_body(e_hbm, out_hbm, dst_v, ones_v, zv, acc):
    c = lax.axis_index("c")
    s = lax.axis_index("s")
    wid = s * _NC + c

    @pl.loop(0, _ZPT // 16)
    def _(i):
        zv[pl.ds(i * 16, 16)] = jnp.zeros((16,), jnp.float32)

    @pl.loop(0, _CHUNK // 16)
    def _(i):
        ones_v[pl.ds(i * 16, 16)] = jnp.ones((16,), jnp.float32)

    pltpu.sync_copy(zv, acc.at[pl.ds(s * _ZPT, _ZPT)])
    plsc.subcore_barrier()

    pltpu.sync_copy(e_hbm.at[1, wid], dst_v)

    @pl.loop(0, _CH)
    def _(j):
        pltpu.sync_copy(ones_v, acc.at[dst_v.at[j]], add=True)

    plsc.subcore_barrier()
    pltpu.sync_copy(acc.at[pl.ds(s * _ZPT, _ZPT)],
                    out_hbm.at[c, pl.ds(s * _ZPT, _ZPT)])


def _sc_scatter_body(g_hbm, e_hbm, out_hbm,
                     src_v, dst_v, rows0, rows1, acc,
                     gsem0, gsem1, ssem0, ssem1):
    c = lax.axis_index("c")
    s = lax.axis_index("s")
    wid = s * _NC + c
    rows = (rows0, rows1)
    gsem = (gsem0, gsem1)
    ssem = (ssem0, ssem1)

    @pl.loop(0, _CHUNK)
    def _(r):
        for c8 in range(8):
            rows0[r, pl.ds(c8 * 16, 16)] = jnp.zeros((16,), jnp.float32)

    @pl.loop(0, _ZPT // _CHUNK)
    def _(i):
        pltpu.sync_copy(rows0, acc.at[pl.ds(s * _ZPT + i * _CHUNK, _CHUNK), :])

    plsc.subcore_barrier()

    def gather_start(j, b):
        pltpu.async_copy(g_hbm.at[src_v.at[j]], rows[b], gsem[b])

    def gather_wait(j, b):
        pltpu.make_async_copy(g_hbm.at[src_v.at[j]], rows[b], gsem[b]).wait()

    def scat_start(j, b):
        pltpu.async_copy(rows[b], acc.at[dst_v.at[j]], ssem[b], add=True)

    def scat_wait(j, b):
        pltpu.make_async_copy(rows[b], acc.at[dst_v.at[j]], ssem[b]).wait()

    for h in range(_NIDX):
        pltpu.sync_copy(e_hbm.at[0, wid, pl.ds(h * _CHH, _CHH)], src_v)
        pltpu.sync_copy(e_hbm.at[1, wid, pl.ds(h * _CHH, _CHH)], dst_v)

        gather_start(0, 0)
        gather_start(1, 1)

        @pl.loop(0, _CHH, step=2)
        def _(j):
            gather_wait(j, 0)
            scat_start(j, 0)

            @pl.when(j + 2 < _CHH)
            def _():
                scat_wait(j, 0)
                gather_start(j + 2, 0)

            gather_wait(j + 1, 1)
            scat_start(j + 1, 1)

            @pl.when(j + 3 < _CHH)
            def _():
                scat_wait(j + 1, 1)
                gather_start(j + 3, 1)

        scat_wait(_CHH - 2, 0)
        scat_wait(_CHH - 1, 1)

    plsc.subcore_barrier()
    pltpu.sync_copy(acc.at[pl.ds(s * _ZPT, _ZPT), :],
                    out_hbm.at[c, pl.ds(s * _ZPT, _ZPT), :])


def _sc_mesh():
    return plsc.VectorSubcoreMesh(core_axis_name="c", subcore_axis_name="s",
                                  num_cores=_NC, num_subcores=_NS)


def _sc_degree(er):
    return pl.kernel(
        _sc_degree_body,
        out_type=jax.ShapeDtypeStruct((_NC, _ACC_ROWS), jnp.float32),
        mesh=_sc_mesh(),
        scratch_types=[
            pltpu.VMEM((_CH, _CHUNK), jnp.int32),
            pltpu.VMEM((_CHUNK,), jnp.float32),
            pltpu.VMEM((_ZPT,), jnp.float32),
            pltpu.VMEM_SHARED((_ACC_ROWS,), jnp.float32),
        ],
    )(er)


def _sc_scatter(g, er):
    return pl.kernel(
        _sc_scatter_body,
        out_type=jax.ShapeDtypeStruct((_NC, _ACC_ROWS, _D), jnp.float32),
        mesh=_sc_mesh(),
        scratch_types=(
            [pltpu.VMEM((_CHH, _CHUNK), jnp.int32)] * 2
            + [pltpu.VMEM((_CHUNK, _D), jnp.float32)] * _NBUF
            + [pltpu.VMEM_SHARED((_ACC_ROWS, _D), jnp.float32)]
            + [pltpu.SemaphoreType.DMA] * (2 * _NBUF)
        ),
    )(g, er)



_BR = 1000


def _tc1_body(x_ref, w_ref, da_ref, db_ref, g_ref, dis_ref):
    deg = da_ref[...] + db_ref[...] + 1.0
    dis = lax.rsqrt(deg)
    dis_ref[...] = dis
    g_ref[...] = dis * jnp.dot(x_ref[...], w_ref[...],
                               preferred_element_type=jnp.float32)


def _tc_mid_body(pa, pb, g, dis, b, gm, bt, mn, vr, w, out):
    conv = dis[...] * (pa[0] + pb[0] + g[...]) + b[...]
    h = (conv - mn[...]) * lax.rsqrt(vr[...] + _EPS) * gm[...] + bt[...]
    h = jnp.maximum(h, 0.0)
    out[...] = dis[...] * jnp.dot(h, w[...],
                                  preferred_element_type=jnp.float32)


def _tc_fin_body(pa, pb, g, dis, b, gm, bt, mn, vr, oh_ref,
                 h_ref, pool_ref):
    i = pl.program_id(0)
    conv = dis[...] * (pa[0] + pb[0] + g[...]) + b[...]
    h = (conv - mn[...]) * lax.rsqrt(vr[...] + _EPS) * gm[...] + bt[...]
    h = jnp.maximum(h, 0.0)
    h_ref[...] = h
    part = lax.dot_general(oh_ref[...], h, (((0,), (0,)), ((), ())),
                           preferred_element_type=jnp.float32)

    @pl.when(i == 0)
    def _():
        pool_ref[...] = part

    @pl.when(i != 0)
    def _():
        pool_ref[...] += part


def _rows_spec():
    return pl.BlockSpec((_BR, _D), lambda i: (i, 0))


def _col_spec():
    return pl.BlockSpec((_BR, 1), lambda i: (i, 0))


def _param_spec():
    return pl.BlockSpec((1, _D), lambda i: (0, 0))


def _full_spec():
    return pl.BlockSpec((_D, _D), lambda i: (0, 0))


def _tc1(x, W0, da, db):
    return pl.pallas_call(
        _tc1_body,
        grid=(_N // _BR,),
        in_specs=[_rows_spec(), _full_spec(), _col_spec(), _col_spec()],
        out_specs=[_rows_spec(), _col_spec()],
        out_shape=[jax.ShapeDtypeStruct((_N, _D), jnp.float32),
                   jax.ShapeDtypeStruct((_N, 1), jnp.float32)],
    )(x, W0, da, db)


def _part_spec(core):
    return pl.BlockSpec((1, _BR, _D), lambda i, c=core: (c, i, 0))


def _tc_mid(p, g, dis, b, gm, bt, mn, vr, W):
    return pl.pallas_call(
        _tc_mid_body,
        grid=(_N // _BR,),
        in_specs=[_part_spec(0), _part_spec(1), _rows_spec(), _col_spec(),
                  _param_spec(), _param_spec(), _param_spec(),
                  _param_spec(), _param_spec(), _full_spec()],
        out_specs=_rows_spec(),
        out_shape=jax.ShapeDtypeStruct((_N, _D), jnp.float32),
    )(p, p, g, dis, b, gm, bt, mn, vr, W)


def _tc_fin(p, g, dis, b, gm, bt, mn, vr, onehot):
    return pl.pallas_call(
        _tc_fin_body,
        grid=(_N // _BR,),
        in_specs=[_part_spec(0), _part_spec(1), _rows_spec(), _col_spec(),
                  _param_spec(), _param_spec(), _param_spec(),
                  _param_spec(), _param_spec(),
                  pl.BlockSpec((_BR, _G), lambda i: (i, 0))],
        out_specs=[_rows_spec(), pl.BlockSpec((_G, _D), lambda i: (0, 0))],
        out_shape=[jax.ShapeDtypeStruct((_N, _D), jnp.float32),
                   jax.ShapeDtypeStruct((_G, _D), jnp.float32)],
    )(p, p, g, dis, b, gm, bt, mn, vr, onehot)



def kernel(x, edge_index, batch, W0, b0, bn0_gamma, bn0_beta, bn0_mean,
           bn0_var, W1, b1, bn1_gamma, bn1_beta, bn1_mean, bn1_var):
    pad = _E_PAD - _E
    pad_ids = jnp.arange(pad, dtype=jnp.int32)
    pads = jnp.stack([pad_ids % _N, _N + pad_ids % (_ACC_ROWS - _N)])
    er = jnp.concatenate([edge_index, pads], axis=1).reshape(
        2, _NW, _CH, _CHUNK)

    degp = _sc_degree(er)
    da = degp[0, :_N, None]
    db = degp[1, :_N, None]

    onehot = (batch[:, None] ==
              jnp.arange(_G, dtype=jnp.int32)[None, :]).astype(jnp.float32)

    g0, dis = _tc1(x, W0, da, db)
    p0 = _sc_scatter(g0, er)
    g1 = _tc_mid(p0, g0, dis,
                 b0[None, :], bn0_gamma[None, :], bn0_beta[None, :],
                 bn0_mean[None, :], bn0_var[None, :], W1)
    p1 = _sc_scatter(g1, er)
    h1, pool = _tc_fin(p1, g1, dis,
                       b1[None, :], bn1_gamma[None, :], bn1_beta[None, :],
                       bn1_mean[None, :], bn1_var[None, :], onehot)
    return h1, pool

# --- scband reference (transcript-rebuilt; emitter-appended) ---
"""Pipeline reference for scband-gcnencoder-59708635349040 (READ-ONLY COPY).

The authoritative reference and input builder live on the scoring server;
editing this copy changes nothing except your own understanding.
"""

import jax, jax.numpy as jnp
import numpy as np

N = 10000
E = 320000
D_IN = 128
D_H = 128
NUM_GRAPHS = 64
EPS = 1e-5


def setup_inputs(seed: int = 0) -> dict:
    key = jax.random.key(seed)
    ks = jax.random.split(key, 12)
    x = jax.random.normal(ks[0], (N, D_IN), dtype=jnp.float32)
    edge_index = jax.random.randint(ks[1], (2, E), 0, N, dtype=jnp.int32)
    batch = jnp.sort(jax.random.randint(ks[2], (N,), 0, NUM_GRAPHS, dtype=jnp.int32))
    W0 = jax.random.normal(ks[3], (D_IN, D_H), dtype=jnp.float32) * 0.05
    b0 = jnp.zeros((D_H,), dtype=jnp.float32)
    bn0_gamma = jnp.ones((D_H,), dtype=jnp.float32)
    bn0_beta = jnp.zeros((D_H,), dtype=jnp.float32)
    bn0_mean = jax.random.normal(ks[4], (D_H,), dtype=jnp.float32) * 0.1
    bn0_var = jax.random.uniform(ks[5], (D_H,), minval=0.5, maxval=1.5, dtype=jnp.float32)
    W1 = jax.random.normal(ks[6], (D_H, D_H), dtype=jnp.float32) * 0.05
    b1 = jnp.zeros((D_H,), dtype=jnp.float32)
    bn1_gamma = jnp.ones((D_H,), dtype=jnp.float32)
    bn1_beta = jnp.zeros((D_H,), dtype=jnp.float32)
    bn1_mean = jax.random.normal(ks[7], (D_H,), dtype=jnp.float32) * 0.1
    bn1_var = jax.random.uniform(ks[8], (D_H,), minval=0.5, maxval=1.5, dtype=jnp.float32)
    return {"x": x, "edge_index": edge_index, "batch": batch,
            "W0": W0, "b0": b0, "bn0_gamma": bn0_gamma, "bn0_beta": bn0_beta,
            "bn0_mean": bn0_mean, "bn0_var": bn0_var,
            "W1": W1, "b1": b1, "bn1_gamma": bn1_gamma, "bn1_beta": bn1_beta,
            "bn1_mean": bn1_mean, "bn1_var": bn1_var}


def _gcn_conv(x, edge_index, W, b):
    # PyG GCNConv: add self-loops, symmetric normalization, linear transform
    loop = jnp.arange(N, dtype=edge_index.dtype)
    src = jnp.concatenate([edge_index[0], loop])
    dst = jnp.concatenate([edge_index[1], loop])
    deg = jnp.zeros((N,), dtype=x.dtype).at[dst].add(1.0)
    deg_inv_sqrt = jnp.where(deg > 0, jax.lax.rsqrt(jnp.maximum(deg, 1e-12)), 0.0)
    norm = deg_inv_sqrt[src] * deg_inv_sqrt[dst]
    h = x @ W
    msg = h[src] * norm[:, None]
    out = jnp.zeros((N, W.shape[1]), dtype=x.dtype).at[dst].add(msg)
    return out + b


def _bn_eval(x, gamma, beta, mean, var):
    return (x - mean) * jax.lax.rsqrt(var + EPS) * gamma + beta


def reference(x, edge_index, batch, W0, b0, bn0_gamma, bn0_beta, bn0_mean, bn0_var,
              W1, b1, bn1_gamma, bn1_beta, bn1_mean, bn1_var):
    layers = [(W0, b0, bn0_gamma, bn0_beta, bn0_mean, bn0_var),
              (W1, b1, bn1_gamma, bn1_beta, bn1_mean, bn1_var)]
    h = x
    for (W, b, g, be, m, v) in layers:
        h = _gcn_conv(h, edge_index, W, b)
        h = _bn_eval(h, g, be, m, v)
        h = jax.nn.relu(h)
        # dropout is identity in eval mode
    x_pool = jax.ops.segment_sum(h, batch, num_segments=NUM_GRAPHS)
    return (h, x_pool)

if __name__ == "__main__":
    import jax
    _d = setup_inputs()
    print(jax.jit(kernel)(*tuple(_d.values())))

</pallas_src>

<mosaic_0001>
#map = affine_map<(d0, d1) -> (0, 0, 0, 0)>
#map1 = affine_map<(d0, d1) -> (0, 0)>
module attributes {stable_mosaic.version = 14 : i64} {
  func.func @_sc_degree_body(%arg0: i32, %arg1: i32, %arg2: memref<2x32x80x128xi32, #tpu.memory_space<hbm>>, %arg3: memref<2x10240xf32, #tpu.memory_space<hbm>>, %arg4: memref<80x128xi32, #tpu.memory_space<vmem>>, %arg5: memref<128xf32, #tpu.memory_space<vmem>>, %arg6: memref<640xf32, #tpu.memory_space<vmem>>, %arg7: memref<10240xf32, #tpu.memory_space<vmem_shared>>) attributes {dimension_semantics = [#tpu.dimension_semantics<core_parallel>, #tpu.dimension_semantics<subcore_parallel>], iteration_bounds = array<i64: 2, 16>, scalar_prefetch = 0 : i64, scratch_operands = 4 : i64, tpu.core_type = #tpu.core_type<sc_vector_subcore>, window_params = [{transform_indices = #map}, {transform_indices = #map1}]} {
    %mul3A = arith.constant 2 : i32
    %mul3A_0 = arith.muli %arg1, %mul3A : i32
    %add3A = arith.addi %mul3A_0, %arg0 : i32
    %scan3A = arith.constant 0 : i32
    %scan3A_1 = arith.constant 40 : i32
    %scan3A_2 = arith.addi %scan3A, %scan3A_1 : i32
    %scan3A_3 = arith.constant 1 : i32
    scf.for %scan3A_22 = %scan3A to %scan3A_2 step %scan3A_3  : i32 {
      %mul3A_23 = arith.constant 1 : i32
      %mul3A_24 = arith.muli %scan3A_22, %mul3A_23 : i32
      %add3A_25 = arith.constant 0 : i32
      %add3A_26 = arith.addi %add3A_25, %mul3A_24 : i32
      %broadcast_in_dim3A = arith.constant 0.000000e+00 : f32
      %broadcast_in_dim3A_27 = vector.broadcast %broadcast_in_dim3A : f32 to vector<16xf32>
      %mul3A_28 = arith.constant 16 : i32
      %mul3A_29 = arith.muli %add3A_26, %mul3A_28 : i32
      %swap3A = arith.index_cast %mul3A_29 : i32 to index
      %swap3A_30 = tpu.vector_load %arg6[%swap3A] {strides = array<i32>} : memref<640xf32, #tpu.memory_space<vmem>>, vector<16xf32>,
      %swap3A_31 = vector.shape_cast %swap3A_30 : vector<16xf32> to vector<16xf32>
      %swap3A_32 = vector.shape_cast %broadcast_in_dim3A_27 : vector<16xf32> to vector<16xf32>
      tpu.vector_store %arg6[%swap3A], %swap3A_32 {strides = array<i32>} : memref<640xf32, #tpu.memory_space<vmem>>, vector<16xf32>,
    }
    %scan3A_4 = arith.constant 40 : i32
    %scan3A_5 = arith.constant 0 : i32
    %scan3A_6 = arith.constant 8 : i32
    %scan3A_7 = arith.addi %scan3A_5, %scan3A_6 : i32
    %scan3A_8 = arith.constant 1 : i32
    scf.for %scan3A_22 = %scan3A_5 to %scan3A_7 step %scan3A_8  : i32 {
      %mul3A_23 = arith.constant 1 : i32
      %mul3A_24 = arith.muli %scan3A_22, %mul3A_23 : i32
      %add3A_25 = arith.constant 0 : i32
      %add3A_26 = arith.addi %add3A_25, %mul3A_24 : i32
      %broadcast_in_dim3A = arith.constant 1.000000e+00 : f32
      %broadcast_in_dim3A_27 = vector.broadcast %broadcast_in_dim3A : f32 to vector<16xf32>
      %mul3A_28 = arith.constant 16 : i32
      %mul3A_29 = arith.muli %add3A_26, %mul3A_28 : i32
      %swap3A = arith.index_cast %mul3A_29 : i32 to index
      %swap3A_30 = tpu.vector_load %arg5[%swap3A] {strides = array<i32>} : memref<128xf32, #tpu.memory_space<vmem>>, vector<16xf32>,
      %swap3A_31 = vector.shape_cast %swap3A_30 : vector<16xf32> to vector<16xf32>
      %swap3A_32 = vector.shape_cast %broadcast_in_dim3A_27 : vector<16xf32> to vector<16xf32>
      tpu.vector_store %arg5[%swap3A], %swap3A_32 {strides = array<i32>} : memref<128xf32, #tpu.memory_space<vmem>>, vector<16xf32>,
    }
    %scan3A_9 = arith.constant 8 : i32
    %mul3A_10 = arith.constant 640 : i32
    %mul3A_11 = arith.muli %arg1, %mul3A_10 : i32
    "tpu.region"() ({
      %run_scoped3A_22 = tpu.sem_alloc : memref<!tpu.dma_semaphore, #tpu.memory_space<semaphore_mem>>
      %dma_start3A = tpu.memref_slice %arg7[%mul3A_11] : memref<10240xf32, #tpu.memory_space<vmem_shared>> -> memref<640xf32, #tpu.memory_space<vmem_shared>>
      %dma_start3A_23 = tpu.memref_slice %arg7[%mul3A_11] : memref<10240xf32, #tpu.memory_space<vmem_shared>> -> memref<640xf32, #tpu.memory_space<vmem_shared>>
      tpu.enqueue_dma source(%arg6 : memref<640xf32, #tpu.memory_space<vmem>>) target(%dma_start3A_23 : memref<640xf32, #tpu.memory_space<vmem_shared>>) target_semaphore(%run_scoped3A_22 : memref<!tpu.dma_semaphore, #tpu.memory_space<semaphore_mem>>)
      %dma_wait3A = tpu.memref_slice %arg7[%mul3A_11] : memref<10240xf32, #tpu.memory_space<vmem_shared>> -> memref<640xf32, #tpu.memory_space<vmem_shared>>
      %dma_wait3A_24 = tpu.memref_slice %arg7[%mul3A_11] : memref<10240xf32, #tpu.memory_space<vmem_shared>> -> memref<640xf32, #tpu.memory_space<vmem_shared>>
      tpu.wait_dma2 semaphore(%run_scoped3A_22 : memref<!tpu.dma_semaphore, #tpu.memory_space<semaphore_mem>>) src(%arg6 : memref<640xf32, #tpu.memory_space<vmem>>) dst(%dma_wait3A_24 : memref<640xf32, #tpu.memory_space<vmem_shared>>)
      tpu.yield
    }) : () -> ()
    %barrier3A = arith.constant 0 : index
    tpu.barrier barrier_id(%barrier3A)
    %run_scoped3A = arith.constant 1 : i32
    "tpu.region"() ({
      %run_scoped3A_22 = tpu.sem_alloc : memref<!tpu.dma_semaphore, #tpu.memory_space<semaphore_mem>>
      %dma_start3A = arith.constant 0 : i32
      %dma_start3A_23 = arith.constant 0 : i32
      %dma_start3A_24 = tpu.memref_slice %arg2[%run_scoped3A, %add3A, %dma_start3A, %dma_start3A_23] : memref<2x32x80x128xi32, #tpu.memory_space<hbm>> -> memref<1x1x80x128xi32, #tpu.memory_space<hbm>>
      %dma_start3A_25 = tpu.memref_squeeze %dma_start3A_24 : memref<1x1x80x128xi32, #tpu.memory_space<hbm>> -> memref<80x128xi32, #tpu.memory_space<hbm>>
      %dma_start3A_26 = arith.constant 0 : i32
      %dma_start3A_27 = arith.constant 0 : i32
      %dma_start3A_28 = tpu.memref_slice %arg2[%run_scoped3A, %add3A, %dma_start3A_26, %dma_start3A_27] : memref<2x32x80x128xi32, #tpu.memory_space<hbm>> -> memref<1x1x80x128xi32, #tpu.memory_space<hbm>>
      %dma_start3A_29 = tpu.memref_squeeze %dma_start3A_28 : memref<1x1x80x128xi32, #tpu.memory_space<hbm>> -> memref<80x128xi32, #tpu.memory_space<hbm>>
      tpu.enqueue_dma source(%dma_start3A_29 : memref<80x128xi32, #tpu.memory_space<hbm>>) target(%arg4 : memref<80x128xi32, #tpu.memory_space<vmem>>) target_semaphore(%run_scoped3A_22 : memref<!tpu.dma_semaphore, #tpu.memory_space<semaphore_mem>>)
      %dma_wait3A = arith.constant 0 : i32
      %dma_wait3A_30 = arith.constant 0 : i32
      %dma_wait3A_31 = tpu.memref_slice %arg2[%run_scoped3A, %add3A, %dma_wait3A, %dma_wait3A_30] : memref<2x32x80x128xi32, #tpu.memory_space<hbm>> -> memref<1x1x80x128xi32, #tpu.memory_space<hbm>>
      %dma_wait3A_32 = tpu.memref_squeeze %dma_wait3A_31 : memref<1x1x80x128xi32, #tpu.memory_space<hbm>> -> memref<80x128xi32, #tpu.memory_space<hbm>>
      %dma_wait3A_33 = arith.constant 0 : i32
      %dma_wait3A_34 = arith.constant 0 : i32
      %dma_wait3A_35 = tpu.memref_slice %arg2[%run_scoped3A, %add3A, %dma_wait3A_33, %dma_wait3A_34] : memref<2x32x80x128xi32, #tpu.memory_space<hbm>> -> memref<1x1x80x128xi32, #tpu.memory_space<hbm>>
      %dma_wait3A_36 = tpu.memref_squeeze %dma_wait3A_35 : memref<1x1x80x128xi32, #tpu.memory_space<hbm>> -> memref<80x128xi32, #tpu.memory_space<hbm>>
      tpu.wait_dma2 semaphore(%run_scoped3A_22 : memref<!tpu.dma_semaphore, #tpu.memory_space<semaphore_mem>>) src(%dma_wait3A_36 : memref<80x128xi32, #tpu.memory_space<hbm>>) dst(%arg4 : memref<80x128xi32, #tpu.memory_space<vmem>>)
      tpu.yield
    }) : () -> ()
    %scan3A_12 = arith.constant 0 : i32
    %scan3A_13 = arith.constant 80 : i32
    %scan3A_14 = arith.addi %scan3A_12, %scan3A_13 : i32
    %scan3A_15 = arith.constant 1 : i32
    scf.for %scan3A_22 = %scan3A_12 to %scan3A_14 step %scan3A_15  : i32 {
      %mul3A_23 = arith.constant 1 : i32
      %mul3A_24 = arith.muli %scan3A_22, %mul3A_23 : i32
      %add3A_25 = arith.constant 0 : i32
      %add3A_26 = arith.addi %add3A_25, %mul3A_24 : i32
      "tpu.region"() ({
        %run_scoped3A_27 = tpu.sem_alloc : memref<!tpu.dma_semaphore, #tpu.memory_space<semaphore_mem>>
        %dma_start3A = arith.constant 0 : i32
        %dma_start3A_28 = tpu.memref_slice %arg4[%add3A_26, %dma_start3A] : memref<80x128xi32, #tpu.memory_space<vmem>> -> memref<1x128xi32, #tpu.memory_space<vmem>>
        %dma_start3A_29 = tpu.memref_squeeze %dma_start3A_28 : memref<1x128xi32, #tpu.memory_space<vmem>> -> memref<128xi32, #tpu.memory_space<vmem>>
        %dma_start3A_30 = arith.constant 0 : i32
        %dma_start3A_31 = tpu.memref_slice %arg7[%dma_start3A_30] : memref<10240xf32, #tpu.memory_space<vmem_shared>> -> memref<10240xf32, #tpu.memory_space<vmem_shared>>
        tpu.enqueue_indirect_dma source(%arg5 : memref<128xf32, #tpu.memory_space<vmem>>) target(%dma_start3A_31 : memref<10240xf32, #tpu.memory_space<vmem_shared>>) offsets(%dma_start3A_29 : memref<128xi32, #tpu.memory_space<vmem>>) semaphore(%run_scoped3A_27 : memref<!tpu.dma_semaphore, #tpu.memory_space<semaphore_mem>>) {add = true}
        %dma_wait3A = arith.constant 0 : i32
        %dma_wait3A_32 = tpu.memref_slice %arg4[%add3A_26, %dma_wait3A] : memref<80x128xi32, #tpu.memory_space<vmem>> -> memref<1x128xi32, #tpu.memory_space<vmem>>
        %dma_wait3A_33 = tpu.memref_squeeze %dma_wait3A_32 : memref<1x128xi32, #tpu.memory_space<vmem>> -> memref<128xi32, #tpu.memory_space<vmem>>
        %dma_wait3A_34 = arith.constant 0 : i32
        %dma_wait3A_35 = tpu.memref_slice %arg7[%dma_wait3A_34] : memref<10240xf32, #tpu.memory_space<vmem_shared>> -> memref<10240xf32, #tpu.memory_space<vmem_shared>>
        tpu.wait_indirect_dma semaphore(%run_scoped3A_27 : memref<!tpu.dma_semaphore, #tpu.memory_space<semaphore_mem>>) src(%arg5 : memref<128xf32, #tpu.memory_space<vmem>>) dst(%dma_wait3A_35 : memref<10240xf32, #tpu.memory_space<vmem_shared>>)
        tpu.yield
      }) : () -> ()
    }
    %scan3A_16 = arith.constant 80 : i32
    %barrier3A_17 = arith.constant 0 : index
    tpu.barrier barrier_id(%barrier3A_17)
    %mul3A_18 = arith.constant 640 : i32
    %mul3A_19 = arith.muli %arg1, %mul3A_18 : i32
    %mul3A_20 = arith.constant 640 : i32
    %mul3A_21 = arith.muli %arg1, %mul3A_20 : i32
    "tpu.region"() ({
      %run_scoped3A_22 = tpu.sem_alloc : memref<!tpu.dma_semaphore, #tpu.memory_space<semaphore_mem>>
      %dma_start3A = tpu.memref_slice %arg3[%arg0, %mul3A_21] : memref<2x10240xf32, #tpu.memory_space<hbm>> -> memref<1x640xf32, #tpu.memory_space<hbm>>
      %dma_start3A_23 = tpu.memref_squeeze %dma_start3A : memref<1x640xf32, #tpu.memory_space<hbm>> -> memref<640xf32, #tpu.memory_space<hbm>>
      %dma_start3A_24 = tpu.memref_slice %arg7[%mul3A_19] : memref<10240xf32, #tpu.memory_space<vmem_shared>> -> memref<640xf32, #tpu.memory_space<vmem_shared>>
      tpu.enqueue_dma source(%dma_start3A_24 : memref<640xf32, #tpu.memory_space<vmem_shared>>) target(%dma_start3A_23 : memref<640xf32, #tpu.memory_space<hbm>>) target_semaphore(%run_scoped3A_22 : memref<!tpu.dma_semaphore, #tpu.memory_space<semaphore_mem>>)
      %dma_wait3A = tpu.memref_slice %arg3[%arg0, %mul3A_21] : memref<2x10240xf32, #tpu.memory_space<hbm>> -> memref<1x640xf32, #tpu.memory_space<hbm>>
      %dma_wait3A_25 = tpu.memref_squeeze %dma_wait3A : memref<1x640xf32, #tpu.memory_space<hbm>> -> memref<640xf32, #tpu.memory_space<hbm>>
      %dma_wait3A_26 = tpu.memref_slice %arg7[%mul3A_19] : memref<10240xf32, #tpu.memory_space<vmem_shared>> -> memref<640xf32, #tpu.memory_space<vmem_shared>>
      tpu.wait_dma2 semaphore(%run_scoped3A_22 : memref<!tpu.dma_semaphore, #tpu.memory_space<semaphore_mem>>) src(%dma_wait3A_26 : memref<640xf32, #tpu.memory_space<vmem_shared>>) dst(%dma_wait3A_25 : memref<640xf32, #tpu.memory_space<hbm>>)
      tpu.yield
    }) : () -> ()
    return
  }
}

#map = affine_map<(d0, d1) -> (0, 0)>
#map1 = affine_map<(d0, d1) -> (0, 0, 0, 0)>
#map2 = affine_map<(d0, d1) -> (0, 0, 0)>
module attributes {stable_mosaic.version = 14 : i64} {
  func.func @_sc_scatter_body(%arg0: i32, %arg1: i32, %arg2: memref<10000x128xf32, #tpu.memory_space<hbm>>, %arg3: memref<2x32x80x128xi32, #tpu.memory_space<hbm>>, %arg4: memref<2x10240x128xf32, #tpu.memory_space<hbm>>, %arg5: memref<40x128xi32, #tpu.memory_space<vmem>>, %arg6: memref<40x128xi32, #tpu.memory_space<vmem>>, %arg7: memref<128x128xf32, #tpu.memory_space<vmem>>, %arg8: memref<128x128xf32, #tpu.memory_space<vmem>>, %arg9: memref<10240x128xf32, #tpu.memory_space<vmem_shared>>, %arg10: memref<!tpu.dma_semaphore, #tpu.memory_space<semaphore_mem>>, %arg11: memref<!tpu.dma_semaphore, #tpu.memory_space<semaphore_mem>>, %arg12: memref<!tpu.dma_semaphore, #tpu.memory_space<semaphore_mem>>, %arg13: memref<!tpu.dma_semaphore, #tpu.memory_space<semaphore_mem>>) attributes {dimension_semantics = [#tpu.dimension_semantics<core_parallel>, #tpu.dimension_semantics<subcore_parallel>], iteration_bounds = array<i64: 2, 16>, scalar_prefetch = 0 : i64, scratch_operands = 9 : i64, tpu.core_type = #tpu.core_type<sc_vector_subcore>, window_params = [{transform_indices = #map}, {transform_indices = #map1}, {transform_indices = #map2}]} {
    %mul3A = arith.constant 2 : i32
    %mul3A_0 = arith.muli %arg1, %mul3A : i32
    %add3A = arith.addi %mul3A_0, %arg0 : i32
    %scan3A = arith.constant 0 : i32
    %scan3A_1 = arith.constant 128 : i32
    %scan3A_2 = arith.addi %scan3A, %scan3A_1 : i32
    %scan3A_3 = arith.constant 1 : i32
    scf.for %scan3A_82 = %scan3A to %scan3A_2 step %scan3A_3  : i32 {
      %mul3A_83 = arith.constant 1 : i32
      %mul3A_84 = arith.muli %scan3A_82, %mul3A_83 : i32
      %add3A_85 = arith.constant 0 : i32
      %add3A_86 = arith.addi %add3A_85, %mul3A_84 : i32
      %broadcast_in_dim3A = arith.constant 0.000000e+00 : f32
      %broadcast_in_dim3A_87 = vector.broadcast %broadcast_in_dim3A : f32 to vector<16xf32>
      %swap3A = arith.index_cast %add3A_86 : i32 to index
      %swap3A_88 = arith.constant 0 : index
      %swap3A_89 = tpu.vector_load %arg7[%swap3A, %swap3A_88] {strides = array<i32>} : memref<128x128xf32, #tpu.memory_space<vmem>>, vector<1x16xf32>,
      %swap3A_90 = vector.shape_cast %swap3A_89 : vector<1x16xf32> to vector<16xf32>
      %swap3A_91 = vector.shape_cast %broadcast_in_dim3A_87 : vector<16xf32> to vector<1x16xf32>
      tpu.vector_store %arg7[%swap3A, %swap3A_88], %swap3A_91 {strides = array<i32>} : memref<128x128xf32, #tpu.memory_space<vmem>>, vector<1x16xf32>,
      %broadcast_in_dim3A_92 = arith.constant 0.000000e+00 : f32
      %broadcast_in_dim3A_93 = vector.broadcast %broadcast_in_dim3A_92 : f32 to vector<16xf32>
      %swap3A_94 = arith.index_cast %add3A_86 : i32 to index
      %swap3A_95 = arith.constant 16 : index
      %swap3A_96 = tpu.vector_load %arg7[%swap3A_94, %swap3A_95] {strides = array<i32>} : memref<128x128xf32, #tpu.memory_space<vmem>>, vector<1x16xf32>,
      %swap3A_97 = vector.shape_cast %swap3A_96 : vector<1x16xf32> to vector<16xf32>
      %swap3A_98 = vector.shape_cast %broadcast_in_dim3A_93 : vector<16xf32> to vector<1x16xf32>
      tpu.vector_store %arg7[%swap3A_94, %swap3A_95], %swap3A_98 {strides = array<i32>} : memref<128x128xf32, #tpu.memory_space<vmem>>, vector<1x16xf32>,
      %broadcast_in_dim3A_99 = arith.constant 0.000000e+00 : f32
      %broadcast_in_dim3A_100 = vector.broadcast %broadcast_in_dim3A_99 : f32 to vector<16xf32>
      %swap3A_101 = arith.index_cast %add3A_86 : i32 to index
      %swap3A_102 = arith.constant 32 : index
      %swap3A_103 = tpu.vector_load %arg7[%swap3A_101, %swap3A_102] {strides = array<i32>} : memref<128x128xf32, #tpu.memory_space<vmem>>, vector<1x16xf32>,
      %swap3A_104 = vector.shape_cast %swap3A_103 : vector<1x16xf32> to vector<16xf32>
      %swap3A_105 = vector.shape_cast %broadcast_in_dim3A_100 : vector<16xf32> to vector<1x16xf32>
      tpu.vector_store %arg7[%swap3A_101, %swap3A_102], %swap3A_105 {strides = array<i32>} : memref<128x128xf32, #tpu.memory_space<vmem>>, vector<1x16xf32>,
      %broadcast_in_dim3A_106 = arith.constant 0.000000e+00 : f32
      %broadcast_in_dim3A_107 = vector.broadcast %broadcast_in_dim3A_106 : f32 to vector<16xf32>
      %swap3A_108 = arith.index_cast %add3A_86 : i32 to index
      %swap3A_109 = arith.constant 48 : index
      %swap3A_110 = tpu.vector_load %arg7[%swap3A_108, %swap3A_109] {strides = array<i32>} : memref<128x128xf32, #tpu.memory_space<vmem>>, vector<1x16xf32>,
      %swap3A_111 = vector.shape_cast %swap3A_110 : vector<1x16xf32> to vector<16xf32>
      %swap3A_112 = vector.shape_cast %broadcast_in_dim3A_107 : vector<16xf32> to vector<1x16xf32>
      tpu.vector_store %arg7[%swap3A_108, %swap3A_109], %swap3A_112 {strides = array<i32>} : memref<128x128xf32, #tpu.memory_space<vmem>>, vector<1x16xf32>,
      %broadcast_in_dim3A_113 = arith.constant 0.000000e+00 : f32
      %broadcast_in_dim3A_114 = vector.broadcast %broadcast_in_dim3A_113 : f32 to vector<16xf32>
      %swap3A_115 = arith.index_cast %add3A_86 : i32 to index
      %swap3A_116 = arith.constant 64 : index
      %swap3A_117 = tpu.vector_load %arg7[%swap3A_115, %swap3A_116] {strides = array<i32>} : memref<128x128xf32, #tpu.memory_space<vmem>>, vector<1x16xf32>,
      %swap3A_118 = vector.shape_cast %swap3A_117 : vector<1x16xf32> to vector<16xf32>
      %swap3A_119 = vector.shape_cast %broadcast_in_dim3A_114 : vector<16xf32> to vector<1x16xf32>
      tpu.vector_store %arg7[%swap3A_115, %swap3A_116], %swap3A_119 {strides = array<i32>} : memref<128x128xf32, #tpu.memory_space<vmem>>, vector<1x16xf32>,
      %broadcast_in_dim3A_120 = arith.constant 0.000000e+00 : f32
      %broadcast_in_dim3A_121 = vector.broadcast %broadcast_in_dim3A_120 : f32 to vector<16xf32>
      %swap3A_122 = arith.index_cast %add3A_86 : i32 to index
      %swap3A_123 = arith.constant 80 : index
      %swap3A_124 = tpu.vector_load %arg7[%swap3A_122, %swap3A_123] {strides = array<i32>} : memref<128x128xf32, #tpu.memory_space<vmem>>, vector<1x16xf32>,
      %swap3A_125 = vector.shape_cast %swap3A_124 : vector<1x16xf32> to vector<16xf32>
      %swap3A_126 = vector.shape_cast %broadcast_in_dim3A_121 : vector<16xf32> to vector<1x16xf32>
      tpu.vector_store %arg7[%swap3A_122, %swap3A_123], %swap3A_126 {strides = array<i32>} : memref<128x128xf32, #tpu.memory_space<vmem>>, vector<1x16xf32>,
      %broadcast_in_dim3A_127 = arith.constant 0.000000e+00 : f32
      %broadcast_in_dim3A_128 = vector.broadcast %broadcast_in_dim3A_127 : f32 to vector<16xf32>
      %swap3A_129 = arith.index_cast %add3A_86 : i32 to index
      %swap3A_130 = arith.constant 96 : index
      %swap3A_131 = tpu.vector_load %arg7[%swap3A_129, %swap3A_130] {strides = array<i32>} : memref<128x128xf32, #tpu.memory_space<vmem>>, vector<1x16xf32>,
      %swap3A_132 = vector.shape_cast %swap3A_131 : vector<1x16xf32> to vector<16xf32>
      %swap3A_133 = vector.shape_cast %broadcast_in_dim3A_128 : vector<16xf32> to vector<1x16xf32>
      tpu.vector_store %arg7[%swap3A_129, %swap3A_130], %swap3A_133 {strides = array<i32>} : memref<128x128xf32, #tpu.memory_space<vmem>>, vector<1x16xf32>,
      %broadcast_in_dim3A_134 = arith.constant 0.000000e+00 : f32
      %broadcast_in_dim3A_135 = vector.broadcast %broadcast_in_dim3A_134 : f32 to vector<16xf32>
      %swap3A_136 = arith.index_cast %add3A_86 : i32 to index
      %swap3A_137 = arith.constant 112 : index
      %swap3A_138 = tpu.vector_load %arg7[%swap3A_136, %swap3A_137] {strides = array<i32>} : memref<128x128xf32, #tpu.memory_space<vmem>>, vector<1x16xf32>,
      %swap3A_139 = vector.shape_cast %swap3A_138 : vector<1x16xf32> to vector<16xf32>
      %swap3A_140 = vector.shape_cast %broadcast_in_dim3A_135 : vector<16xf32> to vector<1x16xf32>
      tpu.vector_store %arg7[%swap3A_136, %swap3A_137], %swap3A_140 {strides = array<i32>} : memref<128x128xf32, #tpu.memory_space<vmem>>, vector<1x16xf32>,
    }
    %scan3A_4 = arith.constant 128 : i32
    %scan3A_5 = arith.constant 0 : i32
    %scan3A_6 = arith.constant 5 : i32
    %scan3A_7 = arith.addi %scan3A_5, %scan3A_6 : i32
    %scan3A_8 = arith.constant 1 : i32
    scf.for %scan3A_82 = %scan3A_5 to %scan3A_7 step %scan3A_8  : i32 {
      %mul3A_83 = arith.constant 1 : i32
      %mul3A_84 = arith.muli %scan3A_82, %mul3A_83 : i32
      %add3A_85 = arith.constant 0 : i32
      %add3A_86 = arith.addi %add3A_85, %mul3A_84 : i32
      %mul3A_87 = arith.constant 640 : i32
      %mul3A_88 = arith.muli %arg1, %mul3A_87 : i32
      %mul3A_89 = arith.constant 128 : i32
      %mul3A_90 = arith.muli %add3A_86, %mul3A_89 : i32
      %add3A_91 = arith.addi %mul3A_88, %mul3A_90 : i32
      "tpu.region"() ({
        %run_scoped3A_92 = tpu.sem_alloc : memref<!tpu.dma_semaphore, #tpu.memory_space<semaphore_mem>>
        %dma_start3A_93 = arith.constant 0 : i32
        %dma_start3A_94 = tpu.memref_slice %arg9[%add3A_91, %dma_start3A_93] : memref<10240x128xf32, #tpu.memory_space<vmem_shared>> -> memref<128x128xf32, #tpu.memory_space<vmem_shared>>
        %dma_start3A_95 = arith.constant 0 : i32
        %dma_start3A_96 = tpu.memref_slice %arg9[%add3A_91, %dma_start3A_95] : memref<10240x128xf32, #tpu.memory_space<vmem_shared>> -> memref<128x128xf32, #tpu.memory_space<vmem_shared>>
        tpu.enqueue_dma source(%arg7 : memref<128x128xf32, #tpu.memory_space<vmem>>) target(%dma_start3A_96 : memref<128x128xf32, #tpu.memory_space<vmem_shared>>) target_semaphore(%run_scoped3A_92 : memref<!tpu.dma_semaphore, #tpu.memory_space<semaphore_mem>>)
        %dma_wait3A_97 = arith.constant 0 : i32
        %dma_wait3A_98 = tpu.memref_slice %arg9[%add3A_91, %dma_wait3A_97] : memref<10240x128xf32, #tpu.memory_space<vmem_shared>> -> memref<128x128xf32, #tpu.memory_space<vmem_shared>>
        %dma_wait3A_99 = arith.constant 0 : i32
        %dma_wait3A_100 = tpu.memref_slice %arg9[%add3A_91, %dma_wait3A_99] : memref<10240x128xf32, #tpu.memory_space<vmem_shared>> -> memref<128x128xf32, #tpu.memory_space<vmem_shared>>
        tpu.wait_dma2 semaphore(%run_scoped3A_92 : memref<!tpu.dma_semaphore, #tpu.memory_space<semaphore_mem>>) src(%arg7 : memref<128x128xf32, #tpu.memory_space<vmem>>) dst(%dma_wait3A_100 : memref<128x128xf32, #tpu.memory_space<vmem_shared>>)
        tpu.yield
      }) : () -> ()
    }
    %scan3A_9 = arith.constant 5 : i32
    %barrier3A = arith.constant 0 : index
    tpu.barrier barrier_id(%barrier3A)
    %run_scoped3A = arith.constant 0 : i32
    "tpu.region"() ({
      %run_scoped3A_82 = tpu.sem_alloc : memref<!tpu.dma_semaphore, #tpu.memory_space<semaphore_mem>>
      %dma_start3A_83 = arith.constant 0 : i32
      %dma_start3A_84 = arith.constant 0 : i32
      %dma_start3A_85 = tpu.memref_slice %arg3[%run_scoped3A, %add3A, %dma_start3A_83, %dma_start3A_84] : memref<2x32x80x128xi32, #tpu.memory_space<hbm>> -> memref<1x1x40x128xi32, #tpu.memory_space<hbm>>
      %dma_start3A_86 = tpu.memref_squeeze %dma_start3A_85 : memref<1x1x40x128xi32, #tpu.memory_space<hbm>> -> memref<40x128xi32, #tpu.memory_space<hbm>>
      %dma_start3A_87 = arith.constant 0 : i32
      %dma_start3A_88 = arith.constant 0 : i32
      %dma_start3A_89 = tpu.memref_slice %arg3[%run_scoped3A, %add3A, %dma_start3A_87, %dma_start3A_88] : memref<2x32x80x128xi32, #tpu.memory_space<hbm>> -> memref<1x1x40x128xi32, #tpu.memory_space<hbm>>
      %dma_start3A_90 = tpu.memref_squeeze %dma_start3A_89 : memref<1x1x40x128xi32, #tpu.memory_space<hbm>> -> memref<40x128xi32, #tpu.memory_space<hbm>>
      tpu.enqueue_dma source(%dma_start3A_90 : memref<40x128xi32, #tpu.memory_space<hbm>>) target(%arg5 : memref<40x128xi32, #tpu.memory_space<vmem>>) target_semaphore(%run_scoped3A_82 : memref<!tpu.dma_semaphore, #tpu.memory_space<semaphore_mem>>)
      %dma_wait3A_91 = arith.constant 0 : i32
      %dma_wait3A_92 = arith.constant 0 : i32
      %dma_wait3A_93 = tpu.memref_slice %arg3[%run_scoped3A, %add3A, %dma_wait3A_91, %dma_wait3A_92] : memref<2x32x80x128xi32, #tpu.memory_space<hbm>> -> memref<1x1x40x128xi32, #tpu.memory_space<hbm>>
      %dma_wait3A_94 = tpu.memref_squeeze %dma_wait3A_93 : memref<1x1x40x128xi32, #tpu.memory_space<hbm>> -> memref<40x128xi32, #tpu.memory_space<hbm>>
      %dma_wait3A_95 = arith.constant 0 : i32
      %dma_wait3A_96 = arith.constant 0 : i32
      %dma_wait3A_97 = tpu.memref_slice %arg3[%run_scoped3A, %add3A, %dma_wait3A_95, %dma_wait3A_96] : memref<2x32x80x128xi32, #tpu.memory_space<hbm>> -> memref<1x1x40x128xi32, #tpu.memory_space<hbm>>
      %dma_wait3A_98 = tpu.memref_squeeze %dma_wait3A_97 : memref<1x1x40x128xi32, #tpu.memory_space<hbm>> -> memref<40x128xi32, #tpu.memory_space<hbm>>
      tpu.wait_dma2 semaphore(%run_scoped3A_82 : memref<!tpu.dma_semaphore, #tpu.memory_space<semaphore_mem>>) src(%dma_wait3A_98 : memref<40x128xi32, #tpu.memory_space<hbm>>) dst(%arg5 : memref<40x128xi32, #tpu.memory_space<vmem>>)
      tpu.yield
    }) : () -> ()
    %run_scoped3A_10 = arith.constant 1 : i32
    "tpu.region"() ({
      %run_scoped3A_82 = tpu.sem_alloc : memref<!tpu.dma_semaphore, #tpu.memory_space<semaphore_mem>>
      %dma_start3A_83 = arith.constant 0 : i32
      %dma_start3A_84 = arith.constant 0 : i32
      %dma_start3A_85 = tpu.memref_slice %arg3[%run_scoped3A_10, %add3A, %dma_start3A_83, %dma_start3A_84] : memref<2x32x80x128xi32, #tpu.memory_space<hbm>> -> memref<1x1x40x128xi32, #tpu.memory_space<hbm>>
      %dma_start3A_86 = tpu.memref_squeeze %dma_start3A_85 : memref<1x1x40x128xi32, #tpu.memory_space<hbm>> -> memref<40x128xi32, #tpu.memory_space<hbm>>
      %dma_start3A_87 = arith.constant 0 : i32
      %dma_start3A_88 = arith.constant 0 : i32
      %dma_start3A_89 = tpu.memref_slice %arg3[%run_scoped3A_10, %add3A, %dma_start3A_87, %dma_start3A_88] : memref<2x32x80x128xi32, #tpu.memory_space<hbm>> -> memref<1x1x40x128xi32, #tpu.memory_space<hbm>>
      %dma_start3A_90 = tpu.memref_squeeze %dma_start3A_89 : memref<1x1x40x128xi32, #tpu.memory_space<hbm>> -> memref<40x128xi32, #tpu.memory_space<hbm>>
      tpu.enqueue_dma source(%dma_start3A_90 : memref<40x128xi32, #tpu.memory_space<hbm>>) target(%arg6 : memref<40x128xi32, #tpu.memory_space<vmem>>) target_semaphore(%run_scoped3A_82 : memref<!tpu.dma_semaphore, #tpu.memory_space<semaphore_mem>>)
      %dma_wait3A_91 = arith.constant 0 : i32
      %dma_wait3A_92 = arith.constant 0 : i32
      %dma_wait3A_93 = tpu.memref_slice %arg3[%run_scoped3A_10, %add3A, %dma_wait3A_91, %dma_wait3A_92] : memref<2x32x80x128xi32, #tpu.memory_space<hbm>> -> memref<1x1x40x128xi32, #tpu.memory_space<hbm>>
      %dma_wait3A_94 = tpu.memref_squeeze %dma_wait3A_93 : memref<1x1x40x128xi32, #tpu.memory_space<hbm>> -> memref<40x128xi32, #tpu.memory_space<hbm>>
      %dma_wait3A_95 = arith.constant 0 : i32
      %dma_wait3A_96 = arith.constant 0 : i32
      %dma_wait3A_97 = tpu.memref_slice %arg3[%run_scoped3A_10, %add3A, %dma_wait3A_95, %dma_wait3A_96] : memref<2x32x80x128xi32, #tpu.memory_space<hbm>> -> memref<1x1x40x128xi32, #tpu.memory_space<hbm>>
      %dma_wait3A_98 = tpu.memref_squeeze %dma_wait3A_97 : memref<1x1x40x128xi32, #tpu.memory_space<hbm>> -> memref<40x128xi32, #tpu.memory_space<hbm>>
      tpu.wait_dma2 semaphore(%run_scoped3A_82 : memref<!tpu.dma_semaphore, #tpu.memory_space<semaphore_mem>>) src(%dma_wait3A_98 : memref<40x128xi32, #tpu.memory_space<hbm>>) dst(%arg6 : memref<40x128xi32, #tpu.memory_space<vmem>>)
      tpu.yield
    }) : () -> ()
    %dma_start3A = arith.constant 0 : i32
    %dma_start3A_11 = arith.constant 0 : i32
    %dma_start3A_12 = tpu.memref_slice %arg5[%dma_start3A, %dma_start3A_11] : memref<40x128xi32, #tpu.memory_space<vmem>> -> memref<1x128xi32, #tpu.memory_space<vmem>>
    %dma_start3A_13 = tpu.memref_squeeze %dma_start3A_12 : memref<1x128xi32, #tpu.memory_space<vmem>> -> memref<128xi32, #tpu.memory_space<vmem>>
    %dma_start3A_14 = arith.constant 0 : i32
    %dma_start3A_15 = arith.constant 0 : i32
    %dma_start3A_16 = tpu.memref_slice %arg2[%dma_start3A_14, %dma_start3A_15] : memref<10000x128xf32, #tpu.memory_space<hbm>> -> memref<10000x128xf32, #tpu.memory_space<hbm>>
    tpu.enqueue_indirect_dma source(%dma_start3A_16 : memref<10000x128xf32, #tpu.memory_space<hbm>>) target(%arg7 : memref<128x128xf32, #tpu.memory_space<vmem>>) offsets(%dma_start3A_13 : memref<128xi32, #tpu.memory_space<vmem>>) semaphore(%arg10 : memref<!tpu.dma_semaphore, #tpu.memory_space<semaphore_mem>>)
    %dma_start3A_17 = arith.constant 1 : i32
    %dma_start3A_18 = arith.constant 0 : i32
    %dma_start3A_19 = tpu.memref_slice %arg5[%dma_start3A_17, %dma_start3A_18] : memref<40x128xi32, #tpu.memory_space<vmem>> -> memref<1x128xi32, #tpu.memory_space<vmem>>
    %dma_start3A_20 = tpu.memref_squeeze %dma_start3A_19 : memref<1x128xi32, #tpu.memory_space<vmem>> -> memref<128xi32, #tpu.memory_space<vmem>>
    %dma_start3A_21 = arith.constant 0 : i32
    %dma_start3A_22 = arith.constant 0 : i32
    %dma_start3A_23 = tpu.memref_slice %arg2[%dma_start3A_21, %dma_start3A_22] : memref<10000x128xf32, #tpu.memory_space<hbm>> -> memref<10000x128xf32, #tpu.memory_space<hbm>>
    tpu.enqueue_indirect_dma source(%dma_start3A_23 : memref<10000x128xf32, #tpu.memory_space<hbm>>) target(%arg8 : memref<128x128xf32, #tpu.memory_space<vmem>>) offsets(%dma_start3A_20 : memref<128xi32, #tpu.memory_space<vmem>>) semaphore(%arg11 : memref<!tpu.dma_semaphore, #tpu.memory_space<semaphore_mem>>)
    %scan3A_24 = arith.constant 0 : i32
    %scan3A_25 = arith.constant 20 : i32
    %scan3A_26 = arith.addi %scan3A_24, %scan3A_25 : i32
    %scan3A_27 = arith.constant 1 : i32
    scf.for %scan3A_82 = %scan3A_24 to %scan3A_26 step %scan3A_27  : i32 {
      %mul3A_83 = arith.constant 2 : i32
      %mul3A_84 = arith.muli %scan3A_82, %mul3A_83 : i32
      %add3A_85 = arith.constant 0 : i32
      %add3A_86 = arith.addi %add3A_85, %mul3A_84 : i32
      %dma_wait3A_87 = arith.constant 0 : i32
      %dma_wait3A_88 = tpu.memref_slice %arg5[%add3A_86, %dma_wait3A_87] : memref<40x128xi32, #tpu.memory_space<vmem>> -> memref<1x128xi32, #tpu.memory_space<vmem>>
      %dma_wait3A_89 = tpu.memref_squeeze %dma_wait3A_88 : memref<1x128xi32, #tpu.memory_space<vmem>> -> memref<128xi32, #tpu.memory_space<vmem>>
      %dma_wait3A_90 = arith.constant 0 : i32
      %dma_wait3A_91 = arith.constant 0 : i32
      %dma_wait3A_92 = tpu.memref_slice %arg2[%dma_wait3A_90, %dma_wait3A_91] : memref<10000x128xf32, #tpu.memory_space<hbm>> -> memref<10000x128xf32, #tpu.memory_space<hbm>>
      tpu.wait_indirect_dma semaphore(%arg10 : memref<!tpu.dma_semaphore, #tpu.memory_space<semaphore_mem>>) src(%dma_wait3A_92 : memref<10000x128xf32, #tpu.memory_space<hbm>>) dst(%arg7 : memref<128x128xf32, #tpu.memory_space<vmem>>)
      %dma_start3A_93 = arith.constant 0 : i32
      %dma_start3A_94 = tpu.memref_slice %arg6[%add3A_86, %dma_start3A_93] : memref<40x128xi32, #tpu.memory_space<vmem>> -> memref<1x128xi32, #tpu.memory_space<vmem>>
      %dma_start3A_95 = tpu.memref_squeeze %dma_start3A_94 : memref<1x128xi32, #tpu.memory_space<vmem>> -> memref<128xi32, #tpu.memory_space<vmem>>
      %dma_start3A_96 = arith.constant 0 : i32
      %dma_start3A_97 = arith.constant 0 : i32
      %dma_start3A_98 = tpu.memref_slice %arg9[%dma_start3A_96, %dma_start3A_97] : memref<10240x128xf32, #tpu.memory_space<vmem_shared>> -> memref<10240x128xf32, #tpu.memory_space<vmem_shared>>
      tpu.enqueue_indirect_dma source(%arg7 : memref<128x128xf32, #tpu.memory_space<vmem>>) target(%dma_start3A_98 : memref<10240x128xf32, #tpu.memory_space<vmem_shared>>) offsets(%dma_start3A_95 : memref<128xi32, #tpu.memory_space<vmem>>) semaphore(%arg12 : memref<!tpu.dma_semaphore, #tpu.memory_space<semaphore_mem>>) {add = true}
      %add3A_99 = arith.constant 2 : i32
      %add3A_100 = arith.addi %add3A_86, %add3A_99 : i32
      %lt3A = arith.constant 40 : i32
      %lt3A_101 = arith.cmpi slt, %add3A_100, %lt3A : i32
      %convert_element_type3A = arith.extui %lt3A_101 : i1 to i32
      %cond3A = arith.constant 0 : i32
      %cond3A_102 = arith.cmpi ne, %convert_element_type3A, %cond3A : i32
      scf.if %cond3A_102 {
        %dma_wait3A_126 = arith.constant 0 : i32
        %dma_wait3A_127 = tpu.memref_slice %arg6[%add3A_86, %dma_wait3A_126] : memref<40x128xi32, #tpu.memory_space<vmem>> -> memref<1x128xi32, #tpu.memory_space<vmem>>
        %dma_wait3A_128 = tpu.memref_squeeze %dma_wait3A_127 : memref<1x128xi32, #tpu.memory_space<vmem>> -> memref<128xi32, #tpu.memory_space<vmem>>
        %dma_wait3A_129 = arith.constant 0 : i32
        %dma_wait3A_130 = arith.constant 0 : i32
        %dma_wait3A_131 = tpu.memref_slice %arg9[%dma_wait3A_129, %dma_wait3A_130] : memref<10240x128xf32, #tpu.memory_space<vmem_shared>> -> memref<10240x128xf32, #tpu.memory_space<vmem_shared>>
        tpu.wait_indirect_dma semaphore(%arg12 : memref<!tpu.dma_semaphore, #tpu.memory_space<semaphore_mem>>) src(%arg7 : memref<128x128xf32, #tpu.memory_space<vmem>>) dst(%dma_wait3A_131 : memref<10240x128xf32, #tpu.memory_space<vmem_shared>>)
        %add3A_132 = arith.constant 2 : i32
        %add3A_133 = arith.addi %add3A_86, %add3A_132 : i32
        %dma_start3A_134 = arith.constant 0 : i32
        %dma_start3A_135 = tpu.memref_slice %arg5[%add3A_133, %dma_start3A_134] : memref<40x128xi32, #tpu.memory_space<vmem>> -> memref<1x128xi32, #tpu.memory_space<vmem>>
        %dma_start3A_136 = tpu.memref_squeeze %dma_start3A_135 : memref<1x128xi32, #tpu.memory_space<vmem>> -> memref<128xi32, #tpu.memory_space<vmem>>
        %dma_start3A_137 = arith.constant 0 : i32
        %dma_start3A_138 = arith.constant 0 : i32
        %dma_start3A_139 = tpu.memref_slice %arg2[%dma_start3A_137, %dma_start3A_138] : memref<10000x128xf32, #tpu.memory_space<hbm>> -> memref<10000x128xf32, #tpu.memory_space<hbm>>
        tpu.enqueue_indirect_dma source(%dma_start3A_139 : memref<10000x128xf32, #tpu.memory_space<hbm>>) target(%arg7 : memref<128x128xf32, #tpu.memory_space<vmem>>) offsets(%dma_start3A_136 : memref<128xi32, #tpu.memory_space<vmem>>) semaphore(%arg10 : memref<!tpu.dma_semaphore, #tpu.memory_space<semaphore_mem>>)
      } else {
      }
      %add3A_103 = arith.constant 1 : i32
      %add3A_104 = arith.addi %add3A_86, %add3A_103 : i32
      %dma_wait3A_105 = arith.constant 0 : i32
      %dma_wait3A_106 = tpu.memref_slice %arg5[%add3A_104, %dma_wait3A_105] : memref<40x128xi32, #tpu.memory_space<vmem>> -> memref<1x128xi32, #tpu.memory_space<vmem>>
      %dma_wait3A_107 = tpu.memref_squeeze %dma_wait3A_106 : memref<1x128xi32, #tpu.memory_space<vmem>> -> memref<128xi32, #tpu.memory_space<vmem>>
      %dma_wait3A_108 = arith.constant 0 : i32
      %dma_wait3A_109 = arith.constant 0 : i32
      %dma_wait3A_110 = tpu.memref_slice %arg2[%dma_wait3A_108, %dma_wait3A_109] : memref<10000x128xf32, #tpu.memory_space<hbm>> -> memref<10000x128xf32, #tpu.memory_space<hbm>>
      tpu.wait_indirect_dma semaphore(%arg11 : memref<!tpu.dma_semaphore, #tpu.memory_space<semaphore_mem>>) src(%dma_wait3A_110 : memref<10000x128xf32, #tpu.memory_space<hbm>>) dst(%arg8 : memref<128x128xf32, #tpu.memory_space<vmem>>)
      %add3A_111 = arith.constant 1 : i32
      %add3A_112 = arith.addi %add3A_86, %add3A_111 : i32
      %dma_start3A_113 = arith.constant 0 : i32
      %dma_start3A_114 = tpu.memref_slice %arg6[%add3A_112, %dma_start3A_113] : memref<40x128xi32, #tpu.memory_space<vmem>> -> memref<1x128xi32, #tpu.memory_space<vmem>>
      %dma_start3A_115 = tpu.memref_squeeze %dma_start3A_114 : memref<1x128xi32, #tpu.memory_space<vmem>> -> memref<128xi32, #tpu.memory_space<vmem>>
      %dma_start3A_116 = arith.constant 0 : i32
      %dma_start3A_117 = arith.constant 0 : i32
      %dma_start3A_118 = tpu.memref_slice %arg9[%dma_start3A_116, %dma_start3A_117] : memref<10240x128xf32, #tpu.memory_space<vmem_shared>> -> memref<10240x128xf32, #tpu.memory_space<vmem_shared>>
      tpu.enqueue_indirect_dma source(%arg8 : memref<128x128xf32, #tpu.memory_space<vmem>>) target(%dma_start3A_118 : memref<10240x128xf32, #tpu.memory_space<vmem_shared>>) offsets(%dma_start3A_115 : memref<128xi32, #tpu.memory_space<vmem>>) semaphore(%arg13 : memref<!tpu.dma_semaphore, #tpu.memory_space<semaphore_mem>>) {add = true}
      %add3A_119 = arith.constant 3 : i32
      %add3A_120 = arith.addi %add3A_86, %add3A_119 : i32
      %lt3A_121 = arith.constant 40 : i32
      %lt3A_122 = arith.cmpi slt, %add3A_120, %lt3A_121 : i32
      %convert_element_type3A_123 = arith.extui %lt3A_122 : i1 to i32
      %cond3A_124 = arith.constant 0 : i32
      %cond3A_125 = arith.cmpi ne, %convert_element_type3A_123, %cond3A_124 : i32
      scf.if %cond3A_125 {
        %add3A_126 = arith.constant 1 : i32
        %add3A_127 = arith.addi %add3A_86, %add3A_126 : i32
        %dma_wait3A_128 = arith.constant 0 : i32
        %dma_wait3A_129 = tpu.memref_slice %arg6[%add3A_127, %dma_wait3A_128] : memref<40x128xi32, #tpu.memory_space<vmem>> -> memref<1x128xi32, #tpu.memory_space<vmem>>
        %dma_wait3A_130 = tpu.memref_squeeze %dma_wait3A_129 : memref<1x128xi32, #tpu.memory_space<vmem>> -> memref<128xi32, #tpu.memory_space<vmem>>
        %dma_wait3A_131 = arith.constant 0 : i32
        %dma_wait3A_132 = arith.constant 0 : i32
        %dma_wait3A_133 = tpu.memref_slice %arg9[%dma_wait3A_131, %dma_wait3A_132] : memref<10240x128xf32, #tpu.memory_space<vmem_shared>> -> memref<10240x128xf32, #tpu.memory_space<vmem_shared>>
        tpu.wait_indirect_dma semaphore(%arg13 : memref<!tpu.dma_semaphore, #tpu.memory_space<semaphore_mem>>) src(%arg8 : memref<128x128xf32, #tpu.memory_space<vmem>>) dst(%dma_wait3A_133 : memref<10240x128xf32, #tpu.memory_space<vmem_shared>>)
        %add3A_134 = arith.constant 3 : i32
        %add3A_135 = arith.addi %add3A_86, %add3A_134 : i32
        %dma_start3A_136 = arith.constant 0 : i32
        %dma_start3A_137 = tpu.memref_slice %arg5[%add3A_135, %dma_start3A_136] : memref<40x128xi32, #tpu.memory_space<vmem>> -> memref<1x128xi32, #tpu.memory_space<vmem>>
        %dma_start3A_138 = tpu.memref_squeeze %dma_start3A_137 : memref<1x128xi32, #tpu.memory_space<vmem>> -> memref<128xi32, #tpu.memory_space<vmem>>
        %dma_start3A_139 = arith.constant 0 : i32
        %dma_start3A_140 = arith.constant 0 : i32
        %dma_start3A_141 = tpu.memref_slice %arg2[%dma_start3A_139, %dma_start3A_140] : memref<10000x128xf32, #tpu.memory_space<hbm>> -> memref<10000x128xf32, #tpu.memory_space<hbm>>
        tpu.enqueue_indirect_dma source(%dma_start3A_141 : memref<10000x128xf32, #tpu.memory_space<hbm>>) target(%arg8 : memref<128x128xf32, #tpu.memory_space<vmem>>) offsets(%dma_start3A_138 : memref<128xi32, #tpu.memory_space<vmem>>) semaphore(%arg11 : memref<!tpu.dma_semaphore, #tpu.memory_space<semaphore_mem>>)
      } else {
      }
    }
    %scan3A_28 = arith.constant 20 : i32
    %dma_wait3A = arith.constant 38 : i32
    %dma_wait3A_29 = arith.constant 0 : i32
    %dma_wait3A_30 = tpu.memref_slice %arg6[%dma_wait3A, %dma_wait3A_29] : memref<40x128xi32, #tpu.memory_space<vmem>> -> memref<1x128xi32, #tpu.memory_space<vmem>>
    %dma_wait3A_31 = tpu.memref_squeeze %dma_wait3A_30 : memref<1x128xi32, #tpu.memory_space<vmem>> -> memref<128xi32, #tpu.memory_space<vmem>>
    %dma_wait3A_32 = arith.constant 0 : i32
    %dma_wait3A_33 = arith.constant 0 : i32
    %dma_wait3A_34 = tpu.memref_slice %arg9[%dma_wait3A_32, %dma_wait3A_33] : memref<10240x128xf32, #tpu.memory_space<vmem_shared>> -> memref<10240x128xf32, #tpu.memory_space<vmem_shared>>
    tpu.wait_indirect_dma semaphore(%arg12 : memref<!tpu.dma_semaphore, #tpu.memory_space<semaphore_mem>>) src(%arg7 : memref<128x128xf32, #tpu.memory_space<vmem>>) dst(%dma_wait3A_34 : memref<10240x128xf32, #tpu.memory_space<vmem_shared>>)
    %dma_wait3A_35 = arith.constant 39 : i32
    %dma_wait3A_36 = arith.constant 0 : i32
    %dma_wait3A_37 = tpu.memref_slice %arg6[%dma_wait3A_35, %dma_wait3A_36] : memref<40x128xi32, #tpu.memory_space<vmem>> -> memref<1x128xi32, #tpu.memory_space<vmem>>
    %dma_wait3A_38 = tpu.memref_squeeze %dma_wait3A_37 : memref<1x128xi32, #tpu.memory_space<vmem>> -> memref<128xi32, #tpu.memory_space<vmem>>
    %dma_wait3A_39 = arith.constant 0 : i32
    %dma_wait3A_40 = arith.constant 0 : i32
    %dma_wait3A_41 = tpu.memref_slice %arg9[%dma_wait3A_39, %dma_wait3A_40] : memref<10240x128xf32, #tpu.memory_space<vmem_shared>> -> memref<10240x128xf32, #tpu.memory_space<vmem_shared>>
    tpu.wait_indirect_dma semaphore(%arg13 : memref<!tpu.dma_semaphore, #tpu.memory_space<semaphore_mem>>) src(%arg8 : memref<128x128xf32, #tpu.memory_space<vmem>>) dst(%dma_wait3A_41 : memref<10240x128xf32, #tpu.memory_space<vmem_shared>>)
    %run_scoped3A_42 = arith.constant 0 : i32
    "tpu.region"() ({
      %run_scoped3A_82 = tpu.sem_alloc : memref<!tpu.dma_semaphore, #tpu.memory_space<semaphore_mem>>
      %dma_start3A_83 = arith.constant 40 : i32
      %dma_start3A_84 = arith.constant 0 : i32
      %dma_start3A_85 = tpu.memref_slice %arg3[%run_scoped3A_42, %add3A, %dma_start3A_83, %dma_start3A_84] : memref<2x32x80x128xi32, #tpu.memory_space<hbm>> -> memref<1x1x40x128xi32, #tpu.memory_space<hbm>>
      %dma_start3A_86 = tpu.memref_squeeze %dma_start3A_85 : memref<1x1x40x128xi32, #tpu.memory_space<hbm>> -> memref<40x128xi32, #tpu.memory_space<hbm>>
      %dma_start3A_87 = arith.constant 40 : i32
      %dma_start3A_88 = arith.constant 0 : i32
      %dma_start3A_89 = tpu.memref_slice %arg3[%run_scoped3A_42, %add3A, %dma_start3A_87, %dma_start3A_88] : memref<2x32x80x128xi32, #tpu.memory_space<hbm>> -> memref<1x1x40x128xi32, #tpu.memory_space<hbm>>
      %dma_start3A_90 = tpu.memref_squeeze %dma_start3A_89 : memref<1x1x40x128xi32, #tpu.memory_space<hbm>> -> memref<40x128xi32, #tpu.memory_space<hbm>>
      tpu.enqueue_dma source(%dma_start3A_90 : memref<40x128xi32, #tpu.memory_space<hbm>>) target(%arg5 : memref<40x128xi32, #tpu.memory_space<vmem>>) target_semaphore(%run_scoped3A_82 : memref<!tpu.dma_semaphore, #tpu.memory_space<semaphore_mem>>)
      %dma_wait3A_91 = arith.constant 40 : i32
      %dma_wait3A_92 = arith.constant 0 : i32
      %dma_wait3A_93 = tpu.memref_slice %arg3[%run_scoped3A_42, %add3A, %dma_wait3A_91, %dma_wait3A_92] : memref<2x32x80x128xi32, #tpu.memory_space<hbm>> -> memref<1x1x40x128xi32, #tpu.memory_space<hbm>>
      %dma_wait3A_94 = tpu.memref_squeeze %dma_wait3A_93 : memref<1x1x40x128xi32, #tpu.memory_space<hbm>> -> memref<40x128xi32, #tpu.memory_space<hbm>>
      %dma_wait3A_95 = arith.constant 40 : i32
      %dma_wait3A_96 = arith.constant 0 : i32
      %dma_wait3A_97 = tpu.memref_slice %arg3[%run_scoped3A_42, %add3A, %dma_wait3A_95, %dma_wait3A_96] : memref<2x32x80x128xi32, #tpu.memory_space<hbm>> -> memref<1x1x40x128xi32, #tpu.memory_space<hbm>>
      %dma_wait3A_98 = tpu.memref_squeeze %dma_wait3A_97 : memref<1x1x40x128xi32, #tpu.memory_space<hbm>> -> memref<40x128xi32, #tpu.memory_space<hbm>>
      tpu.wait_dma2 semaphore(%run_scoped3A_82 : memref<!tpu.dma_semaphore, #tpu.memory_space<semaphore_mem>>) src(%dma_wait3A_98 : memref<40x128xi32, #tpu.memory_space<hbm>>) dst(%arg5 : memref<40x128xi32, #tpu.memory_space<vmem>>)
      tpu.yield
    }) : () -> ()
    %run_scoped3A_43 = arith.constant 1 : i32
    "tpu.region"() ({
      %run_scoped3A_82 = tpu.sem_alloc : memref<!tpu.dma_semaphore, #tpu.memory_space<semaphore_mem>>
      %dma_start3A_83 = arith.constant 40 : i32
      %dma_start3A_84 = arith.constant 0 : i32
      %dma_start3A_85 = tpu.memref_slice %arg3[%run_scoped3A_43, %add3A, %dma_start3A_83, %dma_start3A_84] : memref<2x32x80x128xi32, #tpu.memory_space<hbm>> -> memref<1x1x40x128xi32, #tpu.memory_space<hbm>>
      %dma_start3A_86 = tpu.memref_squeeze %dma_start3A_85 : memref<1x1x40x128xi32, #tpu.memory_space<hbm>> -> memref<40x128xi32, #tpu.memory_space<hbm>>
      %dma_start3A_87 = arith.constant 40 : i32
      %dma_start3A_88 = arith.constant 0 : i32
      %dma_start3A_89 = tpu.memref_slice %arg3[%run_scoped3A_43, %add3A, %dma_start3A_87, %dma_start3A_88] : memref<2x32x80x128xi32, #tpu.memory_space<hbm>> -> memref<1x1x40x128xi32, #tpu.memory_space<hbm>>
      %dma_start3A_90 = tpu.memref_squeeze %dma_start3A_89 : memref<1x1x40x128xi32, #tpu.memory_space<hbm>> -> memref<40x128xi32, #tpu.memory_space<hbm>>
      tpu.enqueue_dma source(%dma_start3A_90 : memref<40x128xi32, #tpu.memory_space<hbm>>) target(%arg6 : memref<40x128xi32, #tpu.memory_space<vmem>>) target_semaphore(%run_scoped3A_82 : memref<!tpu.dma_semaphore, #tpu.memory_space<semaphore_mem>>)
      %dma_wait3A_91 = arith.constant 40 : i32
      %dma_wait3A_92 = arith.constant 0 : i32
      %dma_wait3A_93 = tpu.memref_slice %arg3[%run_scoped3A_43, %add3A, %dma_wait3A_91, %dma_wait3A_92] : memref<2x32x80x128xi32, #tpu.memory_space<hbm>> -> memref<1x1x40x128xi32, #tpu.memory_space<hbm>>
      %dma_wait3A_94 = tpu.memref_squeeze %dma_wait3A_93 : memref<1x1x40x128xi32, #tpu.memory_space<hbm>> -> memref<40x128xi32, #tpu.memory_space<hbm>>
      %dma_wait3A_95 = arith.constant 40 : i32
      %dma_wait3A_96 = arith.constant 0 : i32
      %dma_wait3A_97 = tpu.memref_slice %arg3[%run_scoped3A_43, %add3A, %dma_wait3A_95, %dma_wait3A_96] : memref<2x32x80x128xi32, #tpu.memory_space<hbm>> -> memref<1x1x40x128xi32, #tpu.memory_space<hbm>>
      %dma_wait3A_98 = tpu.memref_squeeze %dma_wait3A_97 : memref<1x1x40x128xi32, #tpu.memory_space<hbm>> -> memref<40x128xi32, #tpu.memory_space<hbm>>
      tpu.wait_dma2 semaphore(%run_scoped3A_82 : memref<!tpu.dma_semaphore, #tpu.memory_space<semaphore_mem>>) src(%dma_wait3A_98 : memref<40x128xi32, #tpu.memory_space<hbm>>) dst(%arg6 : memref<40x128xi32, #tpu.memory_space<vmem>>)
      tpu.yield
    }) : () -> ()
    %dma_start3A_44 = arith.constant 0 : i32
    %dma_start3A_45 = arith.constant 0 : i32
    %dma_start3A_46 = tpu.memref_slice %arg5[%dma_start3A_44, %dma_start3A_45] : memref<40x128xi32, #tpu.memory_space<vmem>> -> memref<1x128xi32, #tpu.memory_space<vmem>>
    %dma_start3A_47 = tpu.memref_squeeze %dma_start3A_46 : memref<1x128xi32, #tpu.memory_space<vmem>> -> memref<128xi32, #tpu.memory_space<vmem>>
    %dma_start3A_48 = arith.constant 0 : i32
    %dma_start3A_49 = arith.constant 0 : i32
    %dma_start3A_50 = tpu.memref_slice %arg2[%dma_start3A_48, %dma_start3A_49] : memref<10000x128xf32, #tpu.memory_space<hbm>> -> memref<10000x128xf32, #tpu.memory_space<hbm>>
    tpu.enqueue_indirect_dma source(%dma_start3A_50 : memref<10000x128xf32, #tpu.memory_space<hbm>>) target(%arg7 : memref<128x128xf32, #tpu.memory_space<vmem>>) offsets(%dma_start3A_47 : memref<128xi32, #tpu.memory_space<vmem>>) semaphore(%arg10 : memref<!tpu.dma_semaphore, #tpu.memory_space<semaphore_mem>>)
    %dma_start3A_51 = arith.constant 1 : i32
    %dma_start3A_52 = arith.constant 0 : i32
    %dma_start3A_53 = tpu.memref_slice %arg5[%dma_start3A_51, %dma_start3A_52] : memref<40x128xi32, #tpu.memory_space<vmem>> -> memref<1x128xi32, #tpu.memory_space<vmem>>
    %dma_start3A_54 = tpu.memref_squeeze %dma_start3A_53 : memref<1x128xi32, #tpu.memory_space<vmem>> -> memref<128xi32, #tpu.memory_space<vmem>>
    %dma_start3A_55 = arith.constant 0 : i32
    %dma_start3A_56 = arith.constant 0 : i32
    %dma_start3A_57 = tpu.memref_slice %arg2[%dma_start3A_55, %dma_start3A_56] : memref<10000x128xf32, #tpu.memory_space<hbm>> -> memref<10000x128xf32, #tpu.memory_space<hbm>>
    tpu.enqueue_indirect_dma source(%dma_start3A_57 : memref<10000x128xf32, #tpu.memory_space<hbm>>) target(%arg8 : memref<128x128xf32, #tpu.memory_space<vmem>>) offsets(%dma_start3A_54 : memref<128xi32, #tpu.memory_space<vmem>>) semaphore(%arg11 : memref<!tpu.dma_semaphore, #tpu.memory_space<semaphore_mem>>)
    %scan3A_58 = arith.constant 0 : i32
    %scan3A_59 = arith.constant 20 : i32
    %scan3A_60 = arith.addi %scan3A_58, %scan3A_59 : i32
    %scan3A_61 = arith.constant 1 : i32
    scf.for %scan3A_82 = %scan3A_58 to %scan3A_60 step %scan3A_61  : i32 {
      %mul3A_83 = arith.constant 2 : i32
      %mul3A_84 = arith.muli %scan3A_82, %mul3A_83 : i32
      %add3A_85 = arith.constant 0 : i32
      %add3A_86 = arith.addi %add3A_85, %mul3A_84 : i32
      %dma_wait3A_87 = arith.constant 0 : i32
      %dma_wait3A_88 = tpu.memref_slice %arg5[%add3A_86, %dma_wait3A_87] : memref<40x128xi32, #tpu.memory_space<vmem>> -> memref<1x128xi32, #tpu.memory_space<vmem>>
      %dma_wait3A_89 = tpu.memref_squeeze %dma_wait3A_88 : memref<1x128xi32, #tpu.memory_space<vmem>> -> memref<128xi32, #tpu.memory_space<vmem>>
      %dma_wait3A_90 = arith.constant 0 : i32
      %dma_wait3A_91 = arith.constant 0 : i32
      %dma_wait3A_92 = tpu.memref_slice %arg2[%dma_wait3A_90, %dma_wait3A_91] : memref<10000x128xf32, #tpu.memory_space<hbm>> -> memref<10000x128xf32, #tpu.memory_space<hbm>>
      tpu.wait_indirect_dma semaphore(%arg10 : memref<!tpu.dma_semaphore, #tpu.memory_space<semaphore_mem>>) src(%dma_wait3A_92 : memref<10000x128xf32, #tpu.memory_space<hbm>>) dst(%arg7 : memref<128x128xf32, #tpu.memory_space<vmem>>)
      %dma_start3A_93 = arith.constant 0 : i32
      %dma_start3A_94 = tpu.memref_slice %arg6[%add3A_86, %dma_start3A_93] : memref<40x128xi32, #tpu.memory_space<vmem>> -> memref<1x128xi32, #tpu.memory_space<vmem>>
      %dma_start3A_95 = tpu.memref_squeeze %dma_start3A_94 : memref<1x128xi32, #tpu.memory_space<vmem>> -> memref<128xi32, #tpu.memory_space<vmem>>
      %dma_start3A_96 = arith.constant 0 : i32
      %dma_start3A_97 = arith.constant 0 : i32
      %dma_start3A_98 = tpu.memref_slice %arg9[%dma_start3A_96, %dma_start3A_97] : memref<10240x128xf32, #tpu.memory_space<vmem_shared>> -> memref<10240x128xf32, #tpu.memory_space<vmem_shared>>
      tpu.enqueue_indirect_dma source(%arg7 : memref<128x128xf32, #tpu.memory_space<vmem>>) target(%dma_start3A_98 : memref<10240x128xf32, #tpu.memory_space<vmem_shared>>) offsets(%dma_start3A_95 : memref<128xi32, #tpu.memory_space<vmem>>) semaphore(%arg12 : memref<!tpu.dma_semaphore, #tpu.memory_space<semaphore_mem>>) {add = true}
      %add3A_99 = arith.constant 2 : i32
      %add3A_100 = arith.addi %add3A_86, %add3A_99 : i32
      %lt3A = arith.constant 40 : i32
      %lt3A_101 = arith.cmpi slt, %add3A_100, %lt3A : i32
      %convert_element_type3A = arith.extui %lt3A_101 : i1 to i32
      %cond3A = arith.constant 0 : i32
      %cond3A_102 = arith.cmpi ne, %convert_element_type3A, %cond3A : i32
      scf.if %cond3A_102 {
        %dma_wait3A_126 = arith.constant 0 : i32
        %dma_wait3A_127 = tpu.memref_slice %arg6[%add3A_86, %dma_wait3A_126] : memref<40x128xi32, #tpu.memory_space<vmem>> -> memref<1x128xi32, #tpu.memory_space<vmem>>
        %dma_wait3A_128 = tpu.memref_squeeze %dma_wait3A_127 : memref<1x128xi32, #tpu.memory_space<vmem>> -> memref<128xi32, #tpu.memory_space<vmem>>
        %dma_wait3A_129 = arith.constant 0 : i32
        %dma_wait3A_130 = arith.constant 0 : i32
        %dma_wait3A_131 = tpu.memref_slice %arg9[%dma_wait3A_129, %dma_wait3A_130] : memref<10240x128xf32, #tpu.memory_space<vmem_shared>> -> memref<10240x128xf32, #tpu.memory_space<vmem_shared>>
        tpu.wait_indirect_dma semaphore(%arg12 : memref<!tpu.dma_semaphore, #tpu.memory_space<semaphore_mem>>) src(%arg7 : memref<128x128xf32, #tpu.memory_space<vmem>>) dst(%dma_wait3A_131 : memref<10240x128xf32, #tpu.memory_space<vmem_shared>>)
        %add3A_132 = arith.constant 2 : i32
        %add3A_133 = arith.addi %add3A_86, %add3A_132 : i32
        %dma_start3A_134 = arith.constant 0 : i32
        %dma_start3A_135 = tpu.memref_slice %arg5[%add3A_133, %dma_start3A_134] : memref<40x128xi32, #tpu.memory_space<vmem>> -> memref<1x128xi32, #tpu.memory_space<vmem>>
        %dma_start3A_136 = tpu.memref_squeeze %dma_start3A_135 : memref<1x128xi32, #tpu.memory_space<vmem>> -> memref<128xi32, #tpu.memory_space<vmem>>
        %dma_start3A_137 = arith.constant 0 : i32
        %dma_start3A_138 = arith.constant 0 : i32
        %dma_start3A_139 = tpu.memref_slice %arg2[%dma_start3A_137, %dma_start3A_138] : memref<10000x128xf32, #tpu.memory_space<hbm>> -> memref<10000x128xf32, #tpu.memory_space<hbm>>
        tpu.enqueue_indirect_dma source(%dma_start3A_139 : memref<10000x128xf32, #tpu.memory_space<hbm>>) target(%arg7 : memref<128x128xf32, #tpu.memory_space<vmem>>) offsets(%dma_start3A_136 : memref<128xi32, #tpu.memory_space<vmem>>) semaphore(%arg10 : memref<!tpu.dma_semaphore, #tpu.memory_space<semaphore_mem>>)
      } else {
      }
      %add3A_103 = arith.constant 1 : i32
      %add3A_104 = arith.addi %add3A_86, %add3A_103 : i32
      %dma_wait3A_105 = arith.constant 0 : i32
      %dma_wait3A_106 = tpu.memref_slice %arg5[%add3A_104, %dma_wait3A_105] : memref<40x128xi32, #tpu.memory_space<vmem>> -> memref<1x128xi32, #tpu.memory_space<vmem>>
      %dma_wait3A_107 = tpu.memref_squeeze %dma_wait3A_106 : memref<1x128xi32, #tpu.memory_space<vmem>> -> memref<128xi32, #tpu.memory_space<vmem>>
      %dma_wait3A_108 = arith.constant 0 : i32
      %dma_wait3A_109 = arith.constant 0 : i32
      %dma_wait3A_110 = tpu.memref_slice %arg2[%dma_wait3A_108, %dma_wait3A_109] : memref<10000x128xf32, #tpu.memory_space<hbm>> -> memref<10000x128xf32, #tpu.memory_space<hbm>>
      tpu.wait_indirect_dma semaphore(%arg11 : memref<!tpu.dma_semaphore, #tpu.memory_space<semaphore_mem>>) src(%dma_wait3A_110 : memref<10000x128xf32, #tpu.memory_space<hbm>>) dst(%arg8 : memref<128x128xf32, #tpu.memory_space<vmem>>)
      %add3A_111 = arith.constant 1 : i32
      %add3A_112 = arith.addi %add3A_86, %add3A_111 : i32
      %dma_start3A_113 = arith.constant 0 : i32
      %dma_start3A_114 = tpu.memref_slice %arg6[%add3A_112, %dma_start3A_113] : memref<40x128xi32, #tpu.memory_space<vmem>> -> memref<1x128xi32, #tpu.memory_space<vmem>>
      %dma_start3A_115 = tpu.memref_squeeze %dma_start3A_114 : memref<1x128xi32, #tpu.memory_space<vmem>> -> memref<128xi32, #tpu.memory_space<vmem>>
      %dma_start3A_116 = arith.constant 0 : i32
      %dma_start3A_117 = arith.constant 0 : i32
      %dma_start3A_118 = tpu.memref_slice %arg9[%dma_start3A_116, %dma_start3A_117] : memref<10240x128xf32, #tpu.memory_space<vmem_shared>> -> memref<10240x128xf32, #tpu.memory_space<vmem_shared>>
      tpu.enqueue_indirect_dma source(%arg8 : memref<128x128xf32, #tpu.memory_space<vmem>>) target(%dma_start3A_118 : memref<10240x128xf32, #tpu.memory_space<vmem_shared>>) offsets(%dma_start3A_115 : memref<128xi32, #tpu.memory_space<vmem>>) semaphore(%arg13 : memref<!tpu.dma_semaphore, #tpu.memory_space<semaphore_mem>>) {add = true}
      %add3A_119 = arith.constant 3 : i32
      %add3A_120 = arith.addi %add3A_86, %add3A_119 : i32
      %lt3A_121 = arith.constant 40 : i32
      %lt3A_122 = arith.cmpi slt, %add3A_120, %lt3A_121 : i32
      %convert_element_type3A_123 = arith.extui %lt3A_122 : i1 to i32
      %cond3A_124 = arith.constant 0 : i32
      %cond3A_125 = arith.cmpi ne, %convert_element_type3A_123, %cond3A_124 : i32
      scf.if %cond3A_125 {
        %add3A_126 = arith.constant 1 : i32
        %add3A_127 = arith.addi %add3A_86, %add3A_126 : i32
        %dma_wait3A_128 = arith.constant 0 : i32
        %dma_wait3A_129 = tpu.memref_slice %arg6[%add3A_127, %dma_wait3A_128] : memref<40x128xi32, #tpu.memory_space<vmem>> -> memref<1x128xi32, #tpu.memory_space<vmem>>
        %dma_wait3A_130 = tpu.memref_squeeze %dma_wait3A_129 : memref<1x128xi32, #tpu.memory_space<vmem>> -> memref<128xi32, #tpu.memory_space<vmem>>
        %dma_wait3A_131 = arith.constant 0 : i32
        %dma_wait3A_132 = arith.constant 0 : i32
        %dma_wait3A_133 = tpu.memref_slice %arg9[%dma_wait3A_131, %dma_wait3A_132] : memref<10240x128xf32, #tpu.memory_space<vmem_shared>> -> memref<10240x128xf32, #tpu.memory_space<vmem_shared>>
        tpu.wait_indirect_dma semaphore(%arg13 : memref<!tpu.dma_semaphore, #tpu.memory_space<semaphore_mem>>) src(%arg8 : memref<128x128xf32, #tpu.memory_space<vmem>>) dst(%dma_wait3A_133 : memref<10240x128xf32, #tpu.memory_space<vmem_shared>>)
        %add3A_134 = arith.constant 3 : i32
        %add3A_135 = arith.addi %add3A_86, %add3A_134 : i32
        %dma_start3A_136 = arith.constant 0 : i32
        %dma_start3A_137 = tpu.memref_slice %arg5[%add3A_135, %dma_start3A_136] : memref<40x128xi32, #tpu.memory_space<vmem>> -> memref<1x128xi32, #tpu.memory_space<vmem>>
        %dma_start3A_138 = tpu.memref_squeeze %dma_start3A_137 : memref<1x128xi32, #tpu.memory_space<vmem>> -> memref<128xi32, #tpu.memory_space<vmem>>
        %dma_start3A_139 = arith.constant 0 : i32
        %dma_start3A_140 = arith.constant 0 : i32
        %dma_start3A_141 = tpu.memref_slice %arg2[%dma_start3A_139, %dma_start3A_140] : memref<10000x128xf32, #tpu.memory_space<hbm>> -> memref<10000x128xf32, #tpu.memory_space<hbm>>
        tpu.enqueue_indirect_dma source(%dma_start3A_141 : memref<10000x128xf32, #tpu.memory_space<hbm>>) target(%arg8 : memref<128x128xf32, #tpu.memory_space<vmem>>) offsets(%dma_start3A_138 : memref<128xi32, #tpu.memory_space<vmem>>) semaphore(%arg11 : memref<!tpu.dma_semaphore, #tpu.memory_space<semaphore_mem>>)
      } else {
      }
    }
    %scan3A_62 = arith.constant 20 : i32
    %dma_wait3A_63 = arith.constant 38 : i32
    %dma_wait3A_64 = arith.constant 0 : i32
    %dma_wait3A_65 = tpu.memref_slice %arg6[%dma_wait3A_63, %dma_wait3A_64] : memref<40x128xi32, #tpu.memory_space<vmem>> -> memref<1x128xi32, #tpu.memory_space<vmem>>
    %dma_wait3A_66 = tpu.memref_squeeze %dma_wait3A_65 : memref<1x128xi32, #tpu.memory_space<vmem>> -> memref<128xi32, #tpu.memory_space<vmem>>
    %dma_wait3A_67 = arith.constant 0 : i32
    %dma_wait3A_68 = arith.constant 0 : i32
    %dma_wait3A_69 = tpu.memref_slice %arg9[%dma_wait3A_67, %dma_wait3A_68] : memref<10240x128xf32, #tpu.memory_space<vmem_shared>> -> memref<10240x128xf32, #tpu.memory_space<vmem_shared>>
    tpu.wait_indirect_dma semaphore(%arg12 : memref<!tpu.dma_semaphore, #tpu.memory_space<semaphore_mem>>) src(%arg7 : memref<128x128xf32, #tpu.memory_space<vmem>>) dst(%dma_wait3A_69 : memref<10240x128xf32, #tpu.memory_space<vmem_shared>>)
    %dma_wait3A_70 = arith.constant 39 : i32
    %dma_wait3A_71 = arith.constant 0 : i32
    %dma_wait3A_72 = tpu.memref_slice %arg6[%dma_wait3A_70, %dma_wait3A_71] : memref<40x128xi32, #tpu.memory_space<vmem>> -> memref<1x128xi32, #tpu.memory_space<vmem>>
    %dma_wait3A_73 = tpu.memref_squeeze %dma_wait3A_72 : memref<1x128xi32, #tpu.memory_space<vmem>> -> memref<128xi32, #tpu.memory_space<vmem>>
    %dma_wait3A_74 = arith.constant 0 : i32
    %dma_wait3A_75 = arith.constant 0 : i32
    %dma_wait3A_76 = tpu.memref_slice %arg9[%dma_wait3A_74, %dma_wait3A_75] : memref<10240x128xf32, #tpu.memory_space<vmem_shared>> -> memref<10240x128xf32, #tpu.memory_space<vmem_shared>>
    tpu.wait_indirect_dma semaphore(%arg13 : memref<!tpu.dma_semaphore, #tpu.memory_space<semaphore_mem>>) src(%arg8 : memref<128x128xf32, #tpu.memory_space<vmem>>) dst(%dma_wait3A_76 : memref<10240x128xf32, #tpu.memory_space<vmem_shared>>)
    %barrier3A_77 = arith.constant 0 : index
    tpu.barrier barrier_id(%barrier3A_77)
    %mul3A_78 = arith.constant 640 : i32
    %mul3A_79 = arith.muli %arg1, %mul3A_78 : i32
    %mul3A_80 = arith.constant 640 : i32
    %mul3A_81 = arith.muli %arg1, %mul3A_80 : i32
    "tpu.region"() ({
      %run_scoped3A_82 = tpu.sem_alloc : memref<!tpu.dma_semaphore, #tpu.memory_space<semaphore_mem>>
      %dma_start3A_83 = arith.constant 0 : i32
      %dma_start3A_84 = tpu.memref_slice %arg4[%arg0, %mul3A_81, %dma_start3A_83] : memref<2x10240x128xf32, #tpu.memory_space<hbm>> -> memref<1x640x128xf32, #tpu.memory_space<hbm>>
      %dma_start3A_85 = tpu.memref_squeeze %dma_start3A_84 : memref<1x640x128xf32, #tpu.memory_space<hbm>> -> memref<640x128xf32, #tpu.memory_space<hbm>>
      %dma_start3A_86 = arith.constant 0 : i32
      %dma_start3A_87 = tpu.memref_slice %arg9[%mul3A_79, %dma_start3A_86] : memref<10240x128xf32, #tpu.memory_space<vmem_shared>> -> memref<640x128xf32, #tpu.memory_space<vmem_shared>>
      tpu.enqueue_dma source(%dma_start3A_87 : memref<640x128xf32, #tpu.memory_space<vmem_shared>>) target(%dma_start3A_85 : memref<640x128xf32, #tpu.memory_space<hbm>>) target_semaphore(%run_scoped3A_82 : memref<!tpu.dma_semaphore, #tpu.memory_space<semaphore_mem>>)
      %dma_wait3A_88 = arith.constant 0 : i32
      %dma_wait3A_89 = tpu.memref_slice %arg4[%arg0, %mul3A_81, %dma_wait3A_88] : memref<2x10240x128xf32, #tpu.memory_space<hbm>> -> memref<1x640x128xf32, #tpu.memory_space<hbm>>
      %dma_wait3A_90 = tpu.memref_squeeze %dma_wait3A_89 : memref<1x640x128xf32, #tpu.memory_space<hbm>> -> memref<640x128xf32, #tpu.memory_space<hbm>>
      %dma_wait3A_91 = arith.constant 0 : i32
      %dma_wait3A_92 = tpu.memref_slice %arg9[%mul3A_79, %dma_wait3A_91] : memref<10240x128xf32, #tpu.memory_space<vmem_shared>> -> memref<640x128xf32, #tpu.memory_space<vmem_shared>>
      tpu.wait_dma2 semaphore(%run_scoped3A_82 : memref<!tpu.dma_semaphore, #tpu.memory_space<semaphore_mem>>) src(%dma_wait3A_92 : memref<640x128xf32, #tpu.memory_space<vmem_shared>>) dst(%dma_wait3A_90 : memref<640x128xf32, #tpu.memory_space<hbm>>)
      tpu.yield
    }) : () -> ()
    return
  }
}

#map = affine_map<(d0, d1) -> (0, 0)>
#map1 = affine_map<(d0, d1) -> (0, 0, 0, 0)>
#map2 = affine_map<(d0, d1) -> (0, 0, 0)>
module attributes {stable_mosaic.version = 14 : i64} {
  func.func @_sc_scatter_body(%arg0: i32, %arg1: i32, %arg2: memref<10000x128xf32, #tpu.memory_space<hbm>>, %arg3: memref<2x32x80x128xi32, #tpu.memory_space<hbm>>, %arg4: memref<2x10240x128xf32, #tpu.memory_space<hbm>>, %arg5: memref<40x128xi32, #tpu.memory_space<vmem>>, %arg6: memref<40x128xi32, #tpu.memory_space<vmem>>, %arg7: memref<128x128xf32, #tpu.memory_space<vmem>>, %arg8: memref<128x128xf32, #tpu.memory_space<vmem>>, %arg9: memref<10240x128xf32, #tpu.memory_space<vmem_shared>>, %arg10: memref<!tpu.dma_semaphore, #tpu.memory_space<semaphore_mem>>, %arg11: memref<!tpu.dma_semaphore, #tpu.memory_space<semaphore_mem>>, %arg12: memref<!tpu.dma_semaphore, #tpu.memory_space<semaphore_mem>>, %arg13: memref<!tpu.dma_semaphore, #tpu.memory_space<semaphore_mem>>) attributes {dimension_semantics = [#tpu.dimension_semantics<core_parallel>, #tpu.dimension_semantics<subcore_parallel>], iteration_bounds = array<i64: 2, 16>, scalar_prefetch = 0 : i64, scratch_operands = 9 : i64, tpu.core_type = #tpu.core_type<sc_vector_subcore>, window_params = [{transform_indices = #map}, {transform_indices = #map1}, {transform_indices = #map2}]} {
    %mul3A = arith.constant 2 : i32
    %mul3A_0 = arith.muli %arg1, %mul3A : i32
    %add3A = arith.addi %mul3A_0, %arg0 : i32
    %scan3A = arith.constant 0 : i32
    %scan3A_1 = arith.constant 128 : i32
    %scan3A_2 = arith.addi %scan3A, %scan3A_1 : i32
    %scan3A_3 = arith.constant 1 : i32
    scf.for %scan3A_82 = %scan3A to %scan3A_2 step %scan3A_3  : i32 {
      %mul3A_83 = arith.constant 1 : i32
      %mul3A_84 = arith.muli %scan3A_82, %mul3A_83 : i32
      %add3A_85 = arith.constant 0 : i32
      %add3A_86 = arith.addi %add3A_85, %mul3A_84 : i32
      %broadcast_in_dim3A = arith.constant 0.000000e+00 : f32
      %broadcast_in_dim3A_87 = vector.broadcast %broadcast_in_dim3A : f32 to vector<16xf32>
      %swap3A = arith.index_cast %add3A_86 : i32 to index
      %swap3A_88 = arith.constant 0 : index
      %swap3A_89 = tpu.vector_load %arg7[%swap3A, %swap3A_88] {strides = array<i32>} : memref<128x128xf32, #tpu.memory_space<vmem>>, vector<1x16xf32>,
      %swap3A_90 = vector.shape_cast %swap3A_89 : vector<1x16xf32> to vector<16xf32>
      %swap3A_91 = vector.shape_cast %broadcast_in_dim3A_87 : vector<16xf32> to vector<1x16xf32>
      tpu.vector_store %arg7[%swap3A, %swap3A_88], %swap3A_91 {strides = array<i32>} : memref<128x128xf32, #tpu.memory_space<vmem>>, vector<1x16xf32>,
      %broadcast_in_dim3A_92 = arith.constant 0.000000e+00 : f32
      %broadcast_in_dim3A_93 = vector.broadcast %broadcast_in_dim3A_92 : f32 to vector<16xf32>
      %swap3A_94 = arith.index_cast %add3A_86 : i32 to index
      %swap3A_95 = arith.constant 16 : index
      %swap3A_96 = tpu.vector_load %arg7[%swap3A_94, %swap3A_95] {strides = array<i32>} : memref<128x128xf32, #tpu.memory_space<vmem>>, vector<1x16xf32>,
      %swap3A_97 = vector.shape_cast %swap3A_96 : vector<1x16xf32> to vector<16xf32>
      %swap3A_98 = vector.shape_cast %broadcast_in_dim3A_93 : vector<16xf32> to vector<1x16xf32>
      tpu.vector_store %arg7[%swap3A_94, %swap3A_95], %swap3A_98 {strides = array<i32>} : memref<128x128xf32, #tpu.memory_space<vmem>>, vector<1x16xf32>,
      %broadcast_in_dim3A_99 = arith.constant 0.000000e+00 : f32
      %broadcast_in_dim3A_100 = vector.broadcast %broadcast_in_dim3A_99 : f32 to vector<16xf32>
      %swap3A_101 = arith.index_cast %add3A_86 : i32 to index
      %swap3A_102 = arith.constant 32 : index
      %swap3A_103 = tpu.vector_load %arg7[%swap3A_101, %swap3A_102] {strides = array<i32>} : memref<128x128xf32, #tpu.memory_space<vmem>>, vector<1x16xf32>,
      %swap3A_104 = vector.shape_cast %swap3A_103 : vector<1x16xf32> to vector<16xf32>
      %swap3A_105 = vector.shape_cast %broadcast_in_dim3A_100 : vector<16xf32> to vector<1x16xf32>
      tpu.vector_store %arg7[%swap3A_101, %swap3A_102], %swap3A_105 {strides = array<i32>} : memref<128x128xf32, #tpu.memory_space<vmem>>, vector<1x16xf32>,
      %broadcast_in_dim3A_106 = arith.constant 0.000000e+00 : f32
      %broadcast_in_dim3A_107 = vector.broadcast %broadcast_in_dim3A_106 : f32 to vector<16xf32>
      %swap3A_108 = arith.index_cast %add3A_86 : i32 to index
      %swap3A_109 = arith.constant 48 : index
      %swap3A_110 = tpu.vector_load %arg7[%swap3A_108, %swap3A_109] {strides = array<i32>} : memref<128x128xf32, #tpu.memory_space<vmem>>, vector<1x16xf32>,
      %swap3A_111 = vector.shape_cast %swap3A_110 : vector<1x16xf32> to vector<16xf32>
      %swap3A_112 = vector.shape_cast %broadcast_in_dim3A_107 : vector<16xf32> to vector<1x16xf32>
      tpu.vector_store %arg7[%swap3A_108, %swap3A_109], %swap3A_112 {strides = array<i32>} : memref<128x128xf32, #tpu.memory_space<vmem>>, vector<1x16xf32>,
      %broadcast_in_dim3A_113 = arith.constant 0.000000e+00 : f32
      %broadcast_in_dim3A_114 = vector.broadcast %broadcast_in_dim3A_113 : f32 to vector<16xf32>
      %swap3A_115 = arith.index_cast %add3A_86 : i32 to index
      %swap3A_116 = arith.constant 64 : index
      %swap3A_117 = tpu.vector_load %arg7[%swap3A_115, %swap3A_116] {strides = array<i32>} : memref<128x128xf32, #tpu.memory_space<vmem>>, vector<1x16xf32>,
      %swap3A_118 = vector.shape_cast %swap3A_117 : vector<1x16xf32> to vector<16xf32>
      %swap3A_119 = vector.shape_cast %broadcast_in_dim3A_114 : vector<16xf32> to vector<1x16xf32>
      tpu.vector_store %arg7[%swap3A_115, %swap3A_116], %swap3A_119 {strides = array<i32>} : memref<128x128xf32, #tpu.memory_space<vmem>>, vector<1x16xf32>,
      %broadcast_in_dim3A_120 = arith.constant 0.000000e+00 : f32
      %broadcast_in_dim3A_121 = vector.broadcast %broadcast_in_dim3A_120 : f32 to vector<16xf32>
      %swap3A_122 = arith.index_cast %add3A_86 : i32 to index
      %swap3A_123 = arith.constant 80 : index
      %swap3A_124 = tpu.vector_load %arg7[%swap3A_122, %swap3A_123] {strides = array<i32>} : memref<128x128xf32, #tpu.memory_space<vmem>>, vector<1x16xf32>,
      %swap3A_125 = vector.shape_cast %swap3A_124 : vector<1x16xf32> to vector<16xf32>
      %swap3A_126 = vector.shape_cast %broadcast_in_dim3A_121 : vector<16xf32> to vector<1x16xf32>
      tpu.vector_store %arg7[%swap3A_122, %swap3A_123], %swap3A_126 {strides = array<i32>} : memref<128x128xf32, #tpu.memory_space<vmem>>, vector<1x16xf32>,
      %broadcast_in_dim3A_127 = arith.constant 0.000000e+00 : f32
      %broadcast_in_dim3A_128 = vector.broadcast %broadcast_in_dim3A_127 : f32 to vector<16xf32>
      %swap3A_129 = arith.index_cast %add3A_86 : i32 to index
      %swap3A_130 = arith.constant 96 : index
      %swap3A_131 = tpu.vector_load %arg7[%swap3A_129, %swap3A_130] {strides = array<i32>} : memref<128x128xf32, #tpu.memory_space<vmem>>, vector<1x16xf32>,
      %swap3A_132 = vector.shape_cast %swap3A_131 : vector<1x16xf32> to vector<16xf32>
      %swap3A_133 = vector.shape_cast %broadcast_in_dim3A_128 : vector<16xf32> to vector<1x16xf32>
      tpu.vector_store %arg7[%swap3A_129, %swap3A_130], %swap3A_133 {strides = array<i32>} : memref<128x128xf32, #tpu.memory_space<vmem>>, vector<1x16xf32>,
      %broadcast_in_dim3A_134 = arith.constant 0.000000e+00 : f32
      %broadcast_in_dim3A_135 = vector.broadcast %broadcast_in_dim3A_134 : f32 to vector<16xf32>
      %swap3A_136 = arith.index_cast %add3A_86 : i32 to index
      %swap3A_137 = arith.constant 112 : index
      %swap3A_138 = tpu.vector_load %arg7[%swap3A_136, %swap3A_137] {strides = array<i32>} : memref<128x128xf32, #tpu.memory_space<vmem>>, vector<1x16xf32>,
      %swap3A_139 = vector.shape_cast %swap3A_138 : vector<1x16xf32> to vector<16xf32>
      %swap3A_140 = vector.shape_cast %broadcast_in_dim3A_135 : vector<16xf32> to vector<1x16xf32>
      tpu.vector_store %arg7[%swap3A_136, %swap3A_137], %swap3A_140 {strides = array<i32>} : memref<128x128xf32, #tpu.memory_space<vmem>>, vector<1x16xf32>,
    }
    %scan3A_4 = arith.constant 128 : i32
    %scan3A_5 = arith.constant 0 : i32
    %scan3A_6 = arith.constant 5 : i32
    %scan3A_7 = arith.addi %scan3A_5, %scan3A_6 : i32
    %scan3A_8 = arith.constant 1 : i32
    scf.for %scan3A_82 = %scan3A_5 to %scan3A_7 step %scan3A_8  : i32 {
      %mul3A_83 = arith.constant 1 : i32
      %mul3A_84 = arith.muli %scan3A_82, %mul3A_83 : i32
      %add3A_85 = arith.constant 0 : i32
      %add3A_86 = arith.addi %add3A_85, %mul3A_84 : i32
      %mul3A_87 = arith.constant 640 : i32
      %mul3A_88 = arith.muli %arg1, %mul3A_87 : i32
      %mul3A_89 = arith.constant 128 : i32
      %mul3A_90 = arith.muli %add3A_86, %mul3A_89 : i32
      %add3A_91 = arith.addi %mul3A_88, %mul3A_90 : i32
      "tpu.region"() ({
        %run_scoped3A_92 = tpu.sem_alloc : memref<!tpu.dma_semaphore, #tpu.memory_space<semaphore_mem>>
        %dma_start3A_93 = arith.constant 0 : i32
        %dma_start3A_94 = tpu.memref_slice %arg9[%add3A_91, %dma_start3A_93] : memref<10240x128xf32, #tpu.memory_space<vmem_shared>> -> memref<128x128xf32, #tpu.memory_space<vmem_shared>>
        %dma_start3A_95 = arith.constant 0 : i32
        %dma_start3A_96 = tpu.memref_slice %arg9[%add3A_91, %dma_start3A_95] : memref<10240x128xf32, #tpu.memory_space<vmem_shared>> -> memref<128x128xf32, #tpu.memory_space<vmem_shared>>
        tpu.enqueue_dma source(%arg7 : memref<128x128xf32, #tpu.memory_space<vmem>>) target(%dma_start3A_96 : memref<128x128xf32, #tpu.memory_space<vmem_shared>>) target_semaphore(%run_scoped3A_92 : memref<!tpu.dma_semaphore, #tpu.memory_space<semaphore_mem>>)
        %dma_wait3A_97 = arith.constant 0 : i32
        %dma_wait3A_98 = tpu.memref_slice %arg9[%add3A_91, %dma_wait3A_97] : memref<10240x128xf32, #tpu.memory_space<vmem_shared>> -> memref<128x128xf32, #tpu.memory_space<vmem_shared>>
        %dma_wait3A_99 = arith.constant 0 : i32
        %dma_wait3A_100 = tpu.memref_slice %arg9[%add3A_91, %dma_wait3A_99] : memref<10240x128xf32, #tpu.memory_space<vmem_shared>> -> memref<128x128xf32, #tpu.memory_space<vmem_shared>>
        tpu.wait_dma2 semaphore(%run_scoped3A_92 : memref<!tpu.dma_semaphore, #tpu.memory_space<semaphore_mem>>) src(%arg7 : memref<128x128xf32, #tpu.memory_space<vmem>>) dst(%dma_wait3A_100 : memref<128x128xf32, #tpu.memory_space<vmem_shared>>)
        tpu.yield
      }) : () -> ()
    }
    %scan3A_9 = arith.constant 5 : i32
    %barrier3A = arith.constant 0 : index
    tpu.barrier barrier_id(%barrier3A)
    %run_scoped3A = arith.constant 0 : i32
    "tpu.region"() ({
      %run_scoped3A_82 = tpu.sem_alloc : memref<!tpu.dma_semaphore, #tpu.memory_space<semaphore_mem>>
      %dma_start3A_83 = arith.constant 0 : i32
      %dma_start3A_84 = arith.constant 0 : i32
      %dma_start3A_85 = tpu.memref_slice %arg3[%run_scoped3A, %add3A, %dma_start3A_83, %dma_start3A_84] : memref<2x32x80x128xi32, #tpu.memory_space<hbm>> -> memref<1x1x40x128xi32, #tpu.memory_space<hbm>>
      %dma_start3A_86 = tpu.memref_squeeze %dma_start3A_85 : memref<1x1x40x128xi32, #tpu.memory_space<hbm>> -> memref<40x128xi32, #tpu.memory_space<hbm>>
      %dma_start3A_87 = arith.constant 0 : i32
      %dma_start3A_88 = arith.constant 0 : i32
      %dma_start3A_89 = tpu.memref_slice %arg3[%run_scoped3A, %add3A, %dma_start3A_87, %dma_start3A_88] : memref<2x32x80x128xi32, #tpu.memory_space<hbm>> -> memref<1x1x40x128xi32, #tpu.memory_space<hbm>>
      %dma_start3A_90 = tpu.memref_squeeze %dma_start3A_89 : memref<1x1x40x128xi32, #tpu.memory_space<hbm>> -> memref<40x128xi32, #tpu.memory_space<hbm>>
      tpu.enqueue_dma source(%dma_start3A_90 : memref<40x128xi32, #tpu.memory_space<hbm>>) target(%arg5 : memref<40x128xi32, #tpu.memory_space<vmem>>) target_semaphore(%run_scoped3A_82 : memref<!tpu.dma_semaphore, #tpu.memory_space<semaphore_mem>>)
      %dma_wait3A_91 = arith.constant 0 : i32
      %dma_wait3A_92 = arith.constant 0 : i32
      %dma_wait3A_93 = tpu.memref_slice %arg3[%run_scoped3A, %add3A, %dma_wait3A_91, %dma_wait3A_92] : memref<2x32x80x128xi32, #tpu.memory_space<hbm>> -> memref<1x1x40x128xi32, #tpu.memory_space<hbm>>
      %dma_wait3A_94 = tpu.memref_squeeze %dma_wait3A_93 : memref<1x1x40x128xi32, #tpu.memory_space<hbm>> -> memref<40x128xi32, #tpu.memory_space<hbm>>
      %dma_wait3A_95 = arith.constant 0 : i32
      %dma_wait3A_96 = arith.constant 0 : i32
      %dma_wait3A_97 = tpu.memref_slice %arg3[%run_scoped3A, %add3A, %dma_wait3A_95, %dma_wait3A_96] : memref<2x32x80x128xi32, #tpu.memory_space<hbm>> -> memref<1x1x40x128xi32, #tpu.memory_space<hbm>>
      %dma_wait3A_98 = tpu.memref_squeeze %dma_wait3A_97 : memref<1x1x40x128xi32, #tpu.memory_space<hbm>> -> memref<40x128xi32, #tpu.memory_space<hbm>>
      tpu.wait_dma2 semaphore(%run_scoped3A_82 : memref<!tpu.dma_semaphore, #tpu.memory_space<semaphore_mem>>) src(%dma_wait3A_98 : memref<40x128xi32, #tpu.memory_space<hbm>>) dst(%arg5 : memref<40x128xi32, #tpu.memory_space<vmem>>)
      tpu.yield
    }) : () -> ()
    %run_scoped3A_10 = arith.constant 1 : i32
    "tpu.region"() ({
      %run_scoped3A_82 = tpu.sem_alloc : memref<!tpu.dma_semaphore, #tpu.memory_space<semaphore_mem>>
      %dma_start3A_83 = arith.constant 0 : i32
      %dma_start3A_84 = arith.constant 0 : i32
      %dma_start3A_85 = tpu.memref_slice %arg3[%run_scoped3A_10, %add3A, %dma_start3A_83, %dma_start3A_84] : memref<2x32x80x128xi32, #tpu.memory_space<hbm>> -> memref<1x1x40x128xi32, #tpu.memory_space<hbm>>
      %dma_start3A_86 = tpu.memref_squeeze %dma_start3A_85 : memref<1x1x40x128xi32, #tpu.memory_space<hbm>> -> memref<40x128xi32, #tpu.memory_space<hbm>>
      %dma_start3A_87 = arith.constant 0 : i32
      %dma_start3A_88 = arith.constant 0 : i32
      %dma_start3A_89 = tpu.memref_slice %arg3[%run_scoped3A_10, %add3A, %dma_start3A_87, %dma_start3A_88] : memref<2x32x80x128xi32, #tpu.memory_space<hbm>> -> memref<1x1x40x128xi32, #tpu.memory_space<hbm>>
      %dma_start3A_90 = tpu.memref_squeeze %dma_start3A_89 : memref<1x1x40x128xi32, #tpu.memory_space<hbm>> -> memref<40x128xi32, #tpu.memory_space<hbm>>
      tpu.enqueue_dma source(%dma_start3A_90 : memref<40x128xi32, #tpu.memory_space<hbm>>) target(%arg6 : memref<40x128xi32, #tpu.memory_space<vmem>>) target_semaphore(%run_scoped3A_82 : memref<!tpu.dma_semaphore, #tpu.memory_space<semaphore_mem>>)
      %dma_wait3A_91 = arith.constant 0 : i32
      %dma_wait3A_92 = arith.constant 0 : i32
      %dma_wait3A_93 = tpu.memref_slice %arg3[%run_scoped3A_10, %add3A, %dma_wait3A_91, %dma_wait3A_92] : memref<2x32x80x128xi32, #tpu.memory_space<hbm>> -> memref<1x1x40x128xi32, #tpu.memory_space<hbm>>
      %dma_wait3A_94 = tpu.memref_squeeze %dma_wait3A_93 : memref<1x1x40x128xi32, #tpu.memory_space<hbm>> -> memref<40x128xi32, #tpu.memory_space<hbm>>
      %dma_wait3A_95 = arith.constant 0 : i32
      %dma_wait3A_96 = arith.constant 0 : i32
      %dma_wait3A_97 = tpu.memref_slice %arg3[%run_scoped3A_10, %add3A, %dma_wait3A_95, %dma_wait3A_96] : memref<2x32x80x128xi32, #tpu.memory_space<hbm>> -> memref<1x1x40x128xi32, #tpu.memory_space<hbm>>
      %dma_wait3A_98 = tpu.memref_squeeze %dma_wait3A_97 : memref<1x1x40x128xi32, #tpu.memory_space<hbm>> -> memref<40x128xi32, #tpu.memory_space<hbm>>
      tpu.wait_dma2 semaphore(%run_scoped3A_82 : memref<!tpu.dma_semaphore, #tpu.memory_space<semaphore_mem>>) src(%dma_wait3A_98 : memref<40x128xi32, #tpu.memory_space<hbm>>) dst(%arg6 : memref<40x128xi32, #tpu.memory_space<vmem>>)
      tpu.yield
    }) : () -> ()
    %dma_start3A = arith.constant 0 : i32
    %dma_start3A_11 = arith.constant 0 : i32
    %dma_start3A_12 = tpu.memref_slice %arg5[%dma_start3A, %dma_start3A_11] : memref<40x128xi32, #tpu.memory_space<vmem>> -> memref<1x128xi32, #tpu.memory_space<vmem>>
    %dma_start3A_13 = tpu.memref_squeeze %dma_start3A_12 : memref<1x128xi32, #tpu.memory_space<vmem>> -> memref<128xi32, #tpu.memory_space<vmem>>
    %dma_start3A_14 = arith.constant 0 : i32
    %dma_start3A_15 = arith.constant 0 : i32
    %dma_start3A_16 = tpu.memref_slice %arg2[%dma_start3A_14, %dma_start3A_15] : memref<10000x128xf32, #tpu.memory_space<hbm>> -> memref<10000x128xf32, #tpu.memory_space<hbm>>
    tpu.enqueue_indirect_dma source(%dma_start3A_16 : memref<10000x128xf32, #tpu.memory_space<hbm>>) target(%arg7 : memref<128x128xf32, #tpu.memory_space<vmem>>) offsets(%dma_start3A_13 : memref<128xi32, #tpu.memory_space<vmem>>) semaphore(%arg10 : memref<!tpu.dma_semaphore, #tpu.memory_space<semaphore_mem>>)
    %dma_start3A_17 = arith.constant 1 : i32
    %dma_start3A_18 = arith.constant 0 : i32
    %dma_start3A_19 = tpu.memref_slice %arg5[%dma_start3A_17, %dma_start3A_18] : memref<40x128xi32, #tpu.memory_space<vmem>> -> memref<1x128xi32, #tpu.memory_space<vmem>>
    %dma_start3A_20 = tpu.memref_squeeze %dma_start3A_19 : memref<1x128xi32, #tpu.memory_space<vmem>> -> memref<128xi32, #tpu.memory_space<vmem>>
    %dma_start3A_21 = arith.constant 0 : i32
    %dma_start3A_22 = arith.constant 0 : i32
    %dma_start3A_23 = tpu.memref_slice %arg2[%dma_start3A_21, %dma_start3A_22] : memref<10000x128xf32, #tpu.memory_space<hbm>> -> memref<10000x128xf32, #tpu.memory_space<hbm>>
    tpu.enqueue_indirect_dma source(%dma_start3A_23 : memref<10000x128xf32, #tpu.memory_space<hbm>>) target(%arg8 : memref<128x128xf32, #tpu.memory_space<vmem>>) offsets(%dma_start3A_20 : memref<128xi32, #tpu.memory_space<vmem>>) semaphore(%arg11 : memref<!tpu.dma_semaphore, #tpu.memory_space<semaphore_mem>>)
    %scan3A_24 = arith.constant 0 : i32
    %scan3A_25 = arith.constant 20 : i32
    %scan3A_26 = arith.addi %scan3A_24, %scan3A_25 : i32
    %scan3A_27 = arith.constant 1 : i32
    scf.for %scan3A_82 = %scan3A_24 to %scan3A_26 step %scan3A_27  : i32 {
      %mul3A_83 = arith.constant 2 : i32
      %mul3A_84 = arith.muli %scan3A_82, %mul3A_83 : i32
      %add3A_85 = arith.constant 0 : i32
      %add3A_86 = arith.addi %add3A_85, %mul3A_84 : i32
      %dma_wait3A_87 = arith.constant 0 : i32
      %dma_wait3A_88 = tpu.memref_slice %arg5[%add3A_86, %dma_wait3A_87] : memref<40x128xi32, #tpu.memory_space<vmem>> -> memref<1x128xi32, #tpu.memory_space<vmem>>
      %dma_wait3A_89 = tpu.memref_squeeze %dma_wait3A_88 : memref<1x128xi32, #tpu.memory_space<vmem>> -> memref<128xi32, #tpu.memory_space<vmem>>
      %dma_wait3A_90 = arith.constant 0 : i32
      %dma_wait3A_91 = arith.constant 0 : i32
      %dma_wait3A_92 = tpu.memref_slice %arg2[%dma_wait3A_90, %dma_wait3A_91] : memref<10000x128xf32, #tpu.memory_space<hbm>> -> memref<10000x128xf32, #tpu.memory_space<hbm>>
      tpu.wait_indirect_dma semaphore(%arg10 : memref<!tpu.dma_semaphore, #tpu.memory_space<semaphore_mem>>) src(%dma_wait3A_92 : memref<10000x128xf32, #tpu.memory_space<hbm>>) dst(%arg7 : memref<128x128xf32, #tpu.memory_space<vmem>>)
      %dma_start3A_93 = arith.constant 0 : i32
      %dma_start3A_94 = tpu.memref_slice %arg6[%add3A_86, %dma_start3A_93] : memref<40x128xi32, #tpu.memory_space<vmem>> -> memref<1x128xi32, #tpu.memory_space<vmem>>
      %dma_start3A_95 = tpu.memref_squeeze %dma_start3A_94 : memref<1x128xi32, #tpu.memory_space<vmem>> -> memref<128xi32, #tpu.memory_space<vmem>>
      %dma_start3A_96 = arith.constant 0 : i32
      %dma_start3A_97 = arith.constant 0 : i32
      %dma_start3A_98 = tpu.memref_slice %arg9[%dma_start3A_96, %dma_start3A_97] : memref<10240x128xf32, #tpu.memory_space<vmem_shared>> -> memref<10240x128xf32, #tpu.memory_space<vmem_shared>>
      tpu.enqueue_indirect_dma source(%arg7 : memref<128x128xf32, #tpu.memory_space<vmem>>) target(%dma_start3A_98 : memref<10240x128xf32, #tpu.memory_space<vmem_shared>>) offsets(%dma_start3A_95 : memref<128xi32, #tpu.memory_space<vmem>>) semaphore(%arg12 : memref<!tpu.dma_semaphore, #tpu.memory_space<semaphore_mem>>) {add = true}
      %add3A_99 = arith.constant 2 : i32
      %add3A_100 = arith.addi %add3A_86, %add3A_99 : i32
      %lt3A = arith.constant 40 : i32
      %lt3A_101 = arith.cmpi slt, %add3A_100, %lt3A : i32
      %convert_element_type3A = arith.extui %lt3A_101 : i1 to i32
      %cond3A = arith.constant 0 : i32
      %cond3A_102 = arith.cmpi ne, %convert_element_type3A, %cond3A : i32
      scf.if %cond3A_102 {
        %dma_wait3A_126 = arith.constant 0 : i32
        %dma_wait3A_127 = tpu.memref_slice %arg6[%add3A_86, %dma_wait3A_126] : memref<40x128xi32, #tpu.memory_space<vmem>> -> memref<1x128xi32, #tpu.memory_space<vmem>>
        %dma_wait3A_128 = tpu.memref_squeeze %dma_wait3A_127 : memref<1x128xi32, #tpu.memory_space<vmem>> -> memref<128xi32, #tpu.memory_space<vmem>>
        %dma_wait3A_129 = arith.constant 0 : i32
        %dma_wait3A_130 = arith.constant 0 : i32
        %dma_wait3A_131 = tpu.memref_slice %arg9[%dma_wait3A_129, %dma_wait3A_130] : memref<10240x128xf32, #tpu.memory_space<vmem_shared>> -> memref<10240x128xf32, #tpu.memory_space<vmem_shared>>
        tpu.wait_indirect_dma semaphore(%arg12 : memref<!tpu.dma_semaphore, #tpu.memory_space<semaphore_mem>>) src(%arg7 : memref<128x128xf32, #tpu.memory_space<vmem>>) dst(%dma_wait3A_131 : memref<10240x128xf32, #tpu.memory_space<vmem_shared>>)
        %add3A_132 = arith.constant 2 : i32
        %add3A_133 = arith.addi %add3A_86, %add3A_132 : i32
        %dma_start3A_134 = arith.constant 0 : i32
        %dma_start3A_135 = tpu.memref_slice %arg5[%add3A_133, %dma_start3A_134] : memref<40x128xi32, #tpu.memory_space<vmem>> -> memref<1x128xi32, #tpu.memory_space<vmem>>
        %dma_start3A_136 = tpu.memref_squeeze %dma_start3A_135 : memref<1x128xi32, #tpu.memory_space<vmem>> -> memref<128xi32, #tpu.memory_space<vmem>>
        %dma_start3A_137 = arith.constant 0 : i32
        %dma_start3A_138 = arith.constant 0 : i32
        %dma_start3A_139 = tpu.memref_slice %arg2[%dma_start3A_137, %dma_start3A_138] : memref<10000x128xf32, #tpu.memory_space<hbm>> -> memref<10000x128xf32, #tpu.memory_space<hbm>>
        tpu.enqueue_indirect_dma source(%dma_start3A_139 : memref<10000x128xf32, #tpu.memory_space<hbm>>) target(%arg7 : memref<128x128xf32, #tpu.memory_space<vmem>>) offsets(%dma_start3A_136 : memref<128xi32, #tpu.memory_space<vmem>>) semaphore(%arg10 : memref<!tpu.dma_semaphore, #tpu.memory_space<semaphore_mem>>)
      } else {
      }
      %add3A_103 = arith.constant 1 : i32
      %add3A_104 = arith.addi %add3A_86, %add3A_103 : i32
      %dma_wait3A_105 = arith.constant 0 : i32
      %dma_wait3A_106 = tpu.memref_slice %arg5[%add3A_104, %dma_wait3A_105] : memref<40x128xi32, #tpu.memory_space<vmem>> -> memref<1x128xi32, #tpu.memory_space<vmem>>
      %dma_wait3A_107 = tpu.memref_squeeze %dma_wait3A_106 : memref<1x128xi32, #tpu.memory_space<vmem>> -> memref<128xi32, #tpu.memory_space<vmem>>
      %dma_wait3A_108 = arith.constant 0 : i32
      %dma_wait3A_109 = arith.constant 0 : i32
      %dma_wait3A_110 = tpu.memref_slice %arg2[%dma_wait3A_108, %dma_wait3A_109] : memref<10000x128xf32, #tpu.memory_space<hbm>> -> memref<10000x128xf32, #tpu.memory_space<hbm>>
      tpu.wait_indirect_dma semaphore(%arg11 : memref<!tpu.dma_semaphore, #tpu.memory_space<semaphore_mem>>) src(%dma_wait3A_110 : memref<10000x128xf32, #tpu.memory_space<hbm>>) dst(%arg8 : memref<128x128xf32, #tpu.memory_space<vmem>>)
      %add3A_111 = arith.constant 1 : i32
      %add3A_112 = arith.addi %add3A_86, %add3A_111 : i32
      %dma_start3A_113 = arith.constant 0 : i32
      %dma_start3A_114 = tpu.memref_slice %arg6[%add3A_112, %dma_start3A_113] : memref<40x128xi32, #tpu.memory_space<vmem>> -> memref<1x128xi32, #tpu.memory_space<vmem>>
      %dma_start3A_115 = tpu.memref_squeeze %dma_start3A_114 : memref<1x128xi32, #tpu.memory_space<vmem>> -> memref<128xi32, #tpu.memory_space<vmem>>
      %dma_start3A_116 = arith.constant 0 : i32
      %dma_start3A_117 = arith.constant 0 : i32
      %dma_start3A_118 = tpu.memref_slice %arg9[%dma_start3A_116, %dma_start3A_117] : memref<10240x128xf32, #tpu.memory_space<vmem_shared>> -> memref<10240x128xf32, #tpu.memory_space<vmem_shared>>
      tpu.enqueue_indirect_dma source(%arg8 : memref<128x128xf32, #tpu.memory_space<vmem>>) target(%dma_start3A_118 : memref<10240x128xf32, #tpu.memory_space<vmem_shared>>) offsets(%dma_start3A_115 : memref<128xi32, #tpu.memory_space<vmem>>) semaphore(%arg13 : memref<!tpu.dma_semaphore, #tpu.memory_space<semaphore_mem>>) {add = true}
      %add3A_119 = arith.constant 3 : i32
      %add3A_120 = arith.addi %add3A_86, %add3A_119 : i32
      %lt3A_121 = arith.constant 40 : i32
      %lt3A_122 = arith.cmpi slt, %add3A_120, %lt3A_121 : i32
      %convert_element_type3A_123 = arith.extui %lt3A_122 : i1 to i32
      %cond3A_124 = arith.constant 0 : i32
      %cond3A_125 = arith.cmpi ne, %convert_element_type3A_123, %cond3A_124 : i32
      scf.if %cond3A_125 {
        %add3A_126 = arith.constant 1 : i32
        %add3A_127 = arith.addi %add3A_86, %add3A_126 : i32
        %dma_wait3A_128 = arith.constant 0 : i32
        %dma_wait3A_129 = tpu.memref_slice %arg6[%add3A_127, %dma_wait3A_128] : memref<40x128xi32, #tpu.memory_space<vmem>> -> memref<1x128xi32, #tpu.memory_space<vmem>>
        %dma_wait3A_130 = tpu.memref_squeeze %dma_wait3A_129 : memref<1x128xi32, #tpu.memory_space<vmem>> -> memref<128xi32, #tpu.memory_space<vmem>>
        %dma_wait3A_131 = arith.constant 0 : i32
        %dma_wait3A_132 = arith.constant 0 : i32
        %dma_wait3A_133 = tpu.memref_slice %arg9[%dma_wait3A_131, %dma_wait3A_132] : memref<10240x128xf32, #tpu.memory_space<vmem_shared>> -> memref<10240x128xf32, #tpu.memory_space<vmem_shared>>
        tpu.wait_indirect_dma semaphore(%arg13 : memref<!tpu.dma_semaphore, #tpu.memory_space<semaphore_mem>>) src(%arg8 : memref<128x128xf32, #tpu.memory_space<vmem>>) dst(%dma_wait3A_133 : memref<10240x128xf32, #tpu.memory_space<vmem_shared>>)
        %add3A_134 = arith.constant 3 : i32
        %add3A_135 = arith.addi %add3A_86, %add3A_134 : i32
        %dma_start3A_136 = arith.constant 0 : i32
        %dma_start3A_137 = tpu.memref_slice %arg5[%add3A_135, %dma_start3A_136] : memref<40x128xi32, #tpu.memory_space<vmem>> -> memref<1x128xi32, #tpu.memory_space<vmem>>
        %dma_start3A_138 = tpu.memref_squeeze %dma_start3A_137 : memref<1x128xi32, #tpu.memory_space<vmem>> -> memref<128xi32, #tpu.memory_space<vmem>>
        %dma_start3A_139 = arith.constant 0 : i32
        %dma_start3A_140 = arith.constant 0 : i32
        %dma_start3A_141 = tpu.memref_slice %arg2[%dma_start3A_139, %dma_start3A_140] : memref<10000x128xf32, #tpu.memory_space<hbm>> -> memref<10000x128xf32, #tpu.memory_space<hbm>>
        tpu.enqueue_indirect_dma source(%dma_start3A_141 : memref<10000x128xf32, #tpu.memory_space<hbm>>) target(%arg8 : memref<128x128xf32, #tpu.memory_space<vmem>>) offsets(%dma_start3A_138 : memref<128xi32, #tpu.memory_space<vmem>>) semaphore(%arg11 : memref<!tpu.dma_semaphore, #tpu.memory_space<semaphore_mem>>)
      } else {
      }
    }
    %scan3A_28 = arith.constant 20 : i32
    %dma_wait3A = arith.constant 38 : i32
    %dma_wait3A_29 = arith.constant 0 : i32
    %dma_wait3A_30 = tpu.memref_slice %arg6[%dma_wait3A, %dma_wait3A_29] : memref<40x128xi32, #tpu.memory_space<vmem>> -> memref<1x128xi32, #tpu.memory_space<vmem>>
    %dma_wait3A_31 = tpu.memref_squeeze %dma_wait3A_30 : memref<1x128xi32, #tpu.memory_space<vmem>> -> memref<128xi32, #tpu.memory_space<vmem>>
    %dma_wait3A_32 = arith.constant 0 : i32
    %dma_wait3A_33 = arith.constant 0 : i32
    %dma_wait3A_34 = tpu.memref_slice %arg9[%dma_wait3A_32, %dma_wait3A_33] : memref<10240x128xf32, #tpu.memory_space<vmem_shared>> -> memref<10240x128xf32, #tpu.memory_space<vmem_shared>>
    tpu.wait_indirect_dma semaphore(%arg12 : memref<!tpu.dma_semaphore, #tpu.memory_space<semaphore_mem>>) src(%arg7 : memref<128x128xf32, #tpu.memory_space<vmem>>) dst(%dma_wait3A_34 : memref<10240x128xf32, #tpu.memory_space<vmem_shared>>)
    %dma_wait3A_35 = arith.constant 39 : i32
    %dma_wait3A_36 = arith.constant 0 : i32
    %dma_wait3A_37 = tpu.memref_slice %arg6[%dma_wait3A_35, %dma_wait3A_36] : memref<40x128xi32, #tpu.memory_space<vmem>> -> memref<1x128xi32, #tpu.memory_space<vmem>>
    %dma_wait3A_38 = tpu.memref_squeeze %dma_wait3A_37 : memref<1x128xi32, #tpu.memory_space<vmem>> -> memref<128xi32, #tpu.memory_space<vmem>>
    %dma_wait3A_39 = arith.constant 0 : i32
    %dma_wait3A_40 = arith.constant 0 : i32
    %dma_wait3A_41 = tpu.memref_slice %arg9[%dma_wait3A_39, %dma_wait3A_40] : memref<10240x128xf32, #tpu.memory_space<vmem_shared>> -> memref<10240x128xf32, #tpu.memory_space<vmem_shared>>
    tpu.wait_indirect_dma semaphore(%arg13 : memref<!tpu.dma_semaphore, #tpu.memory_space<semaphore_mem>>) src(%arg8 : memref<128x128xf32, #tpu.memory_space<vmem>>) dst(%dma_wait3A_41 : memref<10240x128xf32, #tpu.memory_space<vmem_shared>>)
    %run_scoped3A_42 = arith.constant 0 : i32
    "tpu.region"() ({
      %run_scoped3A_82 = tpu.sem_alloc : memref<!tpu.dma_semaphore, #tpu.memory_space<semaphore_mem>>
      %dma_start3A_83 = arith.constant 40 : i32
      %dma_start3A_84 = arith.constant 0 : i32
      %dma_start3A_85 = tpu.memref_slice %arg3[%run_scoped3A_42, %add3A, %dma_start3A_83, %dma_start3A_84] : memref<2x32x80x128xi32, #tpu.memory_space<hbm>> -> memref<1x1x40x128xi32, #tpu.memory_space<hbm>>
      %dma_start3A_86 = tpu.memref_squeeze %dma_start3A_85 : memref<1x1x40x128xi32, #tpu.memory_space<hbm>> -> memref<40x128xi32, #tpu.memory_space<hbm>>
      %dma_start3A_87 = arith.constant 40 : i32
      %dma_start3A_88 = arith.constant 0 : i32
      %dma_start3A_89 = tpu.memref_slice %arg3[%run_scoped3A_42, %add3A, %dma_start3A_87, %dma_start3A_88] : memref<2x32x80x128xi32, #tpu.memory_space<hbm>> -> memref<1x1x40x128xi32, #tpu.memory_space<hbm>>
      %dma_start3A_90 = tpu.memref_squeeze %dma_start3A_89 : memref<1x1x40x128xi32, #tpu.memory_space<hbm>> -> memref<40x128xi32, #tpu.memory_space<hbm>>
      tpu.enqueue_dma source(%dma_start3A_90 : memref<40x128xi32, #tpu.memory_space<hbm>>) target(%arg5 : memref<40x128xi32, #tpu.memory_space<vmem>>) target_semaphore(%run_scoped3A_82 : memref<!tpu.dma_semaphore, #tpu.memory_space<semaphore_mem>>)
      %dma_wait3A_91 = arith.constant 40 : i32
      %dma_wait3A_92 = arith.constant 0 : i32
      %dma_wait3A_93 = tpu.memref_slice %arg3[%run_scoped3A_42, %add3A, %dma_wait3A_91, %dma_wait3A_92] : memref<2x32x80x128xi32, #tpu.memory_space<hbm>> -> memref<1x1x40x128xi32, #tpu.memory_space<hbm>>
      %dma_wait3A_94 = tpu.memref_squeeze %dma_wait3A_93 : memref<1x1x40x128xi32, #tpu.memory_space<hbm>> -> memref<40x128xi32, #tpu.memory_space<hbm>>
      %dma_wait3A_95 = arith.constant 40 : i32
      %dma_wait3A_96 = arith.constant 0 : i32
      %dma_wait3A_97 = tpu.memref_slice %arg3[%run_scoped3A_42, %add3A, %dma_wait3A_95, %dma_wait3A_96] : memref<2x32x80x128xi32, #tpu.memory_space<hbm>> -> memref<1x1x40x128xi32, #tpu.memory_space<hbm>>
      %dma_wait3A_98 = tpu.memref_squeeze %dma_wait3A_97 : memref<1x1x40x128xi32, #tpu.memory_space<hbm>> -> memref<40x128xi32, #tpu.memory_space<hbm>>
      tpu.wait_dma2 semaphore(%run_scoped3A_82 : memref<!tpu.dma_semaphore, #tpu.memory_space<semaphore_mem>>) src(%dma_wait3A_98 : memref<40x128xi32, #tpu.memory_space<hbm>>) dst(%arg5 : memref<40x128xi32, #tpu.memory_space<vmem>>)
      tpu.yield
    }) : () -> ()
    %run_scoped3A_43 = arith.constant 1 : i32
    "tpu.region"() ({
      %run_scoped3A_82 = tpu.sem_alloc : memref<!tpu.dma_semaphore, #tpu.memory_space<semaphore_mem>>
      %dma_start3A_83 = arith.constant 40 : i32
      %dma_start3A_84 = arith.constant 0 : i32
      %dma_start3A_85 = tpu.memref_slice %arg3[%run_scoped3A_43, %add3A, %dma_start3A_83, %dma_start3A_84] : memref<2x32x80x128xi32, #tpu.memory_space<hbm>> -> memref<1x1x40x128xi32, #tpu.memory_space<hbm>>
      %dma_start3A_86 = tpu.memref_squeeze %dma_start3A_85 : memref<1x1x40x128xi32, #tpu.memory_space<hbm>> -> memref<40x128xi32, #tpu.memory_space<hbm>>
      %dma_start3A_87 = arith.constant 40 : i32
      %dma_start3A_88 = arith.constant 0 : i32
      %dma_start3A_89 = tpu.memref_slice %arg3[%run_scoped3A_43, %add3A, %dma_start3A_87, %dma_start3A_88] : memref<2x32x80x128xi32, #tpu.memory_space<hbm>> -> memref<1x1x40x128xi32, #tpu.memory_space<hbm>>
      %dma_start3A_90 = tpu.memref_squeeze %dma_start3A_89 : memref<1x1x40x128xi32, #tpu.memory_space<hbm>> -> memref<40x128xi32, #tpu.memory_space<hbm>>
      tpu.enqueue_dma source(%dma_start3A_90 : memref<40x128xi32, #tpu.memory_space<hbm>>) target(%arg6 : memref<40x128xi32, #tpu.memory_space<vmem>>) target_semaphore(%run_scoped3A_82 : memref<!tpu.dma_semaphore, #tpu.memory_space<semaphore_mem>>)
      %dma_wait3A_91 = arith.constant 40 : i32
      %dma_wait3A_92 = arith.constant 0 : i32
      %dma_wait3A_93 = tpu.memref_slice %arg3[%run_scoped3A_43, %add3A, %dma_wait3A_91, %dma_wait3A_92] : memref<2x32x80x128xi32, #tpu.memory_space<hbm>> -> memref<1x1x40x128xi32, #tpu.memory_space<hbm>>
      %dma_wait3A_94 = tpu.memref_squeeze %dma_wait3A_93 : memref<1x1x40x128xi32, #tpu.memory_space<hbm>> -> memref<40x128xi32, #tpu.memory_space<hbm>>
      %dma_wait3A_95 = arith.constant 40 : i32
      %dma_wait3A_96 = arith.constant 0 : i32
      %dma_wait3A_97 = tpu.memref_slice %arg3[%run_scoped3A_43, %add3A, %dma_wait3A_95, %dma_wait3A_96] : memref<2x32x80x128xi32, #tpu.memory_space<hbm>> -> memref<1x1x40x128xi32, #tpu.memory_space<hbm>>
      %dma_wait3A_98 = tpu.memref_squeeze %dma_wait3A_97 : memref<1x1x40x128xi32, #tpu.memory_space<hbm>> -> memref<40x128xi32, #tpu.memory_space<hbm>>
      tpu.wait_dma2 semaphore(%run_scoped3A_82 : memref<!tpu.dma_semaphore, #tpu.memory_space<semaphore_mem>>) src(%dma_wait3A_98 : memref<40x128xi32, #tpu.memory_space<hbm>>) dst(%arg6 : memref<40x128xi32, #tpu.memory_space<vmem>>)
      tpu.yield
    }) : () -> ()
    %dma_start3A_44 = arith.constant 0 : i32
    %dma_start3A_45 = arith.constant 0 : i32
    %dma_start3A_46 = tpu.memref_slice %arg5[%dma_start3A_44, %dma_start3A_45] : memref<40x128xi32, #tpu.memory_space<vmem>> -> memref<1x128xi32, #tpu.memory_space<vmem>>
    %dma_start3A_47 = tpu.memref_squeeze %dma_start3A_46 : memref<1x128xi32, #tpu.memory_space<vmem>> -> memref<128xi32, #tpu.memory_space<vmem>>
    %dma_start3A_48 = arith.constant 0 : i32
    %dma_start3A_49 = arith.constant 0 : i32
    %dma_start3A_50 = tpu.memref_slice %arg2[%dma_start3A_48, %dma_start3A_49] : memref<10000x128xf32, #tpu.memory_space<hbm>> -> memref<10000x128xf32, #tpu.memory_space<hbm>>
    tpu.enqueue_indirect_dma source(%dma_start3A_50 : memref<10000x128xf32, #tpu.memory_space<hbm>>) target(%arg7 : memref<128x128xf32, #tpu.memory_space<vmem>>) offsets(%dma_start3A_47 : memref<128xi32, #tpu.memory_space<vmem>>) semaphore(%arg10 : memref<!tpu.dma_semaphore, #tpu.memory_space<semaphore_mem>>)
    %dma_start3A_51 = arith.constant 1 : i32
    %dma_start3A_52 = arith.constant 0 : i32
    %dma_start3A_53 = tpu.memref_slice %arg5[%dma_start3A_51, %dma_start3A_52] : memref<40x128xi32, #tpu.memory_space<vmem>> -> memref<1x128xi32, #tpu.memory_space<vmem>>
    %dma_start3A_54 = tpu.memref_squeeze %dma_start3A_53 : memref<1x128xi32, #tpu.memory_space<vmem>> -> memref<128xi32, #tpu.memory_space<vmem>>
    %dma_start3A_55 = arith.constant 0 : i32
    %dma_start3A_56 = arith.constant 0 : i32
    %dma_start3A_57 = tpu.memref_slice %arg2[%dma_start3A_55, %dma_start3A_56] : memref<10000x128xf32, #tpu.memory_space<hbm>> -> memref<10000x128xf32, #tpu.memory_space<hbm>>
    tpu.enqueue_indirect_dma source(%dma_start3A_57 : memref<10000x128xf32, #tpu.memory_space<hbm>>) target(%arg8 : memref<128x128xf32, #tpu.memory_space<vmem>>) offsets(%dma_start3A_54 : memref<128xi32, #tpu.memory_space<vmem>>) semaphore(%arg11 : memref<!tpu.dma_semaphore, #tpu.memory_space<semaphore_mem>>)
    %scan3A_58 = arith.constant 0 : i32
    %scan3A_59 = arith.constant 20 : i32
    %scan3A_60 = arith.addi %scan3A_58, %scan3A_59 : i32
    %scan3A_61 = arith.constant 1 : i32
    scf.for %scan3A_82 = %scan3A_58 to %scan3A_60 step %scan3A_61  : i32 {
      %mul3A_83 = arith.constant 2 : i32
      %mul3A_84 = arith.muli %scan3A_82, %mul3A_83 : i32
      %add3A_85 = arith.constant 0 : i32
      %add3A_86 = arith.addi %add3A_85, %mul3A_84 : i32
      %dma_wait3A_87 = arith.constant 0 : i32
      %dma_wait3A_88 = tpu.memref_slice %arg5[%add3A_86, %dma_wait3A_87] : memref<40x128xi32, #tpu.memory_space<vmem>> -> memref<1x128xi32, #tpu.memory_space<vmem>>
      %dma_wait3A_89 = tpu.memref_squeeze %dma_wait3A_88 : memref<1x128xi32, #tpu.memory_space<vmem>> -> memref<128xi32, #tpu.memory_space<vmem>>
      %dma_wait3A_90 = arith.constant 0 : i32
      %dma_wait3A_91 = arith.constant 0 : i32
      %dma_wait3A_92 = tpu.memref_slice %arg2[%dma_wait3A_90, %dma_wait3A_91] : memref<10000x128xf32, #tpu.memory_space<hbm>> -> memref<10000x128xf32, #tpu.memory_space<hbm>>
      tpu.wait_indirect_dma semaphore(%arg10 : memref<!tpu.dma_semaphore, #tpu.memory_space<semaphore_mem>>) src(%dma_wait3A_92 : memref<10000x128xf32, #tpu.memory_space<hbm>>) dst(%arg7 : memref<128x128xf32, #tpu.memory_space<vmem>>)
      %dma_start3A_93 = arith.constant 0 : i32
      %dma_start3A_94 = tpu.memref_slice %arg6[%add3A_86, %dma_start3A_93] : memref<40x128xi32, #tpu.memory_space<vmem>> -> memref<1x128xi32, #tpu.memory_space<vmem>>
      %dma_start3A_95 = tpu.memref_squeeze %dma_start3A_94 : memref<1x128xi32, #tpu.memory_space<vmem>> -> memref<128xi32, #tpu.memory_space<vmem>>
      %dma_start3A_96 = arith.constant 0 : i32
      %dma_start3A_97 = arith.constant 0 : i32
      %dma_start3A_98 = tpu.memref_slice %arg9[%dma_start3A_96, %dma_start3A_97] : memref<10240x128xf32, #tpu.memory_space<vmem_shared>> -> memref<10240x128xf32, #tpu.memory_space<vmem_shared>>
      tpu.enqueue_indirect_dma source(%arg7 : memref<128x128xf32, #tpu.memory_space<vmem>>) target(%dma_start3A_98 : memref<10240x128xf32, #tpu.memory_space<vmem_shared>>) offsets(%dma_start3A_95 : memref<128xi32, #tpu.memory_space<vmem>>) semaphore(%arg12 : memref<!tpu.dma_semaphore, #tpu.memory_space<semaphore_mem>>) {add = true}
      %add3A_99 = arith.constant 2 : i32
      %add3A_100 = arith.addi %add3A_86, %add3A_99 : i32
      %lt3A = arith.constant 40 : i32
      %lt3A_101 = arith.cmpi slt, %add3A_100, %lt3A : i32
      %convert_element_type3A = arith.extui %lt3A_101 : i1 to i32
      %cond3A = arith.constant 0 : i32
      %cond3A_102 = arith.cmpi ne, %convert_element_type3A, %cond3A : i32
      scf.if %cond3A_102 {
        %dma_wait3A_126 = arith.constant 0 : i32
        %dma_wait3A_127 = tpu.memref_slice %arg6[%add3A_86, %dma_wait3A_126] : memref<40x128xi32, #tpu.memory_space<vmem>> -> memref<1x128xi32, #tpu.memory_space<vmem>>
        %dma_wait3A_128 = tpu.memref_squeeze %dma_wait3A_127 : memref<1x128xi32, #tpu.memory_space<vmem>> -> memref<128xi32, #tpu.memory_space<vmem>>
        %dma_wait3A_129 = arith.constant 0 : i32
        %dma_wait3A_130 = arith.constant 0 : i32
        %dma_wait3A_131 = tpu.memref_slice %arg9[%dma_wait3A_129, %dma_wait3A_130] : memref<10240x128xf32, #tpu.memory_space<vmem_shared>> -> memref<10240x128xf32, #tpu.memory_space<vmem_shared>>
        tpu.wait_indirect_dma semaphore(%arg12 : memref<!tpu.dma_semaphore, #tpu.memory_space<semaphore_mem>>) src(%arg7 : memref<128x128xf32, #tpu.memory_space<vmem>>) dst(%dma_wait3A_131 : memref<10240x128xf32, #tpu.memory_space<vmem_shared>>)
        %add3A_132 = arith.constant 2 : i32
        %add3A_133 = arith.addi %add3A_86, %add3A_132 : i32
        %dma_start3A_134 = arith.constant 0 : i32
        %dma_start3A_135 = tpu.memref_slice %arg5[%add3A_133, %dma_start3A_134] : memref<40x128xi32, #tpu.memory_space<vmem>> -> memref<1x128xi32, #tpu.memory_space<vmem>>
        %dma_start3A_136 = tpu.memref_squeeze %dma_start3A_135 : memref<1x128xi32, #tpu.memory_space<vmem>> -> memref<128xi32, #tpu.memory_space<vmem>>
        %dma_start3A_137 = arith.constant 0 : i32
        %dma_start3A_138 = arith.constant 0 : i32
        %dma_start3A_139 = tpu.memref_slice %arg2[%dma_start3A_137, %dma_start3A_138] : memref<10000x128xf32, #tpu.memory_space<hbm>> -> memref<10000x128xf32, #tpu.memory_space<hbm>>
        tpu.enqueue_indirect_dma source(%dma_start3A_139 : memref<10000x128xf32, #tpu.memory_space<hbm>>) target(%arg7 : memref<128x128xf32, #tpu.memory_space<vmem>>) offsets(%dma_start3A_136 : memref<128xi32, #tpu.memory_space<vmem>>) semaphore(%arg10 : memref<!tpu.dma_semaphore, #tpu.memory_space<semaphore_mem>>)
      } else {
      }
      %add3A_103 = arith.constant 1 : i32
      %add3A_104 = arith.addi %add3A_86, %add3A_103 : i32
      %dma_wait3A_105 = arith.constant 0 : i32
      %dma_wait3A_106 = tpu.memref_slice %arg5[%add3A_104, %dma_wait3A_105] : memref<40x128xi32, #tpu.memory_space<vmem>> -> memref<1x128xi32, #tpu.memory_space<vmem>>
      %dma_wait3A_107 = tpu.memref_squeeze %dma_wait3A_106 : memref<1x128xi32, #tpu.memory_space<vmem>> -> memref<128xi32, #tpu.memory_space<vmem>>
      %dma_wait3A_108 = arith.constant 0 : i32
      %dma_wait3A_109 = arith.constant 0 : i32
      %dma_wait3A_110 = tpu.memref_slice %arg2[%dma_wait3A_108, %dma_wait3A_109] : memref<10000x128xf32, #tpu.memory_space<hbm>> -> memref<10000x128xf32, #tpu.memory_space<hbm>>
      tpu.wait_indirect_dma semaphore(%arg11 : memref<!tpu.dma_semaphore, #tpu.memory_space<semaphore_mem>>) src(%dma_wait3A_110 : memref<10000x128xf32, #tpu.memory_space<hbm>>) dst(%arg8 : memref<128x128xf32, #tpu.memory_space<vmem>>)
      %add3A_111 = arith.constant 1 : i32
      %add3A_112 = arith.addi %add3A_86, %add3A_111 : i32
      %dma_start3A_113 = arith.constant 0 : i32
      %dma_start3A_114 = tpu.memref_slice %arg6[%add3A_112, %dma_start3A_113] : memref<40x128xi32, #tpu.memory_space<vmem>> -> memref<1x128xi32, #tpu.memory_space<vmem>>
      %dma_start3A_115 = tpu.memref_squeeze %dma_start3A_114 : memref<1x128xi32, #tpu.memory_space<vmem>> -> memref<128xi32, #tpu.memory_space<vmem>>
      %dma_start3A_116 = arith.constant 0 : i32
      %dma_start3A_117 = arith.constant 0 : i32
      %dma_start3A_118 = tpu.memref_slice %arg9[%dma_start3A_116, %dma_start3A_117] : memref<10240x128xf32, #tpu.memory_space<vmem_shared>> -> memref<10240x128xf32, #tpu.memory_space<vmem_shared>>
      tpu.enqueue_indirect_dma source(%arg8 : memref<128x128xf32, #tpu.memory_space<vmem>>) target(%dma_start3A_118 : memref<10240x128xf32, #tpu.memory_space<vmem_shared>>) offsets(%dma_start3A_115 : memref<128xi32, #tpu.memory_space<vmem>>) semaphore(%arg13 : memref<!tpu.dma_semaphore, #tpu.memory_space<semaphore_mem>>) {add = true}
      %add3A_119 = arith.constant 3 : i32
      %add3A_120 = arith.addi %add3A_86, %add3A_119 : i32
      %lt3A_121 = arith.constant 40 : i32
      %lt3A_122 = arith.cmpi slt, %add3A_120, %lt3A_121 : i32
      %convert_element_type3A_123 = arith.extui %lt3A_122 : i1 to i32
      %cond3A_124 = arith.constant 0 : i32
      %cond3A_125 = arith.cmpi ne, %convert_element_type3A_123, %cond3A_124 : i32
      scf.if %cond3A_125 {
        %add3A_126 = arith.constant 1 : i32
        %add3A_127 = arith.addi %add3A_86, %add3A_126 : i32
        %dma_wait3A_128 = arith.constant 0 : i32
        %dma_wait3A_129 = tpu.memref_slice %arg6[%add3A_127, %dma_wait3A_128] : memref<40x128xi32, #tpu.memory_space<vmem>> -> memref<1x128xi32, #tpu.memory_space<vmem>>
        %dma_wait3A_130 = tpu.memref_squeeze %dma_wait3A_129 : memref<1x128xi32, #tpu.memory_space<vmem>> -> memref<128xi32, #tpu.memory_space<vmem>>
        %dma_wait3A_131 = arith.constant 0 : i32
        %dma_wait3A_132 = arith.constant 0 : i32
        %dma_wait3A_133 = tpu.memref_slice %arg9[%dma_wait3A_131, %dma_wait3A_132] : memref<10240x128xf32, #tpu.memory_space<vmem_shared>> -> memref<10240x128xf32, #tpu.memory_space<vmem_shared>>
        tpu.wait_indirect_dma semaphore(%arg13 : memref<!tpu.dma_semaphore, #tpu.memory_space<semaphore_mem>>) src(%arg8 : memref<128x128xf32, #tpu.memory_space<vmem>>) dst(%dma_wait3A_133 : memref<10240x128xf32, #tpu.memory_space<vmem_shared>>)
        %add3A_134 = arith.constant 3 : i32
        %add3A_135 = arith.addi %add3A_86, %add3A_134 : i32
        %dma_start3A_136 = arith.constant 0 : i32
        %dma_start3A_137 = tpu.memref_slice %arg5[%add3A_135, %dma_start3A_136] : memref<40x128xi32, #tpu.memory_space<vmem>> -> memref<1x128xi32, #tpu.memory_space<vmem>>
        %dma_start3A_138 = tpu.memref_squeeze %dma_start3A_137 : memref<1x128xi32, #tpu.memory_space<vmem>> -> memref<128xi32, #tpu.memory_space<vmem>>
        %dma_start3A_139 = arith.constant 0 : i32
        %dma_start3A_140 = arith.constant 0 : i32
        %dma_start3A_141 = tpu.memref_slice %arg2[%dma_start3A_139, %dma_start3A_140] : memref<10000x128xf32, #tpu.memory_space<hbm>> -> memref<10000x128xf32, #tpu.memory_space<hbm>>
        tpu.enqueue_indirect_dma source(%dma_start3A_141 : memref<10000x128xf32, #tpu.memory_space<hbm>>) target(%arg8 : memref<128x128xf32, #tpu.memory_space<vmem>>) offsets(%dma_start3A_138 : memref<128xi32, #tpu.memory_space<vmem>>) semaphore(%arg11 : memref<!tpu.dma_semaphore, #tpu.memory_space<semaphore_mem>>)
      } else {
      }
    }
    %scan3A_62 = arith.constant 20 : i32
    %dma_wait3A_63 = arith.constant 38 : i32
    %dma_wait3A_64 = arith.constant 0 : i32
    %dma_wait3A_65 = tpu.memref_slice %arg6[%dma_wait3A_63, %dma_wait3A_64] : memref<40x128xi32, #tpu.memory_space<vmem>> -> memref<1x128xi32, #tpu.memory_space<vmem>>
    %dma_wait3A_66 = tpu.memref_squeeze %dma_wait3A_65 : memref<1x128xi32, #tpu.memory_space<vmem>> -> memref<128xi32, #tpu.memory_space<vmem>>
    %dma_wait3A_67 = arith.constant 0 : i32
    %dma_wait3A_68 = arith.constant 0 : i32
    %dma_wait3A_69 = tpu.memref_slice %arg9[%dma_wait3A_67, %dma_wait3A_68] : memref<10240x128xf32, #tpu.memory_space<vmem_shared>> -> memref<10240x128xf32, #tpu.memory_space<vmem_shared>>
    tpu.wait_indirect_dma semaphore(%arg12 : memref<!tpu.dma_semaphore, #tpu.memory_space<semaphore_mem>>) src(%arg7 : memref<128x128xf32, #tpu.memory_space<vmem>>) dst(%dma_wait3A_69 : memref<10240x128xf32, #tpu.memory_space<vmem_shared>>)
    %dma_wait3A_70 = arith.constant 39 : i32
    %dma_wait3A_71 = arith.constant 0 : i32
    %dma_wait3A_72 = tpu.memref_slice %arg6[%dma_wait3A_70, %dma_wait3A_71] : memref<40x128xi32, #tpu.memory_space<vmem>> -> memref<1x128xi32, #tpu.memory_space<vmem>>
    %dma_wait3A_73 = tpu.memref_squeeze %dma_wait3A_72 : memref<1x128xi32, #tpu.memory_space<vmem>> -> memref<128xi32, #tpu.memory_space<vmem>>
    %dma_wait3A_74 = arith.constant 0 : i32
    %dma_wait3A_75 = arith.constant 0 : i32
    %dma_wait3A_76 = tpu.memref_slice %arg9[%dma_wait3A_74, %dma_wait3A_75] : memref<10240x128xf32, #tpu.memory_space<vmem_shared>> -> memref<10240x128xf32, #tpu.memory_space<vmem_shared>>
    tpu.wait_indirect_dma semaphore(%arg13 : memref<!tpu.dma_semaphore, #tpu.memory_space<semaphore_mem>>) src(%arg8 : memref<128x128xf32, #tpu.memory_space<vmem>>) dst(%dma_wait3A_76 : memref<10240x128xf32, #tpu.memory_space<vmem_shared>>)
    %barrier3A_77 = arith.constant 0 : index
    tpu.barrier barrier_id(%barrier3A_77)
    %mul3A_78 = arith.constant 640 : i32
    %mul3A_79 = arith.muli %arg1, %mul3A_78 : i32
    %mul3A_80 = arith.constant 640 : i32
    %mul3A_81 = arith.muli %arg1, %mul3A_80 : i32
    "tpu.region"() ({
      %run_scoped3A_82 = tpu.sem_alloc : memref<!tpu.dma_semaphore, #tpu.memory_space<semaphore_mem>>
      %dma_start3A_83 = arith.constant 0 : i32
      %dma_start3A_84 = tpu.memref_slice %arg4[%arg0, %mul3A_81, %dma_start3A_83] : memref<2x10240x128xf32, #tpu.memory_space<hbm>> -> memref<1x640x128xf32, #tpu.memory_space<hbm>>
      %dma_start3A_85 = tpu.memref_squeeze %dma_start3A_84 : memref<1x640x128xf32, #tpu.memory_space<hbm>> -> memref<640x128xf32, #tpu.memory_space<hbm>>
      %dma_start3A_86 = arith.constant 0 : i32
      %dma_start3A_87 = tpu.memref_slice %arg9[%mul3A_79, %dma_start3A_86] : memref<10240x128xf32, #tpu.memory_space<vmem_shared>> -> memref<640x128xf32, #tpu.memory_space<vmem_shared>>
      tpu.enqueue_dma source(%dma_start3A_87 : memref<640x128xf32, #tpu.memory_space<vmem_shared>>) target(%dma_start3A_85 : memref<640x128xf32, #tpu.memory_space<hbm>>) target_semaphore(%run_scoped3A_82 : memref<!tpu.dma_semaphore, #tpu.memory_space<semaphore_mem>>)
      %dma_wait3A_88 = arith.constant 0 : i32
      %dma_wait3A_89 = tpu.memref_slice %arg4[%arg0, %mul3A_81, %dma_wait3A_88] : memref<2x10240x128xf32, #tpu.memory_space<hbm>> -> memref<1x640x128xf32, #tpu.memory_space<hbm>>
      %dma_wait3A_90 = tpu.memref_squeeze %dma_wait3A_89 : memref<1x640x128xf32, #tpu.memory_space<hbm>> -> memref<640x128xf32, #tpu.memory_space<hbm>>
      %dma_wait3A_91 = arith.constant 0 : i32
      %dma_wait3A_92 = tpu.memref_slice %arg9[%mul3A_79, %dma_wait3A_91] : memref<10240x128xf32, #tpu.memory_space<vmem_shared>> -> memref<640x128xf32, #tpu.memory_space<vmem_shared>>
      tpu.wait_dma2 semaphore(%run_scoped3A_82 : memref<!tpu.dma_semaphore, #tpu.memory_space<semaphore_mem>>) src(%dma_wait3A_92 : memref<640x128xf32, #tpu.memory_space<vmem_shared>>) dst(%dma_wait3A_90 : memref<640x128xf32, #tpu.memory_space<hbm>>)
      tpu.yield
    }) : () -> ()
    return
  }
}

module attributes {stable_mosaic.version = 14 : i64} {
  func.func @_tc1_body(%arg0: i32, %arg1: memref<1000x128xf32, #tpu.memory_space<vmem>>, %arg2: memref<128x128xf32, #tpu.memory_space<vmem>>, %arg3: memref<1000x1xf32, #tpu.memory_space<vmem>>, %arg4: memref<1000x1xf32, #tpu.memory_space<vmem>>, %arg5: memref<1000x128xf32, #tpu.memory_space<vmem>>, %arg6: memref<1000x1xf32, #tpu.memory_space<vmem>>) attributes {dimension_semantics = [#tpu.dimension_semantics<arbitrary>], iteration_bounds = array<i64: 10>, scalar_prefetch = 0 : i64, scratch_operands = 0 : i64, tpu.core_type = #tpu.core_type<tc>, window_params = [{transform_indices = @transform_0, window_bounds = array<i64: 1000, 128>}, {pipeline_mode = #tpu.pipeline_mode<synchronous>, transform_indices = @transform_1, window_bounds = array<i64: 128, 128>}, {transform_indices = @transform_2, window_bounds = array<i64: 1000, 1>}, {transform_indices = @transform_3, window_bounds = array<i64: 1000, 1>}, {transform_indices = @transform_4, window_bounds = array<i64: 1000, 128>}, {transform_indices = @transform_5, window_bounds = array<i64: 1000, 1>}]} {
    %get3A = arith.constant 0 : index
    %get3A_0 = arith.constant 0 : index
    %get3A_1 = vector.load %arg3[%get3A, %get3A_0] : memref<1000x1xf32, #tpu.memory_space<vmem>>, vector<1000x1xf32>
    %get3A_2 = arith.constant 0 : index
    %get3A_3 = arith.constant 0 : index
    %get3A_4 = vector.load %arg4[%get3A_2, %get3A_3] : memref<1000x1xf32, #tpu.memory_space<vmem>>, vector<1000x1xf32>
    %add3A = arith.addf %get3A_1, %get3A_4 : vector<1000x1xf32>
    %add3A_5 = arith.constant 1.000000e+00 : f32
    %add3A_6 = vector.broadcast %add3A_5 : f32 to vector<1000x1xf32>
    %add3A_7 = arith.addf %add3A, %add3A_6 : vector<1000x1xf32>
    %rsqrt3A = math.rsqrt %add3A_7 : vector<1000x1xf32>
    %swap3A = arith.constant 0 : index
    %swap3A_8 = arith.constant 0 : index
    %swap3A_9 = vector.load %arg6[%swap3A, %swap3A_8] : memref<1000x1xf32, #tpu.memory_space<vmem>>, vector<1000x1xf32>
    tpu.vector_store %arg6[%swap3A, %swap3A_8], %rsqrt3A {strides = array<i32>} : memref<1000x1xf32, #tpu.memory_space<vmem>>, vector<1000x1xf32>,
    %get3A_10 = arith.constant 0 : index
    %get3A_11 = arith.constant 0 : index
    %get3A_12 = vector.load %arg1[%get3A_10, %get3A_11] : memref<1000x128xf32, #tpu.memory_space<vmem>>, vector<1000x128xf32>
    %get3A_13 = arith.constant 0 : index
    %get3A_14 = arith.constant 0 : index
    %get3A_15 = vector.load %arg2[%get3A_13, %get3A_14] : memref<128x128xf32, #tpu.memory_space<vmem>>, vector<128x128xf32>
    %dot_general3A = arith.constant dense<0.000000e+00> : vector<1000x128xf32>
    %dot_general3A_16 = tpu.matmul %get3A_12, %get3A_15, %dot_general3A {dimension_numbers = #tpu.dot_dimension_numbers<[1], [0], [0], [1], [0, 0, 1, 1], [], []>, transpose_lhs_hint = false} : vector<1000x128xf32>, vector<128x128xf32>, vector<1000x128xf32> -> vector<1000x128xf32>
    %mul3A = vector.broadcast %rsqrt3A : vector<1000x1xf32> to vector<1000x128xf32>
    %mul3A_17 = arith.mulf %mul3A, %dot_general3A_16 : vector<1000x128xf32>
    %swap3A_18 = arith.constant 0 : index
    %swap3A_19 = arith.constant 0 : index
    %swap3A_20 = vector.load %arg5[%swap3A_18, %swap3A_19] : memref<1000x128xf32, #tpu.memory_space<vmem>>, vector<1000x128xf32>
    tpu.vector_store %arg5[%swap3A_18, %swap3A_19], %mul3A_17 {strides = array<i32>} : memref<1000x128xf32, #tpu.memory_space<vmem>>, vector<1000x128xf32>,
    return
  }
  func.func @transform_0(%arg0: i32) -> (i32, i32) {
    %c0_i32 = arith.constant 0 : i32
    %c0_i32_0 = arith.constant 0 : i32
    return %arg0, %c0_i32 : i32, i32
  }
  func.func @transform_1(%arg0: i32) -> (i32, i32) {
    %c0_i32 = arith.constant 0 : i32
    %c0_i32_0 = arith.constant 0 : i32
    %c0_i32_1 = arith.constant 0 : i32
    return %c0_i32, %c0_i32_0 : i32, i32
  }
  func.func @transform_2(%arg0: i32) -> (i32, i32) {
    %c0_i32 = arith.constant 0 : i32
    %c0_i32_0 = arith.constant 0 : i32
    return %arg0, %c0_i32 : i32, i32
  }
  func.func @transform_3(%arg0: i32) -> (i32, i32) {
    %c0_i32 = arith.constant 0 : i32
    %c0_i32_0 = arith.constant 0 : i32
    return %arg0, %c0_i32 : i32, i32
  }
  func.func @transform_4(%arg0: i32) -> (i32, i32) {
    %c0_i32 = arith.constant 0 : i32
    %c0_i32_0 = arith.constant 0 : i32
    return %arg0, %c0_i32 : i32, i32
  }
  func.func @transform_5(%arg0: i32) -> (i32, i32) {
    %c0_i32 = arith.constant 0 : i32
    %c0_i32_0 = arith.constant 0 : i32
    return %arg0, %c0_i32 : i32, i32
  }
}

module attributes {stable_mosaic.version = 14 : i64} {
  func.func @_tc_mid_body(%arg0: i32, %arg1: memref<1x1000x128xf32, #tpu.memory_space<vmem>>, %arg2: memref<1x1000x128xf32, #tpu.memory_space<vmem>>, %arg3: memref<1000x128xf32, #tpu.memory_space<vmem>>, %arg4: memref<1000x1xf32, #tpu.memory_space<vmem>>, %arg5: memref<1x128xf32, #tpu.memory_space<vmem>>, %arg6: memref<1x128xf32, #tpu.memory_space<vmem>>, %arg7: memref<1x128xf32, #tpu.memory_space<vmem>>, %arg8: memref<1x128xf32, #tpu.memory_space<vmem>>, %arg9: memref<1x128xf32, #tpu.memory_space<vmem>>, %arg10: memref<128x128xf32, #tpu.memory_space<vmem>>, %arg11: memref<1000x128xf32, #tpu.memory_space<vmem>>) attributes {dimension_semantics = [#tpu.dimension_semantics<arbitrary>], iteration_bounds = array<i64: 10>, scalar_prefetch = 0 : i64, scratch_operands = 0 : i64, tpu.core_type = #tpu.core_type<tc>, window_params = [{transform_indices = @transform_0, window_bounds = array<i64: 1, 1000, 128>}, {transform_indices = @transform_1, window_bounds = array<i64: 1, 1000, 128>}, {transform_indices = @transform_2, window_bounds = array<i64: 1000, 128>}, {transform_indices = @transform_3, window_bounds = array<i64: 1000, 1>}, {pipeline_mode = #tpu.pipeline_mode<synchronous>, transform_indices = @transform_4, window_bounds = array<i64: 1, 128>}, {pipeline_mode = #tpu.pipeline_mode<synchronous>, transform_indices = @transform_5, window_bounds = array<i64: 1, 128>}, {pipeline_mode = #tpu.pipeline_mode<synchronous>, transform_indices = @transform_6, window_bounds = array<i64: 1, 128>}, {pipeline_mode = #tpu.pipeline_mode<synchronous>, transform_indices = @transform_7, window_bounds = array<i64: 1, 128>}, {pipeline_mode = #tpu.pipeline_mode<synchronous>, transform_indices = @transform_8, window_bounds = array<i64: 1, 128>}, {pipeline_mode = #tpu.pipeline_mode<synchronous>, transform_indices = @transform_9, window_bounds = array<i64: 128, 128>}, {transform_indices = @transform_10, window_bounds = array<i64: 1000, 128>}]} {
    %get3A = arith.constant 0 : index
    %get3A_0 = arith.constant 0 : index
    %get3A_1 = vector.load %arg4[%get3A, %get3A_0] : memref<1000x1xf32, #tpu.memory_space<vmem>>, vector<1000x1xf32>
    %get3A_2 = arith.constant 0 : index
    %get3A_3 = arith.constant 0 : index
    %get3A_4 = arith.constant 0 : index
    %get3A_5 = vector.load %arg1[%get3A_2, %get3A_3, %get3A_4] : memref<1x1000x128xf32, #tpu.memory_space<vmem>>, vector<1x1000x128xf32>
    %get3A_6 = vector.shape_cast %get3A_5 : vector<1x1000x128xf32> to vector<1000x128xf32>
    %get3A_7 = arith.constant 0 : index
    %get3A_8 = arith.constant 0 : index
    %get3A_9 = arith.constant 0 : index
    %get3A_10 = vector.load %arg2[%get3A_7, %get3A_8, %get3A_9] : memref<1x1000x128xf32, #tpu.memory_space<vmem>>, vector<1x1000x128xf32>
    %get3A_11 = vector.shape_cast %get3A_10 : vector<1x1000x128xf32> to vector<1000x128xf32>
    %add3A = arith.addf %get3A_6, %get3A_11 : vector<1000x128xf32>
    %get3A_12 = arith.constant 0 : index
    %get3A_13 = arith.constant 0 : index
    %get3A_14 = vector.load %arg3[%get3A_12, %get3A_13] : memref<1000x128xf32, #tpu.memory_space<vmem>>, vector<1000x128xf32>
    %add3A_15 = arith.addf %add3A, %get3A_14 : vector<1000x128xf32>
    %mul3A = vector.broadcast %get3A_1 : vector<1000x1xf32> to vector<1000x128xf32>
    %mul3A_16 = arith.mulf %mul3A, %add3A_15 : vector<1000x128xf32>
    %get3A_17 = arith.constant 0 : index
    %get3A_18 = arith.constant 0 : index
    %get3A_19 = vector.load %arg5[%get3A_17, %get3A_18] : memref<1x128xf32, #tpu.memory_space<vmem>>, vector<1x128xf32>
    %add3A_20 = vector.broadcast %get3A_19 : vector<1x128xf32> to vector<1000x128xf32>
    %add3A_21 = arith.addf %mul3A_16, %add3A_20 : vector<1000x128xf32>
    %get3A_22 = arith.constant 0 : index
    %get3A_23 = arith.constant 0 : index
    %get3A_24 = vector.load %arg8[%get3A_22, %get3A_23] : memref<1x128xf32, #tpu.memory_space<vmem>>, vector<1x128xf32>
    %sub3A = vector.broadcast %get3A_24 : vector<1x128xf32> to vector<1000x128xf32>
    %sub3A_25 = arith.subf %add3A_21, %sub3A : vector<1000x128xf32>
    %get3A_26 = arith.constant 0 : index
    %get3A_27 = arith.constant 0 : index
    %get3A_28 = vector.load %arg9[%get3A_26, %get3A_27] : memref<1x128xf32, #tpu.memory_space<vmem>>, vector<1x128xf32>
    %add3A_29 = arith.constant 9.99999974E-6 : f32
    %add3A_30 = vector.broadcast %add3A_29 : f32 to vector<1x128xf32>
    %add3A_31 = arith.addf %get3A_28, %add3A_30 : vector<1x128xf32>
    %rsqrt3A = math.rsqrt %add3A_31 : vector<1x128xf32>
    %mul3A_32 = vector.broadcast %rsqrt3A : vector<1x128xf32> to vector<1000x128xf32>
    %mul3A_33 = arith.mulf %sub3A_25, %mul3A_32 : vector<1000x128xf32>
    %get3A_34 = arith.constant 0 : index
    %get3A_35 = arith.constant 0 : index
    %get3A_36 = vector.load %arg6[%get3A_34, %get3A_35] : memref<1x128xf32, #tpu.memory_space<vmem>>, vector<1x128xf32>
    %mul3A_37 = vector.broadcast %get3A_36 : vector<1x128xf32> to vector<1000x128xf32>
    %mul3A_38 = arith.mulf %mul3A_33, %mul3A_37 : vector<1000x128xf32>
    %get3A_39 = arith.constant 0 : index
    %get3A_40 = arith.constant 0 : index
    %get3A_41 = vector.load %arg7[%get3A_39, %get3A_40] : memref<1x128xf32, #tpu.memory_space<vmem>>, vector<1x128xf32>
    %add3A_42 = vector.broadcast %get3A_41 : vector<1x128xf32> to vector<1000x128xf32>
    %add3A_43 = arith.addf %mul3A_38, %add3A_42 : vector<1000x128xf32>
    %max3A = arith.constant 0.000000e+00 : f32
    %max3A_44 = vector.broadcast %max3A : f32 to vector<1000x128xf32>
    %max3A_45 = arith.maximumf %add3A_43, %max3A_44 : vector<1000x128xf32>
    %get3A_46 = arith.constant 0 : index
    %get3A_47 = arith.constant 0 : index
    %get3A_48 = vector.load %arg4[%get3A_46, %get3A_47] : memref<1000x1xf32, #tpu.memory_space<vmem>>, vector<1000x1xf32>
    %get3A_49 = arith.constant 0 : index
    %get3A_50 = arith.constant 0 : index
    %get3A_51 = vector.load %arg10[%get3A_49, %get3A_50] : memref<128x128xf32, #tpu.memory_space<vmem>>, vector<128x128xf32>
    %dot_general3A = arith.constant dense<0.000000e+00> : vector<1000x128xf32>
    %dot_general3A_52 = tpu.matmul %max3A_45, %get3A_51, %dot_general3A {dimension_numbers = #tpu.dot_dimension_numbers<[1], [0], [0], [1], [0, 0, 1, 1], [], []>, transpose_lhs_hint = false} : vector<1000x128xf32>, vector<128x128xf32>, vector<1000x128xf32> -> vector<1000x128xf32>
    %mul3A_53 = vector.broadcast %get3A_48 : vector<1000x1xf32> to vector<1000x128xf32>
    %mul3A_54 = arith.mulf %mul3A_53, %dot_general3A_52 : vector<1000x128xf32>
    %swap3A = arith.constant 0 : index
    %swap3A_55 = arith.constant 0 : index
    %swap3A_56 = vector.load %arg11[%swap3A, %swap3A_55] : memref<1000x128xf32, #tpu.memory_space<vmem>>, vector<1000x128xf32>
    tpu.vector_store %arg11[%swap3A, %swap3A_55], %mul3A_54 {strides = array<i32>} : memref<1000x128xf32, #tpu.memory_space<vmem>>, vector<1000x128xf32>,
    return
  }
  func.func @transform_0(%arg0: i32) -> (i32, i32, i32) {
    %c0_i32 = arith.constant 0 : i32
    %c0_i32_0 = arith.constant 0 : i32
    %c0_i32_1 = arith.constant 0 : i32
    return %c0_i32, %arg0, %c0_i32_0 : i32, i32, i32
  }
  func.func @transform_1(%arg0: i32) -> (i32, i32, i32) {
    %c1_i32 = arith.constant 1 : i32
    %c0_i32 = arith.constant 0 : i32
    %c0_i32_0 = arith.constant 0 : i32
    return %c1_i32, %arg0, %c0_i32 : i32, i32, i32
  }
  func.func @transform_2(%arg0: i32) -> (i32, i32) {
    %c0_i32 = arith.constant 0 : i32
    %c0_i32_0 = arith.constant 0 : i32
    return %arg0, %c0_i32 : i32, i32
  }
  func.func @transform_3(%arg0: i32) -> (i32, i32) {
    %c0_i32 = arith.constant 0 : i32
    %c0_i32_0 = arith.constant 0 : i32
    return %arg0, %c0_i32 : i32, i32
  }
  func.func @transform_4(%arg0: i32) -> (i32, i32) {
    %c0_i32 = arith.constant 0 : i32
    %c0_i32_0 = arith.constant 0 : i32
    %c0_i32_1 = arith.constant 0 : i32
    return %c0_i32, %c0_i32_0 : i32, i32
  }
  func.func @transform_5(%arg0: i32) -> (i32, i32) {
    %c0_i32 = arith.constant 0 : i32
    %c0_i32_0 = arith.constant 0 : i32
    %c0_i32_1 = arith.constant 0 : i32
    return %c0_i32, %c0_i32_0 : i32, i32
  }
  func.func @transform_6(%arg0: i32) -> (i32, i32) {
    %c0_i32 = arith.constant 0 : i32
    %c0_i32_0 = arith.constant 0 : i32
    %c0_i32_1 = arith.constant 0 : i32
    return %c0_i32, %c0_i32_0 : i32, i32
  }
  func.func @transform_7(%arg0: i32) -> (i32, i32) {
    %c0_i32 = arith.constant 0 : i32
    %c0_i32_0 = arith.constant 0 : i32
    %c0_i32_1 = arith.constant 0 : i32
    return %c0_i32, %c0_i32_0 : i32, i32
  }
  func.func @transform_8(%arg0: i32) -> (i32, i32) {
    %c0_i32 = arith.constant 0 : i32
    %c0_i32_0 = arith.constant 0 : i32
    %c0_i32_1 = arith.constant 0 : i32
    return %c0_i32, %c0_i32_0 : i32, i32
  }
  func.func @transform_9(%arg0: i32) -> (i32, i32) {
    %c0_i32 = arith.constant 0 : i32
    %c0_i32_0 = arith.constant 0 : i32
    %c0_i32_1 = arith.constant 0 : i32
    return %c0_i32, %c0_i32_0 : i32, i32
  }
  func.func @transform_10(%arg0: i32) -> (i32, i32) {
    %c0_i32 = arith.constant 0 : i32
    %c0_i32_0 = arith.constant 0 : i32
    return %arg0, %c0_i32 : i32, i32
  }
}

module attributes {stable_mosaic.version = 14 : i64} {
  func.func @_tc_fin_body(%arg0: i32, %arg1: memref<1x1000x128xf32, #tpu.memory_space<vmem>>, %arg2: memref<1x1000x128xf32, #tpu.memory_space<vmem>>, %arg3: memref<1000x128xf32, #tpu.memory_space<vmem>>, %arg4: memref<1000x1xf32, #tpu.memory_space<vmem>>, %arg5: memref<1x128xf32, #tpu.memory_space<vmem>>, %arg6: memref<1x128xf32, #tpu.memory_space<vmem>>, %arg7: memref<1x128xf32, #tpu.memory_space<vmem>>, %arg8: memref<1x128xf32, #tpu.memory_space<vmem>>, %arg9: memref<1x128xf32, #tpu.memory_space<vmem>>, %arg10: memref<1000x64xf32, #tpu.memory_space<vmem>>, %arg11: memref<1000x128xf32, #tpu.memory_space<vmem>>, %arg12: memref<64x128xf32, #tpu.memory_space<vmem>>) attributes {dimension_semantics = [#tpu.dimension_semantics<arbitrary>], iteration_bounds = array<i64: 10>, scalar_prefetch = 0 : i64, scratch_operands = 0 : i64, tpu.core_type = #tpu.core_type<tc>, window_params = [{transform_indices = @transform_0, window_bounds = array<i64: 1, 1000, 128>}, {transform_indices = @transform_1, window_bounds = array<i64: 1, 1000, 128>}, {transform_indices = @transform_2, window_bounds = array<i64: 1000, 128>}, {transform_indices = @transform_3, window_bounds = array<i64: 1000, 1>}, {pipeline_mode = #tpu.pipeline_mode<synchronous>, transform_indices = @transform_4, window_bounds = array<i64: 1, 128>}, {pipeline_mode = #tpu.pipeline_mode<synchronous>, transform_indices = @transform_5, window_bounds = array<i64: 1, 128>}, {pipeline_mode = #tpu.pipeline_mode<synchronous>, transform_indices = @transform_6, window_bounds = array<i64: 1, 128>}, {pipeline_mode = #tpu.pipeline_mode<synchronous>, transform_indices = @transform_7, window_bounds = array<i64: 1, 128>}, {pipeline_mode = #tpu.pipeline_mode<synchronous>, transform_indices = @transform_8, window_bounds = array<i64: 1, 128>}, {transform_indices = @transform_9, window_bounds = array<i64: 1000, 64>}, {transform_indices = @transform_10, window_bounds = array<i64: 1000, 128>}, {pipeline_mode = #tpu.pipeline_mode<synchronous>, transform_indices = @transform_11, window_bounds = array<i64: 64, 128>}]} {
    %get3A = arith.constant 0 : index
    %get3A_0 = arith.constant 0 : index
    %get3A_1 = vector.load %arg4[%get3A, %get3A_0] : memref<1000x1xf32, #tpu.memory_space<vmem>>, vector<1000x1xf32>
    %get3A_2 = arith.constant 0 : index
    %get3A_3 = arith.constant 0 : index
    %get3A_4 = arith.constant 0 : index
    %get3A_5 = vector.load %arg1[%get3A_2, %get3A_3, %get3A_4] : memref<1x1000x128xf32, #tpu.memory_space<vmem>>, vector<1x1000x128xf32>
    %get3A_6 = vector.shape_cast %get3A_5 : vector<1x1000x128xf32> to vector<1000x128xf32>
    %get3A_7 = arith.constant 0 : index
    %get3A_8 = arith.constant 0 : index
    %get3A_9 = arith.constant 0 : index
    %get3A_10 = vector.load %arg2[%get3A_7, %get3A_8, %get3A_9] : memref<1x1000x128xf32, #tpu.memory_space<vmem>>, vector<1x1000x128xf32>
    %get3A_11 = vector.shape_cast %get3A_10 : vector<1x1000x128xf32> to vector<1000x128xf32>
    %add3A = arith.addf %get3A_6, %get3A_11 : vector<1000x128xf32>
    %get3A_12 = arith.constant 0 : index
    %get3A_13 = arith.constant 0 : index
    %get3A_14 = vector.load %arg3[%get3A_12, %get3A_13] : memref<1000x128xf32, #tpu.memory_space<vmem>>, vector<1000x128xf32>
    %add3A_15 = arith.addf %add3A, %get3A_14 : vector<1000x128xf32>
    %mul3A = vector.broadcast %get3A_1 : vector<1000x1xf32> to vector<1000x128xf32>
    %mul3A_16 = arith.mulf %mul3A, %add3A_15 : vector<1000x128xf32>
    %get3A_17 = arith.constant 0 : index
    %get3A_18 = arith.constant 0 : index
    %get3A_19 = vector.load %arg5[%get3A_17, %get3A_18] : memref<1x128xf32, #tpu.memory_space<vmem>>, vector<1x128xf32>
    %add3A_20 = vector.broadcast %get3A_19 : vector<1x128xf32> to vector<1000x128xf32>
    %add3A_21 = arith.addf %mul3A_16, %add3A_20 : vector<1000x128xf32>
    %get3A_22 = arith.constant 0 : index
    %get3A_23 = arith.constant 0 : index
    %get3A_24 = vector.load %arg8[%get3A_22, %get3A_23] : memref<1x128xf32, #tpu.memory_space<vmem>>, vector<1x128xf32>
    %sub3A = vector.broadcast %get3A_24 : vector<1x128xf32> to vector<1000x128xf32>
    %sub3A_25 = arith.subf %add3A_21, %sub3A : vector<1000x128xf32>
    %get3A_26 = arith.constant 0 : index
    %get3A_27 = arith.constant 0 : index
    %get3A_28 = vector.load %arg9[%get3A_26, %get3A_27] : memref<1x128xf32, #tpu.memory_space<vmem>>, vector<1x128xf32>
    %add3A_29 = arith.constant 9.99999974E-6 : f32
    %add3A_30 = vector.broadcast %add3A_29 : f32 to vector<1x128xf32>
    %add3A_31 = arith.addf %get3A_28, %add3A_30 : vector<1x128xf32>
    %rsqrt3A = math.rsqrt %add3A_31 : vector<1x128xf32>
    %mul3A_32 = vector.broadcast %rsqrt3A : vector<1x128xf32> to vector<1000x128xf32>
    %mul3A_33 = arith.mulf %sub3A_25, %mul3A_32 : vector<1000x128xf32>
    %get3A_34 = arith.constant 0 : index
    %get3A_35 = arith.constant 0 : index
    %get3A_36 = vector.load %arg6[%get3A_34, %get3A_35] : memref<1x128xf32, #tpu.memory_space<vmem>>, vector<1x128xf32>
    %mul3A_37 = vector.broadcast %get3A_36 : vector<1x128xf32> to vector<1000x128xf32>
    %mul3A_38 = arith.mulf %mul3A_33, %mul3A_37 : vector<1000x128xf32>
    %get3A_39 = arith.constant 0 : index
    %get3A_40 = arith.constant 0 : index
    %get3A_41 = vector.load %arg7[%get3A_39, %get3A_40] : memref<1x128xf32, #tpu.memory_space<vmem>>, vector<1x128xf32>
    %add3A_42 = vector.broadcast %get3A_41 : vector<1x128xf32> to vector<1000x128xf32>
    %add3A_43 = arith.addf %mul3A_38, %add3A_42 : vector<1000x128xf32>
    %max3A = arith.constant 0.000000e+00 : f32
    %max3A_44 = vector.broadcast %max3A : f32 to vector<1000x128xf32>
    %max3A_45 = arith.maximumf %add3A_43, %max3A_44 : vector<1000x128xf32>
    %swap3A = arith.constant 0 : index
    %swap3A_46 = arith.constant 0 : index
    %swap3A_47 = vector.load %arg11[%swap3A, %swap3A_46] : memref<1000x128xf32, #tpu.memory_space<vmem>>, vector<1000x128xf32>
    tpu.vector_store %arg11[%swap3A, %swap3A_46], %max3A_45 {strides = array<i32>} : memref<1000x128xf32, #tpu.memory_space<vmem>>, vector<1000x128xf32>,
    %get3A_48 = arith.constant 0 : index
    %get3A_49 = arith.constant 0 : index
    %get3A_50 = vector.load %arg10[%get3A_48, %get3A_49] : memref<1000x64xf32, #tpu.memory_space<vmem>>, vector<1000x64xf32>
    %dot_general3A = arith.constant dense<0.000000e+00> : vector<64x128xf32>
    %dot_general3A_51 = tpu.matmul %get3A_50, %max3A_45, %dot_general3A {dimension_numbers = #tpu.dot_dimension_numbers<[0], [0], [1], [1], [0, 1, 1, 1], [], []>, transpose_lhs_hint = false} : vector<1000x64xf32>, vector<1000x128xf32>, vector<64x128xf32> -> vector<64x128xf32>
    %eq3A = arith.constant 0 : i32
    %eq3A_52 = arith.cmpi eq, %arg0, %eq3A : i32
    %convert_element_type3A = arith.extui %eq3A_52 : i1 to i32
    %cond3A = arith.constant 0 : i32
    %cond3A_53 = arith.cmpi ne, %convert_element_type3A, %cond3A : i32
    scf.if %cond3A_53 {
      %swap3A_58 = arith.constant 0 : index
      %swap3A_59 = arith.constant 0 : index
      %swap3A_60 = vector.load %arg12[%swap3A_58, %swap3A_59] : memref<64x128xf32, #tpu.memory_space<vmem>>, vector<64x128xf32>
      tpu.vector_store %arg12[%swap3A_58, %swap3A_59], %dot_general3A_51 {strides = array<i32>} : memref<64x128xf32, #tpu.memory_space<vmem>>, vector<64x128xf32>,
    } else {
    }
    %ne3A = arith.constant 0 : i32
    %ne3A_54 = arith.cmpi ne, %arg0, %ne3A : i32
    %convert_element_type3A_55 = arith.extui %ne3A_54 : i1 to i32
    %cond3A_56 = arith.constant 0 : i32
    %cond3A_57 = arith.cmpi ne, %convert_element_type3A_55, %cond3A_56 : i32
    scf.if %cond3A_57 {
      %get3A_58 = arith.constant 0 : index
      %get3A_59 = arith.constant 0 : index
      %get3A_60 = vector.load %arg12[%get3A_58, %get3A_59] : memref<64x128xf32, #tpu.memory_space<vmem>>, vector<64x128xf32>
      %add3A_61 = arith.addf %get3A_60, %dot_general3A_51 : vector<64x128xf32>
      %swap3A_62 = arith.constant 0 : index
      %swap3A_63 = arith.constant 0 : index
      %swap3A_64 = vector.load %arg12[%swap3A_62, %swap3A_63] : memref<64x128xf32, #tpu.memory_space<vmem>>, vector<64x128xf32>
      tpu.vector_store %arg12[%swap3A_62, %swap3A_63], %add3A_61 {strides = array<i32>} : memref<64x128xf32, #tpu.memory_space<vmem>>, vector<64x128xf32>,
    } else {
    }
    return
  }
  func.func @transform_0(%arg0: i32) -> (i32, i32, i32) {
    %c0_i32 = arith.constant 0 : i32
    %c0_i32_0 = arith.constant 0 : i32
    %c0_i32_1 = arith.constant 0 : i32
    return %c0_i32, %arg0, %c0_i32_0 : i32, i32, i32
  }
  func.func @transform_1(%arg0: i32) -> (i32, i32, i32) {
    %c1_i32 = arith.constant 1 : i32
    %c0_i32 = arith.constant 0 : i32
    %c0_i32_0 = arith.constant 0 : i32
    return %c1_i32, %arg0, %c0_i32 : i32, i32, i32
  }
  func.func @transform_2(%arg0: i32) -> (i32, i32) {
    %c0_i32 = arith.constant 0 : i32
    %c0_i32_0 = arith.constant 0 : i32
    return %arg0, %c0_i32 : i32, i32
  }
  func.func @transform_3(%arg0: i32) -> (i32, i32) {
    %c0_i32 = arith.constant 0 : i32
    %c0_i32_0 = arith.constant 0 : i32
    return %arg0, %c0_i32 : i32, i32
  }
  func.func @transform_4(%arg0: i32) -> (i32, i32) {
    %c0_i32 = arith.constant 0 : i32
    %c0_i32_0 = arith.constant 0 : i32
    %c0_i32_1 = arith.constant 0 : i32
    return %c0_i32, %c0_i32_0 : i32, i32
  }
  func.func @transform_5(%arg0: i32) -> (i32, i32) {
    %c0_i32 = arith.constant 0 : i32
    %c0_i32_0 = arith.constant 0 : i32
    %c0_i32_1 = arith.constant 0 : i32
    return %c0_i32, %c0_i32_0 : i32, i32
  }
  func.func @transform_6(%arg0: i32) -> (i32, i32) {
    %c0_i32 = arith.constant 0 : i32
    %c0_i32_0 = arith.constant 0 : i32
    %c0_i32_1 = arith.constant 0 : i32
    return %c0_i32, %c0_i32_0 : i32, i32
  }
  func.func @transform_7(%arg0: i32) -> (i32, i32) {
    %c0_i32 = arith.constant 0 : i32
    %c0_i32_0 = arith.constant 0 : i32
    %c0_i32_1 = arith.constant 0 : i32
    return %c0_i32, %c0_i32_0 : i32, i32
  }
  func.func @transform_8(%arg0: i32) -> (i32, i32) {
    %c0_i32 = arith.constant 0 : i32
    %c0_i32_0 = arith.constant 0 : i32
    %c0_i32_1 = arith.constant 0 : i32
    return %c0_i32, %c0_i32_0 : i32, i32
  }
  func.func @transform_9(%arg0: i32) -> (i32, i32) {
    %c0_i32 = arith.constant 0 : i32
    %c0_i32_0 = arith.constant 0 : i32
    return %arg0, %c0_i32 : i32, i32
  }
  func.func @transform_10(%arg0: i32) -> (i32, i32) {
    %c0_i32 = arith.constant 0 : i32
    %c0_i32_0 = arith.constant 0 : i32
    return %arg0, %c0_i32 : i32, i32
  }
  func.func @transform_11(%arg0: i32) -> (i32, i32) {
    %c0_i32 = arith.constant 0 : i32
    %c0_i32_0 = arith.constant 0 : i32
    %c0_i32_1 = arith.constant 0 : i32
    return %c0_i32, %c0_i32_0 : i32, i32
  }
}

</mosaic_0001>

<sc_bundles>
// kernel: kernel.11.cloned.1.call-start
scs
__scs_entry_jumppad:
0x0: {  	(pc) =	sbr.rel $0x88, $3  }
0x1: {  	(tag) =	ssettag $0x0;
	lr =	simm.s32 $0x1  }
0x2: {  	[smem:$0x3F92] =	sst lr;
	_ =	strace $0xD0000000  }
0x3: {  	_ = 	snop  }
0x4: {  	_ = 	snop  }
0x5: {  	_ = 	snop  }
0x6: {  	_ = 	snop  }
0x7: {  	_ = 	snop  }
__scs_overlays_trampoline_lowered:
0x8: {  	[smem:$0x3FA1] =	sst s0  }
0x9: {  	[smem:$0x3FA2] =	sst s1  }
0xa: {  	[smem:$0x3FA3] =	sst s2  }
0xb: {  	[smem:$0x3FA4] =	sst s3  }
0xc: {  	[smem:$0x3FA5] =	sst s4  }
0xd: {  	[smem:$0x3FA6] =	sst s5  }
0xe: {  	[smem:$0x3FA7] =	sst s6  }
0xf: {  	[smem:$0x3FA8] =	sst s7  }
0x10: {  	[smem:$0x3FA9] =	sst s8  }
0x11: {  	[smem:$0x3FAA] =	sst s9;
	s0 =	simm.s32 @!p0 $0x0  }
0x12: {  	s1 =	sld [smem:$0x3F90];
	s0 =	simm.s32 @p0 $0x1  }
0x13: {  	[smem:$0x3FAB] =	sst s0;
	s0 =	simm.s32 @!p1 $0x0  }
0x14: {  	s2 =	sld [smem:$0x3F8F];
	s0 =	simm.s32 @p1 $0x1  }
0x15: {  	[smem:$0x3FAC] =	sst s0;
	s0 =	simm.s32 @!p2 $0x0  }
0x16: {  	s3 =	sld [smem:$0x3FDB];
	s0 =	simm.s32 @p2 $0x1  }
0x17: {  	s4 =	simm.s32 $0x1BF5;
	[smem:$0x3FAE] =	sst s0  }
0x18: {  	s0 =	sld [smem:$0x3F91];
	_ =	swait.ge [sflag:s4], $0x0  }
0x19: {  	s7 =	sld [smem:$0x3F92]  }
0x1a: {  	s8 =	sadd.s32 $0xFFFFE003, lr  }
0x1b: {  	s9 =	sadd.s32 $0xFFFFFEF7, lr;
	s5 =	simm.s32 $0xFFFFFFFF;
	p2 =	slt.u32 s8, $0xFFFFF086  }
0x1c: {  	p1 =	slt.u32 s9, $0xF7A;
	s5 =	simm.s32 @!p2 $0x0  }
0x1d: {  	s5 =	simm.s32 @p1 $0x1;
	p0 =	seq.s32 s7, s2  }
0x1e: {  	s7 =	smul.u32 @!p0 $0xF7A, s2;
	p2 =	seq.s32 @!p0 s5, $0x0  }
0x1f: {  	s9 =	smul.u32 $0xF7A, s1;
	s8 =	simm.s32 @!p0 $0x1BF5;
	p2 =	por !p2, p0  }
0x20: {  	[sflag:s8] =	ssyncset.s32 @!p0 $0xFFFFF086;
	s6 =	sadd.s32 @!p0 s3, s7;
	s7 =	simm.s32 @!p0 $0x108  }
0x21: {  	s3 =	sadd.s32 s3, s9;
	s6 =	sadd.s32 @!p0 $0x88, s6;
	s7 =	simm.s32 @p2 $0x1082  }
0x22: {  	[simem:s7], [sflag:s8] =	dma.local @!p0 [hbm:s6], $0xF7A  }
0x23: {  	s9 =	sor.u32 $0xD0000000, s2;
	s6 =	simm.s32 $0x108;
	_ =	swait.ge @!p0 [sflag:s8], $0x0  }
0x24: {  	s3 =	sadd.s32 $0x88, s3;
	s6 =	simm.s32 @!p1 $0x1082;
	[sflag:s4] =	ssyncset.s32 $0xFFFFF086  }
0x25: {  	[simem:s6], [sflag:s4] =	dma.local [hbm:s3], $0xF7A  }
0x26: {  	[smem:$0x3F92] =	sst s1;
	(tag) =	ssettag s2;
	_ =	strace s9  }
0x27: {  	s1 =	sld [smem:$0x3FA2]  }
0x28: {  	s2 =	sld [smem:$0x3FA3]  }
0x29: {  	s4 =	sld [smem:$0x3FA5]  }
0x2a: {  	p0 =	seq.s32 s5, $0x0;
	s5 =	sld [smem:$0x3FA6]  }
0x2b: {  	s6 =	sld [smem:$0x3FA7]  }
0x2c: {  	s7 =	sld [smem:$0x3FA8]  }
0x2d: {  	s3 =	simm.s32 $0x108;
	s8 =	sld [smem:$0x3FA9]  }
0x2e: {  	s3 =	simm.s32 @!p0 $0x1082;
	s9 =	sld [smem:$0x3FAA]  }
0x2f: {  	lr =	sadd.s32 s0, s3;
	s0 =	sld [smem:$0x3FA1]  }
0x30: {  	s3 =	sld [smem:$0x3FA4]  }
0x31: {  	[smem:$0x3FAD] =	sst s10  }
0x32: {  	s10 =	sld [smem:$0x3FAB];
	_ =	sdelay $0x3  }
0x33: {  	p0 =	seq.s32 s10, $0x1;
	s10 =	sld [smem:$0x3FAD];
	_ =	sdelay $0x3  }
0x34: {  	[smem:$0x3FAD] =	sst s10  }
0x35: {  	s10 =	sld [smem:$0x3FAC];
	_ =	sdelay $0x3  }
0x36: {  	p1 =	seq.s32 s10, $0x1;
	s10 =	sld [smem:$0x3FAD];
	_ =	sdelay $0x3  }
0x37: {  	[smem:$0x3FAD] =	sst s10  }
0x38: {  	s10 =	sld [smem:$0x3FAE]  }
0x39: {  	_ = 	snop;
	(pc) =	sbr.ind lr, $3  }
0x3a: {  	_ = 	snop  }
0x3b: {  	_ = 	snop  }
0x3c: {  	p2 =	seq.s32 s10, $0x1;
	s10 =	sld [smem:$0x3FAD]  }
0x3d: {  	_ =	shalt  }
0x3e: {  	_ =	shalt  }
0x3f: {  	_ =	shalt  }
0x40: {  	_ =	shalt  }
0x41: {  	_ =	shalt  }
0x42: {  	_ =	shalt  }
0x43: {  	_ =	shalt  }
0x44: {  	_ =	shalt  }
0x45: {  	_ =	shalt  }
0x46: {  	_ =	shalt  }
0x47: {  	_ =	shalt  }
0x48: {  	_ =	shalt  }
0x49: {  	_ =	shalt  }
0x4a: {  	_ =	shalt  }
0x4b: {  	_ =	shalt  }
0x4c: {  	_ =	shalt  }
0x4d: {  	_ =	shalt  }
0x4e: {  	_ =	shalt  }
0x4f: {  	_ =	shalt  }
0x50: {  	_ =	shalt  }
0x51: {  	_ =	shalt  }
0x52: {  	_ =	shalt  }
0x53: {  	_ =	shalt  }
0x54: {  	_ =	shalt  }
0x55: {  	_ =	shalt  }
0x56: {  	_ =	shalt  }
0x57: {  	_ =	shalt  }
0x58: {  	_ =	shalt  }
0x59: {  	_ =	shalt  }
0x5a: {  	_ =	shalt  }
0x5b: {  	_ =	shalt  }
0x5c: {  	_ =	shalt  }
0x5d: {  	_ =	shalt  }
0x5e: {  	_ =	shalt  }
0x5f: {  	_ =	shalt  }
0x60: {  	_ =	shalt  }
0x61: {  	_ =	shalt  }
0x62: {  	_ =	shalt  }
0x63: {  	_ =	shalt  }
0x64: {  	_ =	shalt  }
0x65: {  	_ =	shalt  }
0x66: {  	_ =	shalt  }
0x67: {  	_ =	shalt  }
0x68: {  	_ =	shalt  }
0x69: {  	_ =	shalt  }
0x6a: {  	_ =	shalt  }
0x6b: {  	_ =	shalt  }
0x6c: {  	_ =	shalt  }
0x6d: {  	_ =	shalt  }
0x6e: {  	_ =	shalt  }
0x6f: {  	_ =	shalt  }
0x70: {  	_ =	shalt  }
0x71: {  	_ =	shalt  }
0x72: {  	_ =	shalt  }
0x73: {  	_ =	shalt  }
0x74: {  	_ =	shalt  }
0x75: {  	_ =	shalt  }
0x76: {  	_ =	shalt  }
0x77: {  	_ =	shalt  }
0x78: {  	_ =	shalt  }
0x79: {  	_ =	shalt  }
0x7a: {  	_ =	shalt  }
0x7b: {  	_ =	shalt  }
0x7c: {  	_ =	shalt  }
0x7d: {  	_ =	shalt  }
0x7e: {  	_ =	shalt  }
0x7f: {  	_ =	shalt  }
0x80: {  	_ =	shalt  }
0x81: {  	_ =	shalt  }
0x82: {  	_ =	shalt  }
0x83: {  	_ =	shalt  }
0x84: {  	_ =	shalt  }
0x85: {  	_ =	shalt  }
0x86: {  	_ =	shalt  }
0x87: {  	_ =	shalt  }
.Lfunc_end0:
.L_simem_size_0:
called_computation.1_lowered:
.L_overlay_start_0:
0x88: {  	s2 =	sld [smem:$0x3FD9]  }
0x89: {  	s3 =	sld [smem:$0x3FFE];
	_ =	sdelay $0x1  }
0x8a: {  	s1 =	srdreg.scid  }
0x8b: {  	s0 =	sand.u32 $0x1, s1  }
0x8c: {  	s14 =	sshll.u32 s0, $0xA;
	s2 =	sadd.s32 s3, s2  }
0x8d: {  	s2 =	sadd.s32 s2, s14  }
0x8e: {  	[smem:$0x3FB9] =	sst s2  }
0x8f: {  	_ = 	snop  }
0x90: {  	s2 =	sld [smem:$0x3FD0];
	_ =	sdelay $0x2  }
0x91: {  	s15 =	simm.s32 $0xA;
	s4 =	simm.s32 $0x10  }
0x92: {  	[smem:s4], [sflag:s15] =	dma.local [hbm:s2], $0x1  }
0x93: {  	_ =	swait.eq [sflag:s15], $0x1  }
0x94: {  	[sflag:s15] =	ssyncset.done $0x0  }
0x95: {  	[sflag:s15] =	ssyncadd.s32 $0xFFFFFFFF  }
0x96: {  	s16 =	sld [smem:$0x10];
	(tm) =	ssettm $0x1  }
0x97: {  	s17 =	sld [smem:$0x3FFB];
	_ =	sdelay $0x3  }
0x98: {  	_ =	strace s17  }
0x99: {  	s3 =	sld [smem:$0x3FFC];
	_ =	sdelay $0x3  }
0x9a: {  	_ =	strace s3  }
0x9b: {  	s3 =	sld [smem:$0x3FFD];
	_ =	sdelay $0x3  }
0x9c: {  	_ =	strace s3  }
0x9d: {  	_ =	strace $0x8FFFFFFF  }
0x9e: {  	s18 =	sld [smem:$0x3FDB];
	_ =	sdelay $0x1  }
0x9f: {  	s19 =	simm.s32 $_scs_section_size  }
0xa0: {  	s5 =	simm.s32 $_size__tile_overlayer_lowered;
	s6 =	simm.s32 $_tile_overlayer_lowered  }
0xa1: {  	s22 =	simm.s32 $0x1BFF;
	s21 =	sshll.u32 s6, $0x1;
	s3 =	sadd.s32 s19, s18  }
0xa2: {  	s7 =	simm.s32 $0x0;
	s20 =	sshll.u32 s5, $0x1;
	s5 =	sadd.s32 s21, s3  }
0xa3: {  	[timem:s7], [sflag:s22] =	dma.local [hbm:s5], s20  }
0xa4: {  	_ =	swait.ge [sflag:s22], s20  }
0xa5: {  	s4 =	ssub.s32 $0x0, s20;
	[sflag:s22] =	ssyncset.done $0x0  }
0xa6: {  	[sflag:s22] =	ssyncadd.s32 s4;
	_ =	sdelay $0x1  }
0xa7: {  	s23 =	simm.s32 $0x1B8B  }
0xa8: {  	_ =	swait.ge [sflag:s23], $0x1  }
0xa9: {  	[sflag:s23] =	ssyncset.done $0x0  }
0xaa: {  	s25 =	simm.s32 $0x1B8E;
	s24 =	sld [smem:$0x3FFE];
	[sflag:s23] =	ssyncadd.s32 $0xFFFFFFFF  }
0xab: {  	s26 =	simm.s32 $execute0_lowered;
	[smem:$0x3FD2] =	sst s25  }
0xac: {  	s5 =	sshll.u32 s26, $0x1;
	_ =	strace $0x80000049;
	[dreg:$0x1] =	wrdreg $0xFFFFFFFF  }
0xad: {  	s28 =	simm.s32 $_size_execute0_lowered;
	s3 =	sadd.s32 s3, s5;
	[dreg:$0x0] =	wrdreg $0x0  }
0xae: {  	s5 =	sshll.u32 s28, $0x1;
	[dreg:$0x2] =	wrdreg s3  }
0xaf: {  	[dreg:$0x3] =	wrdreg s5  }
0xb0: {  	[dreg:$0x4] =	wrdreg $0xC0  }
0xb1: {  	_ =	task [dreg:s7], $0x5FFFF  }
0xb2: {  	[dreg:$0x1] =	wrdreg $0xFFFFFFFF  }
0xb3: {  	[dreg:$0x0] =	wrdreg $0x60  }
0xb4: {  	[dreg:$0x2] =	wrdreg s16  }
0xb5: {  	[dreg:$0x3] =	wrdreg s24  }
0xb6: {  	[dreg:$0x4] =	wrdreg $0xA8000  }
0xb7: {  	[dreg:$0x5] =	wrdreg $0x9  }
0xb8: {  	_ =	task.clear_ibuf [dreg:s7], $0x6FFFF;
	_ =	strace $0x90000049  }
0xb9: {  	s29 =	simm.s32 $0x9;
	_ =	strace $0x8000004B  }
0xba: {  	_ =	swait.ge [sflag:s29], $0x1  }
0xbb: {  	[sflag:s29] =	ssyncadd.s32 $0xFFFFFFFF  }
0xbc: {  	_ =	strace $0x9000004B  }
0xbd: {  	_ =	sfence  }
0xbe: {  	s30 =	sld [smem:$0x0];
	_ =	sdelay $0x2  }
0xbf: {  	s31 =	sshll.u32 s1, $0xD;
	s1 =	sshrl.u32 s1, $0x2  }
0xc0: {  	s3 =	sand.u32 $0x4000, s31;
	s1 =	sadd.s32 s1, s30  }
0xc1: {  	s0 =	sor.u32 s3, s0;
	s1 =	sshll.u32 s1, $0x11  }
0xc2: {  	s0 =	sor.u32 s1, s0  }
0xc3: {  	s0 =	sadd.s32 $0x8F2B, s0  }
0xc4: {  	[sflag:s0] =	ssyncadd.remote.s32 $0x1  }
0xc5: {  	_ =	sfence.sel $0xFFFF  }
0xc6: {  	[dreg:$0x0] =	wrdreg $0xFFFFFFFF;
	(pc) =	sbr.abs _section_cstart, $3  }
0xc7: {  	[dreg:$0x1] =	wrdreg $0xFFFFFFFF  }
0xc8: {  	_ =	task.clear_ibuf [dreg:s7], $0x2FFFF;
	_ =	strace $0x9FFFFFFF  }
0xc9: {  	(tm) =	ssettm $0x7FFFFFFF  }
tec
execute0_lowered:
.L_overlay_start_1:
0x0: {  	(tag) =	ssettag $0x1  }
0x1: {  	s1 =	rddreg [dreg:$0x0]  }
0x2: {  	s2 =	srdreg.scid;
	s6 =	rddreg [dreg:$0x1]  }
0x3: {  	s0 =	stileid.u32;
	s3 =	rddreg [dreg:$0x2]  }
0x4: {  	s4 =	simm.s32 $0x0;
	s16 =	simm.s32 $0x2800;
	s17 =	simm.s32 $0x5  }
0x5: {  	s18 =	simm.s32 $0x1400;
	s19 =	simm.s32 $0x80;
	s20 =	simm.s32 $0x6800  }
0x6: {  	s21 =	simm.s32 $0x1;
	s22 =	simm.s32 $0x3;
	s23 =	simm.s32 $0x2  }
0x7: {  	s24 =	simm.s32 $0x4;
	s25 =	simm.s32 $0x2700;
	s9 =	smul.u32 $0x14000, s0  }
0x8: {  	s5 =	sand.u32 $0x1, s2;
	s26 =	sshll.u32 s0, $0x1;
	s10 =	smul.u32 $0x50000, s0  }
0x9: {  	[smem:$0x7FF] =	sst s4;
	s2 =	sor.u32 s5, s26;
	s8 =	smul.u32 $0x140000, s5  }
0xa: {  	s5 =	ssub.s32 $0x2, s5;
	s26 =	simm.s32 $0x2780;
	s7 =	smul.u32 $0x2800, s2  }
0xb: {  	s2 =	rddreg [dreg:$0x3];
	s29 =	sshrl.u32 s5, $0x1;
	s30 =	sshrl.u32 s10, $0x2  }
0xc: {  	_ =	strace $0x8000004A;
	s12 =	ssub.s32 s5, s29;
	s5 =	sadd.s32 s30, s3  }
0xd: {  	s28 =	sadd.s32 s9, s8;
	s7 =	sshrl.u32 s7, $0x3;
	s13 =	sadd.s32 $0x8000, s5  }
0xe: {  	s14 =	sadd.s32 $0xC000, s5;
	s11 =	sadd.s32 s7, s6;
	s7 =	sshrl.u32 s28, $0x3  }
0xf: {  	s15 =	sadd.s32 $0x10000, s5;
	s31 =	sadd.s32 s7, s6;
	s6 =	sadd.s32 $0x3A00, s11  }
0x10: {  	s7 =	sadd.s32 $0xDA00, s11;
	s8 =	sadd.s32 $0x3C80, s11;
	s9 =	sadd.s32 $0xDC80, s11  }
0x11: {  	v0 =	vimm.f32 $0.0e+00;
	s11 =	smax.u32 s12, $0x1;
	s12 =	sadd.s32 $0x4000, s5;
	s10 =	sadd.s32 $0x17A00, s31  }
.LBB2_1:
0x12: {  	s28 =	simm.s32 $0x0;
	s29 =	simm.s32 $0x200  }
.LBB2_2:
0x13: {  	p0 =	sne.s32 s29, $0xFE00;
	[tilespmem:s28+$0x2870] =	vst v0  }
0x14: {  	[tilespmem:s28+$0x2800] =	vst v0  }
0x15: {  	[tilespmem:s28+$0x2810] =	vst v0  }
.Ltmp0:
0x16: {  	[tilespmem:s28+$0x2820] =	vst v0;
	(pc) =	sbr.rel @p0 .LBB2_2-.Ltmp0, $4  }
0x17: {  	[tilespmem:s28+$0x2830] =	vst v0  }
0x18: {  	[tilespmem:s28+$0x2840] =	vst v0  }
0x19: {  	[tilespmem:s28+$0x2850] =	vst v0  }
0x1a: {  	[tilespmem:s28+$0x2860] =	vst v0;
	s28 =	sshra.s32 s29, $0x2;
	s29 =	sadd.s32 $0x200, s29  }
0x1b: {  	[tilespmem:s28+$0x2870] =	vst v0  }
0x1c: {  	[tilespmem:s28+$0x2800] =	vst v0  }
0x1d: {  	[tilespmem:s28+$0x2810] =	vst v0  }
0x1e: {  	[tilespmem:s28+$0x2820] =	vst v0  }
0x1f: {  	[tilespmem:s28+$0x2830] =	vst v0  }
0x20: {  	[tilespmem:s28+$0x2840] =	vst v0  }
0x21: {  	[tilespmem:s28+$0x2850] =	vst v0  }
0x22: {  	[tilespmem:s28+$0x2860] =	vst v0  }
0x23: {  	[spmem:s5] =	stream.linear.scatter [tilespmem:s16], [sflag:$0x5], $0x4000, $0x38;
	[tilespmem:$0x1E800] =	vst v63  }
0x24: {  	_ =	swait.ge [sflag:s17], $0x4000  }
0x25: {  	[sflag:s17] =	ssyncset.done $0x0  }
0x26: {  	[sflag:s17] =	ssyncadd.s32 $0xFFFFC000  }
0x27: {  	[spmem:s12] =	stream.linear.scatter [tilespmem:s16], [sflag:$0x5], $0x4000, $0x38;
	[tilespmem:$0x1E800] =	vst v63  }
0x28: {  	_ =	swait.ge [sflag:s17], $0x4000  }
0x29: {  	[sflag:s17] =	ssyncset.done $0x0  }
0x2a: {  	[sflag:s17] =	ssyncadd.s32 $0xFFFFC000  }
0x2b: {  	[spmem:s13] =	stream.linear.scatter [tilespmem:s16], [sflag:$0x5], $0x4000, $0x38;
	[tilespmem:$0x1E800] =	vst v63  }
0x2c: {  	_ =	swait.ge [sflag:s17], $0x4000  }
0x2d: {  	[sflag:s17] =	ssyncset.done $0x0  }
0x2e: {  	[sflag:s17] =	ssyncadd.s32 $0xFFFFC000  }
0x2f: {  	[spmem:s14] =	stream.linear.scatter [tilespmem:s16], [sflag:$0x5], $0x4000, $0x38;
	[tilespmem:$0x1E800] =	vst v63  }
0x30: {  	_ =	swait.ge [sflag:s17], $0x4000  }
0x31: {  	[sflag:s17] =	ssyncset.done $0x0  }
0x32: {  	[sflag:s17] =	ssyncadd.s32 $0xFFFFC000  }
0x33: {  	[spmem:s15] =	stream.linear.scatter [tilespmem:s16], [sflag:$0x5], $0x4000, $0x38;
	[tilespmem:$0x1E800] =	vst v63  }
0x34: {  	_ =	swait.ge [sflag:s17], $0x4000  }
0x35: {  	[sflag:s17] =	ssyncset.done $0x0  }
0x36: {  	[sflag:s17] =	ssyncadd.s32 $0xFFFFC000  }
0x37: {  	s28 =	simm.s32 $0x0;
	[bflag:$0x0] =	sbarrier.arrive $0xFFFF  }
0x38: {  	[tilespmem:s28], [sflag:$0x5] =	stream.linear.gather [hbm4b:s6+s28], $0x1400, $0x38;
	[tilespmem:$0x1E800] =	vst v63  }
0x39: {  	_ =	swait.ge [sflag:s17], $0x1400  }
0x3a: {  	[sflag:s17] =	ssyncset.done $0x0  }
0x3b: {  	[sflag:s17] =	ssyncadd.s32 $0xFFFFEC00  }
0x3c: {  	[tilespmem:s18], [sflag:$0x5] =	stream.linear.gather [hbm4b:s7+s28], $0x1400, $0x38;
	[tilespmem:$0x1E800] =	vst v63  }
0x3d: {  	_ =	swait.ge [sflag:s17], $0x1400  }
0x3e: {  	[sflag:s17] =	ssyncset.done $0x0  }
0x3f: {  	[sflag:s17] =	ssyncadd.s32 $0xFFFFEC00  }
0x40: {  	[tilespmem:s16], [sflag:$0x1] =	stream.indirect.gather [hbm4b:s1+s19], $0x80, s28, s19, $0xb8;
	[tilespmem:$0x1E800] =	vst v63  }
0x41: {  	_ = 	snop  }
0x42: {  	[tilespmem:s20], [sflag:$0x2] =	stream.indirect.gather [hbm4b:s1+s19], $0x80, s19, s19, $0xb8;
	[tilespmem:$0x1E800] =	vst v63  }
0x43: {  	_ =	swait.ge [sflag:s21], $0x4000  }
0x44: {  	[sflag:s21] =	ssyncset.done $0x0  }
0x45: {  	s28 =	simm.s32 $0x1400;
	[sflag:s21] =	ssyncadd.s32 $0xFFFFC000  }
0x46: {  	[spmem:s3] =	stream.indirect.scatter.add.f32 [tilespmem:s16], [sflag:$0x3], $0x80, s28, s19, $0xb8;
	[tilespmem:$0x1E800] =	vst v63  }
0x47: {  	_ =	swait.ge [sflag:s22], $0x4000  }
0x48: {  	[sflag:s22] =	ssyncset.done $0x0  }
0x49: {  	s28 =	simm.s32 $0x100;
	[sflag:s22] =	ssyncadd.s32 $0xFFFFC000  }
0x4a: {  	[tilespmem:s16], [sflag:$0x1] =	stream.indirect.gather [hbm4b:s1+s19], $0x80, s28, s19, $0xb8;
	[tilespmem:$0x1E800] =	vst v63  }
0x4b: {  	_ =	swait.ge [sflag:s23], $0x4000  }
0x4c: {  	[sflag:s23] =	ssyncset.done $0x0  }
0x4d: {  	s28 =	simm.s32 $0x1480;
	[sflag:s23] =	ssyncadd.s32 $0xFFFFC000  }
0x4e: {  	[spmem:s3] =	stream.indirect.scatter.add.f32 [tilespmem:s20], [sflag:$0x4], $0x80, s28, s19, $0xb8;
	[tilespmem:$0x1E800] =	vst v63  }
0x4f: {  	_ =	swait.ge [sflag:s24], $0x4000  }
0x50: {  	[sflag:s24] =	ssyncset.done $0x0  }
0x51: {  	s29 =	simm.s32 $0x180;
	s28 =	simm.s32 $0x400;
	[sflag:s24] =	ssyncadd.s32 $0xFFFFC000  }
.LBB2_4:
0x52: {  	[tilespmem:s20], [sflag:$0x2] =	stream.indirect.gather [hbm4b:s1+s19], $0x80, s29, s19, $0xb8;
	[tilespmem:$0x1E800] =	vst v63  }
0x53: {  	s29 =	smov.u32 s28  }
0x54: {  	p0 =	sne.s32 s28, $0x4800;
	s28 =	sadd.s32 $0x400, s28;
	_ =	swait.ge [sflag:s21], $0x4000  }
0x55: {  	s29 =	sshra.s32 s29, $0x2;
	[sflag:s21] =	ssyncset.done $0x0  }
0x56: {  	s30 =	sadd.s32 $0x1400, s29;
	[sflag:s21] =	ssyncadd.s32 $0xFFFFC000  }
0x57: {  	[spmem:s3] =	stream.indirect.scatter.add.f32 [tilespmem:s16], [sflag:$0x3], $0x80, s30, s19, $0xb8;
	[tilespmem:$0x1E800] =	vst v63  }
0x58: {  	_ =	swait.ge [sflag:s22], $0x4000  }
0x59: {  	[sflag:s22] =	ssyncset.done $0x0  }
0x5a: {  	s30 =	sadd.s32 $0x100, s29;
	[sflag:s22] =	ssyncadd.s32 $0xFFFFC000  }
0x5b: {  	[tilespmem:s16], [sflag:$0x1] =	stream.indirect.gather [hbm4b:s1+s19], $0x80, s30, s19, $0xb8;
	[tilespmem:$0x1E800] =	vst v63  }
0x5c: {  	_ =	swait.ge [sflag:s23], $0x4000  }
0x5d: {  	[sflag:s23] =	ssyncset.done $0x0  }
.Ltmp1:
0x5e: {  	s30 =	sadd.s32 $0x1480, s29;
	[sflag:s23] =	ssyncadd.s32 $0xFFFFC000;
	(pc) =	sbr.rel @p0 .LBB2_4-.Ltmp1, $4  }
0x5f: {  	[spmem:s3] =	stream.indirect.scatter.add.f32 [tilespmem:s20], [sflag:$0x4], $0x80, s30, s19, $0xb8;
	[tilespmem:$0x1E800] =	vst v63  }
0x60: {  	_ =	swait.ge [sflag:s24], $0x4000  }
0x61: {  	[sflag:s24] =	ssyncset.done $0x0  }
0x62: {  	s29 =	sadd.s32 $0x180, s29;
	[sflag:s24] =	ssyncadd.s32 $0xFFFFC000  }
0x63: {  	[tilespmem:s20], [sflag:$0x2] =	stream.indirect.gather [hbm4b:s1+s19], $0x80, s29, s19, $0xb8;
	[tilespmem:$0x1E800] =	vst v63  }
0x64: {  	_ =	swait.ge [sflag:s21], $0x4000  }
0x65: {  	[sflag:s21] =	ssyncset.done $0x0  }
0x66: {  	[sflag:s21] =	ssyncadd.s32 $0xFFFFC000  }
0x67: {  	[spmem:s3] =	stream.indirect.scatter.add.f32 [tilespmem:s16], [sflag:$0x3], $0x80, s25, s19, $0xb8;
	[tilespmem:$0x1E800] =	vst v63  }
0x68: {  	_ =	swait.ge [sflag:s23], $0x4000  }
0x69: {  	[sflag:s23] =	ssyncset.done $0x0  }
0x6a: {  	[sflag:s23] =	ssyncadd.s32 $0xFFFFC000  }
0x6b: {  	[spmem:s3] =	stream.indirect.scatter.add.f32 [tilespmem:s20], [sflag:$0x4], $0x80, s26, s19, $0xb8;
	[tilespmem:$0x1E800] =	vst v63  }
0x6c: {  	_ =	swait.ge [sflag:s22], $0x4000  }
0x6d: {  	[sflag:s22] =	ssyncset.done $0x0  }
0x6e: {  	[sflag:s22] =	ssyncadd.s32 $0xFFFFC000  }
0x6f: {  	_ =	swait.ge [sflag:s24], $0x4000  }
0x70: {  	[sflag:s24] =	ssyncset.done $0x0  }
0x71: {  	s28 =	simm.s32 $0x0;
	[sflag:s24] =	ssyncadd.s32 $0xFFFFC000  }
0x72: {  	[tilespmem:s28], [sflag:$0x5] =	stream.linear.gather [hbm4b:s8+s28], $0x1400, $0x38;
	[tilespmem:$0x1E800] =	vst v63  }
0x73: {  	_ =	swait.ge [sflag:s17], $0x1400  }
0x74: {  	[sflag:s17] =	ssyncset.done $0x0  }
0x75: {  	[sflag:s17] =	ssyncadd.s32 $0xFFFFEC00  }
0x76: {  	[tilespmem:s18], [sflag:$0x5] =	stream.linear.gather [hbm4b:s9+s28], $0x1400, $0x38;
	[tilespmem:$0x1E800] =	vst v63  }
0x77: {  	_ =	swait.ge [sflag:s17], $0x1400  }
0x78: {  	[sflag:s17] =	ssyncset.done $0x0  }
0x79: {  	[sflag:s17] =	ssyncadd.s32 $0xFFFFEC00  }
0x7a: {  	[tilespmem:s16], [sflag:$0x1] =	stream.indirect.gather [hbm4b:s1+s19], $0x80, s28, s19, $0xb8;
	[tilespmem:$0x1E800] =	vst v63  }
0x7b: {  	_ = 	snop  }
0x7c: {  	[tilespmem:s20], [sflag:$0x2] =	stream.indirect.gather [hbm4b:s1+s19], $0x80, s19, s19, $0xb8;
	[tilespmem:$0x1E800] =	vst v63  }
0x7d: {  	_ =	swait.ge [sflag:s21], $0x4000  }
0x7e: {  	[sflag:s21] =	ssyncset.done $0x0  }
0x7f: {  	s28 =	simm.s32 $0x1400;
	[sflag:s21] =	ssyncadd.s32 $0xFFFFC000  }
0x80: {  	[spmem:s3] =	stream.indirect.scatter.add.f32 [tilespmem:s16], [sflag:$0x3], $0x80, s28, s19, $0xb8;
	[tilespmem:$0x1E800] =	vst v63  }
0x81: {  	_ =	swait.ge [sflag:s22], $0x4000  }
0x82: {  	[sflag:s22] =	ssyncset.done $0x0  }
0x83: {  	s28 =	simm.s32 $0x100;
	[sflag:s22] =	ssyncadd.s32 $0xFFFFC000  }
0x84: {  	[tilespmem:s16], [sflag:$0x1] =	stream.indirect.gather [hbm4b:s1+s19], $0x80, s28, s19, $0xb8;
	[tilespmem:$0x1E800] =	vst v63  }
0x85: {  	_ =	swait.ge [sflag:s23], $0x4000  }
0x86: {  	[sflag:s23] =	ssyncset.done $0x0  }
0x87: {  	s28 =	simm.s32 $0x1480;
	[sflag:s23] =	ssyncadd.s32 $0xFFFFC000  }
0x88: {  	[spmem:s3] =	stream.indirect.scatter.add.f32 [tilespmem:s20], [sflag:$0x4], $0x80, s28, s19, $0xb8;
	[tilespmem:$0x1E800] =	vst v63  }
0x89: {  	_ =	swait.ge [sflag:s24], $0x4000  }
0x8a: {  	[sflag:s24] =	ssyncset.done $0x0  }
0x8b: {  	s29 =	simm.s32 $0x180;
	s28 =	simm.s32 $0x400;
	[sflag:s24] =	ssyncadd.s32 $0xFFFFC000  }
.LBB2_6:
0x8c: {  	[tilespmem:s20], [sflag:$0x2] =	stream.indirect.gather [hbm4b:s1+s19], $0x80, s29, s19, $0xb8;
	[tilespmem:$0x1E800] =	vst v63  }
0x8d: {  	s29 =	smov.u32 s28  }
0x8e: {  	p0 =	sne.s32 s28, $0x4800;
	s28 =	sadd.s32 $0x400, s28;
	_ =	swait.ge [sflag:s21], $0x4000  }
0x8f: {  	s29 =	sshra.s32 s29, $0x2;
	[sflag:s21] =	ssyncset.done $0x0  }
0x90: {  	s30 =	sadd.s32 $0x1400, s29;
	[sflag:s21] =	ssyncadd.s32 $0xFFFFC000  }
0x91: {  	[spmem:s3] =	stream.indirect.scatter.add.f32 [tilespmem:s16], [sflag:$0x3], $0x80, s30, s19, $0xb8;
	[tilespmem:$0x1E800] =	vst v63  }
0x92: {  	_ =	swait.ge [sflag:s22], $0x4000  }
0x93: {  	[sflag:s22] =	ssyncset.done $0x0  }
0x94: {  	s30 =	sadd.s32 $0x100, s29;
	[sflag:s22] =	ssyncadd.s32 $0xFFFFC000  }
0x95: {  	[tilespmem:s16], [sflag:$0x1] =	stream.indirect.gather [hbm4b:s1+s19], $0x80, s30, s19, $0xb8;
	[tilespmem:$0x1E800] =	vst v63  }
0x96: {  	_ =	swait.ge [sflag:s23], $0x4000  }
0x97: {  	[sflag:s23] =	ssyncset.done $0x0  }
.Ltmp2:
0x98: {  	s30 =	sadd.s32 $0x1480, s29;
	[sflag:s23] =	ssyncadd.s32 $0xFFFFC000;
	(pc) =	sbr.rel @p0 .LBB2_6-.Ltmp2, $4  }
0x99: {  	[spmem:s3] =	stream.indirect.scatter.add.f32 [tilespmem:s20], [sflag:$0x4], $0x80, s30, s19, $0xb8;
	[tilespmem:$0x1E800] =	vst v63  }
0x9a: {  	_ =	swait.ge [sflag:s24], $0x4000  }
0x9b: {  	[sflag:s24] =	ssyncset.done $0x0  }
0x9c: {  	s29 =	sadd.s32 $0x180, s29;
	[sflag:s24] =	ssyncadd.s32 $0xFFFFC000  }
0x9d: {  	[tilespmem:s20], [sflag:$0x2] =	stream.indirect.gather [hbm4b:s1+s19], $0x80, s29, s19, $0xb8;
	[tilespmem:$0x1E800] =	vst v63  }
0x9e: {  	_ =	swait.ge [sflag:s21], $0x4000  }
0x9f: {  	[sflag:s21] =	ssyncset.done $0x0  }
0xa0: {  	[sflag:s21] =	ssyncadd.s32 $0xFFFFC000  }
0xa1: {  	[spmem:s3] =	stream.indirect.scatter.add.f32 [tilespmem:s16], [sflag:$0x3], $0x80, s25, s19, $0xb8;
	[tilespmem:$0x1E800] =	vst v63  }
0xa2: {  	_ =	swait.ge [sflag:s23], $0x4000  }
0xa3: {  	[sflag:s23] =	ssyncset.done $0x0  }
0xa4: {  	[sflag:s23] =	ssyncadd.s32 $0xFFFFC000  }
0xa5: {  	[spmem:s3] =	stream.indirect.scatter.add.f32 [tilespmem:s20], [sflag:$0x4], $0x80, s26, s19, $0xb8;
	[tilespmem:$0x1E800] =	vst v63  }
0xa6: {  	_ =	swait.ge [sflag:s22], $0x4000  }
0xa7: {  	[sflag:s22] =	ssyncset.done $0x0  }
0xa8: {  	[sflag:s22] =	ssyncadd.s32 $0xFFFFC000  }
0xa9: {  	_ =	swait.ge [sflag:s24], $0x4000  }
0xaa: {  	s28 =	sshll.u32 s0, $0x6;
	s4 =	sadd.s32 $0x1, s4;
	[sflag:s24] =	ssyncset.done $0x0  }
0xab: {  	s31 =	sshrl.u32 s5, $0x3;
	p0 =	sne.s32 s4, s11;
	[sflag:s24] =	ssyncadd.s32 $0xFFFFC000  }
.Ltmp3:
0xac: {  	s28 =	sor.u32 $0x1C05, s28;
	[bflag:$0x0] =	sbarrier.arrive $0xFFFF;
	(pc) =	sbr.rel @p0 .LBB2_1-.Ltmp3, $4  }
0xad: {  	[hbm:s10], [sflag:s28] =	dma.local [spmem:s31], $0x2800  }
0xae: {  	_ =	swait.ge [sflag:s17], $0x2800  }
0xaf: {  	[sflag:s17] =	ssyncset.done $0x0  }
0xb0: {  	[sflag:s17] =	ssyncadd.s32 $0xFFFFD800  }
0xb1: {  	_ =	sfence.sel $0x180000  }
0xb2: {  	[bflag:$0x0] =	sbarrier.arrive $0xFFFF  }
0xb3: {  	p0 =	sne.s32 s0, $0x0;
	_ =	strace $0x9000004A  }
0xb4: {  	s0 =	sadd.s32 @!p0 $0x100000, s2;
	[bflag:$0x2] =	sbarrier.arrive $0xFFFF  }
0xb5: {  	[sflag:s0] =	ssyncadd.tile.s32 @!p0 $0x1;
	_ =	shalt  }
.Lfunc_end2:
_tile_overlayer_lowered:
.L_overlay_start_2:
0xb6: {  	(tag) =	ssettag $0x2  }
0xb7: {  	s0 =	rddreg [dreg:$0x0];
	s2 =	stileid.u32  }
0xb8: {  	s1 =	rddreg [dreg:$0x1];
	p0 =	sne.s32 s2, $0x0  }
0xb9: {  	s3 =	rddreg [dreg:$0x2];
	[bflag:$0x3] =	sbarrier.arrive $0xFFFF;
	s2 =	simm.s32 @!p0 $0x1C05  }
0xba: {  	[timem:s3], [sflag:s2] =	dma.local @!p0 [hbm:s0], s1  }
0xbb: {  	s0 =	simm.s32 @!p0 $0x5  }
0xbc: {  	_ =	swait.ge @!p0 [sflag:s0], s1  }
0xbd: {  	s1 =	ssub.s32 @!p0 $0x0, s1;
	[sflag:s0] =	ssyncset.done @!p0 $0x0  }
0xbe: {  	[sflag:s0] =	ssyncadd.s32 @!p0 s1  }
0xbf: {  	[bflag:$0x3] =	sbarrier.arrive $0xFFFF  }
0xc0: {  	_ =	shalt  }

// kernel: kernel.14.cloned.1.call-start
scs
__scs_entry_jumppad:
0x0: {  	(pc) =	sbr.rel $0x88, $3  }
0x1: {  	(tag) =	ssettag $0x0;
	lr =	simm.s32 $0x1  }
0x2: {  	[smem:$0x3F92] =	sst lr;
	_ =	strace $0xD0000000  }
0x3: {  	_ = 	snop  }
0x4: {  	_ = 	snop  }
0x5: {  	_ = 	snop  }
0x6: {  	_ = 	snop  }
0x7: {  	_ = 	snop  }
__scs_overlays_trampoline_lowered:
0x8: {  	[smem:$0x3FA1] =	sst s0  }
0x9: {  	[smem:$0x3FA2] =	sst s1  }
0xa: {  	[smem:$0x3FA3] =	sst s2  }
0xb: {  	[smem:$0x3FA4] =	sst s3  }
0xc: {  	[smem:$0x3FA5] =	sst s4  }
0xd: {  	[smem:$0x3FA6] =	sst s5  }
0xe: {  	[smem:$0x3FA7] =	sst s6  }
0xf: {  	[smem:$0x3FA8] =	sst s7  }
0x10: {  	[smem:$0x3FA9] =	sst s8  }
0x11: {  	[smem:$0x3FAA] =	sst s9;
	s0 =	simm.s32 @!p0 $0x0  }
0x12: {  	s1 =	sld [smem:$0x3F90];
	s0 =	simm.s32 @p0 $0x1  }
0x13: {  	[smem:$0x3FAB] =	sst s0;
	s0 =	simm.s32 @!p1 $0x0  }
0x14: {  	s2 =	sld [smem:$0x3F8F];
	s0 =	simm.s32 @p1 $0x1  }
0x15: {  	[smem:$0x3FAC] =	sst s0;
	s0 =	simm.s32 @!p2 $0x0  }
0x16: {  	s3 =	sld [smem:$0x3FDB];
	s0 =	simm.s32 @p2 $0x1  }
0x17: {  	s4 =	simm.s32 $0x1BF5;
	[smem:$0x3FAE] =	sst s0  }
0x18: {  	s0 =	sld [smem:$0x3F91];
	_ =	swait.ge [sflag:s4], $0x0  }
0x19: {  	s7 =	sld [smem:$0x3F92]  }
0x1a: {  	s8 =	sadd.s32 $0xFFFFE003, lr  }
0x1b: {  	s9 =	sadd.s32 $0xFFFFFEF7, lr;
	s5 =	simm.s32 $0xFFFFFFFF;
	p2 =	slt.u32 s8, $0xFFFFF086  }
0x1c: {  	p1 =	slt.u32 s9, $0xF7A;
	s5 =	simm.s32 @!p2 $0x0  }
0x1d: {  	s5 =	simm.s32 @p1 $0x1;
	p0 =	seq.s32 s7, s2  }
0x1e: {  	s7 =	smul.u32 @!p0 $0xF7A, s2;
	p2 =	seq.s32 @!p0 s5, $0x0  }
0x1f: {  	s9 =	smul.u32 $0xF7A, s1;
	s8 =	simm.s32 @!p0 $0x1BF5;
	p2 =	por !p2, p0  }
0x20: {  	[sflag:s8] =	ssyncset.s32 @!p0 $0xFFFFF086;
	s6 =	sadd.s32 @!p0 s3, s7;
	s7 =	simm.s32 @!p0 $0x108  }
0x21: {  	s3 =	sadd.s32 s3, s9;
	s6 =	sadd.s32 @!p0 $0x88, s6;
	s7 =	simm.s32 @p2 $0x1082  }
0x22: {  	[simem:s7], [sflag:s8] =	dma.local @!p0 [hbm:s6], $0xF7A  }
0x23: {  	s9 =	sor.u32 $0xD0000000, s2;
	s6 =	simm.s32 $0x108;
	_ =	swait.ge @!p0 [sflag:s8], $0x0  }
0x24: {  	s3 =	sadd.s32 $0x88, s3;
	s6 =	simm.s32 @!p1 $0x1082;
	[sflag:s4] =	ssyncset.s32 $0xFFFFF086  }
0x25: {  	[simem:s6], [sflag:s4] =	dma.local [hbm:s3], $0xF7A  }
0x26: {  	[smem:$0x3F92] =	sst s1;
	(tag) =	ssettag s2;
	_ =	strace s9  }
0x27: {  	s1 =	sld [smem:$0x3FA2]  }
0x28: {  	s2 =	sld [smem:$0x3FA3]  }
0x29: {  	s4 =	sld [smem:$0x3FA5]  }
0x2a: {  	p0 =	seq.s32 s5, $0x0;
	s5 =	sld [smem:$0x3FA6]  }
0x2b: {  	s6 =	sld [smem:$0x3FA7]  }
0x2c: {  	s7 =	sld [smem:$0x3FA8]  }
0x2d: {  	s3 =	simm.s32 $0x108;
	s8 =	sld [smem:$0x3FA9]  }
0x2e: {  	s3 =	simm.s32 @!p0 $0x1082;
	s9 =	sld [smem:$0x3FAA]  }
0x2f: {  	lr =	sadd.s32 s0, s3;
	s0 =	sld [smem:$0x3FA1]  }
0x30: {  	s3 =	sld [smem:$0x3FA4]  }
0x31: {  	[smem:$0x3FAD] =	sst s10  }
0x32: {  	s10 =	sld [smem:$0x3FAB];
	_ =	sdelay $0x3  }
0x33: {  	p0 =	seq.s32 s10, $0x1;
	s10 =	sld [smem:$0x3FAD];
	_ =	sdelay $0x3  }
0x34: {  	[smem:$0x3FAD] =	sst s10  }
0x35: {  	s10 =	sld [smem:$0x3FAC];
	_ =	sdelay $0x3  }
0x36: {  	p1 =	seq.s32 s10, $0x1;
	s10 =	sld [smem:$0x3FAD];
	_ =	sdelay $0x3  }
0x37: {  	[smem:$0x3FAD] =	sst s10  }
0x38: {  	s10 =	sld [smem:$0x3FAE]  }
0x39: {  	_ = 	snop;
	(pc) =	sbr.ind lr, $3  }
0x3a: {  	_ = 	snop  }
0x3b: {  	_ = 	snop  }
0x3c: {  	p2 =	seq.s32 s10, $0x1;
	s10 =	sld [smem:$0x3FAD]  }
0x3d: {  	_ =	shalt  }
0x3e: {  	_ =	shalt  }
0x3f: {  	_ =	shalt  }
0x40: {  	_ =	shalt  }
0x41: {  	_ =	shalt  }
0x42: {  	_ =	shalt  }
0x43: {  	_ =	shalt  }
0x44: {  	_ =	shalt  }
0x45: {  	_ =	shalt  }
0x46: {  	_ =	shalt  }
0x47: {  	_ =	shalt  }
0x48: {  	_ =	shalt  }
0x49: {  	_ =	shalt  }
0x4a: {  	_ =	shalt  }
0x4b: {  	_ =	shalt  }
0x4c: {  	_ =	shalt  }
0x4d: {  	_ =	shalt  }
0x4e: {  	_ =	shalt  }
0x4f: {  	_ =	shalt  }
0x50: {  	_ =	shalt  }
0x51: {  	_ =	shalt  }
0x52: {  	_ =	shalt  }
0x53: {  	_ =	shalt  }
0x54: {  	_ =	shalt  }
0x55: {  	_ =	shalt  }
0x56: {  	_ =	shalt  }
0x57: {  	_ =	shalt  }
0x58: {  	_ =	shalt  }
0x59: {  	_ =	shalt  }
0x5a: {  	_ =	shalt  }
0x5b: {  	_ =	shalt  }
0x5c: {  	_ =	shalt  }
0x5d: {  	_ =	shalt  }
0x5e: {  	_ =	shalt  }
0x5f: {  	_ =	shalt  }
0x60: {  	_ =	shalt  }
0x61: {  	_ =	shalt  }
0x62: {  	_ =	shalt  }
0x63: {  	_ =	shalt  }
0x64: {  	_ =	shalt  }
0x65: {  	_ =	shalt  }
0x66: {  	_ =	shalt  }
0x67: {  	_ =	shalt  }
0x68: {  	_ =	shalt  }
0x69: {  	_ =	shalt  }
0x6a: {  	_ =	shalt  }
0x6b: {  	_ =	shalt  }
0x6c: {  	_ =	shalt  }
0x6d: {  	_ =	shalt  }
0x6e: {  	_ =	shalt  }
0x6f: {  	_ =	shalt  }
0x70: {  	_ =	shalt  }
0x71: {  	_ =	shalt  }
0x72: {  	_ =	shalt  }
0x73: {  	_ =	shalt  }
0x74: {  	_ =	shalt  }
0x75: {  	_ =	shalt  }
0x76: {  	_ =	shalt  }
0x77: {  	_ =	shalt  }
0x78: {  	_ =	shalt  }
0x79: {  	_ =	shalt  }
0x7a: {  	_ =	shalt  }
0x7b: {  	_ =	shalt  }
0x7c: {  	_ =	shalt  }
0x7d: {  	_ =	shalt  }
0x7e: {  	_ =	shalt  }
0x7f: {  	_ =	shalt  }
0x80: {  	_ =	shalt  }
0x81: {  	_ =	shalt  }
0x82: {  	_ =	shalt  }
0x83: {  	_ =	shalt  }
0x84: {  	_ =	shalt  }
0x85: {  	_ =	shalt  }
0x86: {  	_ =	shalt  }
0x87: {  	_ =	shalt  }
.Lfunc_end0:
.L_simem_size_0:
called_computation.2_lowered:
.L_overlay_start_0:
0x88: {  	s2 =	sld [smem:$0x3FD9]  }
0x89: {  	s3 =	sld [smem:$0x3FFE];
	_ =	sdelay $0x1  }
0x8a: {  	s1 =	srdreg.scid  }
0x8b: {  	s0 =	sand.u32 $0x1, s1  }
0x8c: {  	s14 =	sshll.u32 s0, $0xA;
	s2 =	sadd.s32 s3, s2  }
0x8d: {  	s2 =	sadd.s32 s2, s14  }
0x8e: {  	[smem:$0x3FB9] =	sst s2  }
0x8f: {  	_ = 	snop  }
0x90: {  	s2 =	sld [smem:$0x3FD0];
	_ =	sdelay $0x2  }
0x91: {  	s15 =	simm.s32 $0xA;
	s4 =	simm.s32 $0x10  }
0x92: {  	[smem:s4], [sflag:s15] =	dma.local [hbm:s2], $0x1  }
0x93: {  	_ =	swait.eq [sflag:s15], $0x1  }
0x94: {  	[sflag:s15] =	ssyncset.done $0x0  }
0x95: {  	[sflag:s15] =	ssyncadd.s32 $0xFFFFFFFF  }
0x96: {  	s16 =	sld [smem:$0x10];
	(tm) =	ssettm $0x1  }
0x97: {  	s17 =	sld [smem:$0x3FFB];
	_ =	sdelay $0x3  }
0x98: {  	_ =	strace s17  }
0x99: {  	s3 =	sld [smem:$0x3FFC];
	_ =	sdelay $0x3  }
0x9a: {  	_ =	strace s3  }
0x9b: {  	s3 =	sld [smem:$0x3FFD];
	_ =	sdelay $0x3  }
0x9c: {  	_ =	strace s3  }
0x9d: {  	_ =	strace $0x8FFFFFFF  }
0x9e: {  	s18 =	sld [smem:$0x3FDB];
	_ =	sdelay $0x1  }
0x9f: {  	s19 =	simm.s32 $_scs_section_size  }
0xa0: {  	s5 =	simm.s32 $_size__tile_overlayer_lowered;
	s6 =	simm.s32 $_tile_overlayer_lowered  }
0xa1: {  	s22 =	simm.s32 $0x1BFF;
	s21 =	sshll.u32 s6, $0x1;
	s3 =	sadd.s32 s19, s18  }
0xa2: {  	s7 =	simm.s32 $0x0;
	s20 =	sshll.u32 s5, $0x1;
	s5 =	sadd.s32 s21, s3  }
0xa3: {  	[timem:s7], [sflag:s22] =	dma.local [hbm:s5], s20  }
0xa4: {  	_ =	swait.ge [sflag:s22], s20  }
0xa5: {  	s4 =	ssub.s32 $0x0, s20;
	[sflag:s22] =	ssyncset.done $0x0  }
0xa6: {  	[sflag:s22] =	ssyncadd.s32 s4;
	_ =	sdelay $0x1  }
0xa7: {  	s23 =	simm.s32 $0x1B8B  }
0xa8: {  	_ =	swait.ge [sflag:s23], $0x1  }
0xa9: {  	[sflag:s23] =	ssyncset.done $0x0  }
0xaa: {  	s25 =	simm.s32 $0x1B8E;
	s24 =	sld [smem:$0x3FFE];
	[sflag:s23] =	ssyncadd.s32 $0xFFFFFFFF  }
0xab: {  	s26 =	simm.s32 $execute0_lowered;
	[smem:$0x3FD2] =	sst s25  }
0xac: {  	s5 =	sshll.u32 s26, $0x1;
	_ =	strace $0x8000004C;
	[dreg:$0x1] =	wrdreg $0xFFFFFFFF  }
0xad: {  	s28 =	simm.s32 $_size_execute0_lowered;
	s3 =	sadd.s32 s3, s5;
	[dreg:$0x0] =	wrdreg $0x0  }
0xae: {  	s5 =	sshll.u32 s28, $0x1;
	[dreg:$0x2] =	wrdreg s3  }
0xaf: {  	[dreg:$0x3] =	wrdreg s5  }
0xb0: {  	[dreg:$0x4] =	wrdreg $0xC0  }
0xb1: {  	_ =	task [dreg:s7], $0x5FFFF  }
0xb2: {  	[dreg:$0x1] =	wrdreg $0xFFFFFFFF  }
0xb3: {  	[dreg:$0x0] =	wrdreg $0x60  }
0xb4: {  	[dreg:$0x2] =	wrdreg s16  }
0xb5: {  	[dreg:$0x3] =	wrdreg s24  }
0xb6: {  	[dreg:$0x4] =	wrdreg $0xA8000  }
0xb7: {  	[dreg:$0x5] =	wrdreg $0x9  }
0xb8: {  	_ =	task.clear_ibuf [dreg:s7], $0x6FFFF;
	_ =	strace $0x9000004C  }
0xb9: {  	s29 =	simm.s32 $0x9;
	_ =	strace $0x8000004E  }
0xba: {  	_ =	swait.ge [sflag:s29], $0x1  }
0xbb: {  	[sflag:s29] =	ssyncadd.s32 $0xFFFFFFFF  }
0xbc: {  	_ =	strace $0x9000004E  }
0xbd: {  	_ =	sfence  }
0xbe: {  	s30 =	sld [smem:$0x0];
	_ =	sdelay $0x2  }
0xbf: {  	s31 =	sshll.u32 s1, $0xD;
	s1 =	sshrl.u32 s1, $0x2  }
0xc0: {  	s3 =	sand.u32 $0x4000, s31;
	s1 =	sadd.s32 s1, s30  }
0xc1: {  	s0 =	sor.u32 s3, s0;
	s1 =	sshll.u32 s1, $0x11  }
0xc2: {  	s0 =	sor.u32 s1, s0  }
0xc3: {  	s0 =	sadd.s32 $0x8F2B, s0  }
0xc4: {  	[sflag:s0] =	ssyncadd.remote.s32 $0x1  }
0xc5: {  	_ =	sfence.sel $0xFFFF  }
0xc6: {  	[dreg:$0x0] =	wrdreg $0xFFFFFFFF;
	(pc) =	sbr.abs _section_cstart, $3  }
0xc7: {  	[dreg:$0x1] =	wrdreg $0xFFFFFFFF  }
0xc8: {  	_ =	task.clear_ibuf [dreg:s7], $0x2FFFF;
	_ =	strace $0x9FFFFFFF  }
0xc9: {  	(tm) =	ssettm $0x7FFFFFFF  }
tec
execute0_lowered:
.L_overlay_start_1:
0x0: {  	(tag) =	ssettag $0x1  }
0x1: {  	s1 =	rddreg [dreg:$0x0]  }
0x2: {  	s2 =	srdreg.scid;
	s6 =	rddreg [dreg:$0x1]  }
0x3: {  	s0 =	stileid.u32;
	s3 =	rddreg [dreg:$0x2]  }
0x4: {  	s4 =	simm.s32 $0x0;
	s16 =	simm.s32 $0x2800;
	s17 =	simm.s32 $0x5  }
0x5: {  	s18 =	simm.s32 $0x1400;
	s19 =	simm.s32 $0x80;
	s20 =	simm.s32 $0x6800  }
0x6: {  	s21 =	simm.s32 $0x1;
	s22 =	simm.s32 $0x3;
	s23 =	simm.s32 $0x2  }
0x7: {  	s24 =	simm.s32 $0x4;
	s25 =	simm.s32 $0x2700;
	s9 =	smul.u32 $0x14000, s0  }
0x8: {  	s5 =	sand.u32 $0x1, s2;
	s26 =	sshll.u32 s0, $0x1;
	s10 =	smul.u32 $0x50000, s0  }
0x9: {  	[smem:$0x7FF] =	sst s4;
	s2 =	sor.u32 s5, s26;
	s8 =	smul.u32 $0x140000, s5  }
0xa: {  	s5 =	ssub.s32 $0x2, s5;
	s26 =	simm.s32 $0x2780;
	s7 =	smul.u32 $0x2800, s2  }
0xb: {  	s2 =	rddreg [dreg:$0x3];
	s29 =	sshrl.u32 s5, $0x1;
	s30 =	sshrl.u32 s10, $0x2  }
0xc: {  	_ =	strace $0x8000004D;
	s12 =	ssub.s32 s5, s29;
	s5 =	sadd.s32 s30, s3  }
0xd: {  	s28 =	sadd.s32 s9, s8;
	s7 =	sshrl.u32 s7, $0x3;
	s13 =	sadd.s32 $0x8000, s5  }
0xe: {  	s14 =	sadd.s32 $0xC000, s5;
	s11 =	sadd.s32 s7, s6;
	s7 =	sshrl.u32 s28, $0x3  }
0xf: {  	s15 =	sadd.s32 $0x10000, s5;
	s31 =	sadd.s32 s7, s6;
	s6 =	sadd.s32 $0x3A00, s11  }
0x10: {  	s7 =	sadd.s32 $0xDA00, s11;
	s8 =	sadd.s32 $0x3C80, s11;
	s9 =	sadd.s32 $0xDC80, s11  }
0x11: {  	v0 =	vimm.f32 $0.0e+00;
	s11 =	smax.u32 s12, $0x1;
	s12 =	sadd.s32 $0x4000, s5;
	s10 =	sadd.s32 $0x17A00, s31  }
.LBB2_1:
0x12: {  	s28 =	simm.s32 $0x0;
	s29 =	simm.s32 $0x200  }
.LBB2_2:
0x13: {  	p0 =	sne.s32 s29, $0xFE00;
	[tilespmem:s28+$0x2870] =	vst v0  }
0x14: {  	[tilespmem:s28+$0x2800] =	vst v0  }
0x15: {  	[tilespmem:s28+$0x2810] =	vst v0  }
.Ltmp0:
0x16: {  	[tilespmem:s28+$0x2820] =	vst v0;
	(pc) =	sbr.rel @p0 .LBB2_2-.Ltmp0, $4  }
0x17: {  	[tilespmem:s28+$0x2830] =	vst v0  }
0x18: {  	[tilespmem:s28+$0x2840] =	vst v0  }
0x19: {  	[tilespmem:s28+$0x2850] =	vst v0  }
0x1a: {  	[tilespmem:s28+$0x2860] =	vst v0;
	s28 =	sshra.s32 s29, $0x2;
	s29 =	sadd.s32 $0x200, s29  }
0x1b: {  	[tilespmem:s28+$0x2870] =	vst v0  }
0x1c: {  	[tilespmem:s28+$0x2800] =	vst v0  }
0x1d: {  	[tilespmem:s28+$0x2810] =	vst v0  }
0x1e: {  	[tilespmem:s28+$0x2820] =	vst v0  }
0x1f: {  	[tilespmem:s28+$0x2830] =	vst v0  }
0x20: {  	[tilespmem:s28+$0x2840] =	vst v0  }
0x21: {  	[tilespmem:s28+$0x2850] =	vst v0  }
0x22: {  	[tilespmem:s28+$0x2860] =	vst v0  }
0x23: {  	[spmem:s5] =	stream.linear.scatter [tilespmem:s16], [sflag:$0x5], $0x4000, $0x38;
	[tilespmem:$0x1E800] =	vst v63  }
0x24: {  	_ =	swait.ge [sflag:s17], $0x4000  }
0x25: {  	[sflag:s17] =	ssyncset.done $0x0  }
0x26: {  	[sflag:s17] =	ssyncadd.s32 $0xFFFFC000  }
0x27: {  	[spmem:s12] =	stream.linear.scatter [tilespmem:s16], [sflag:$0x5], $0x4000, $0x38;
	[tilespmem:$0x1E800] =	vst v63  }
0x28: {  	_ =	swait.ge [sflag:s17], $0x4000  }
0x29: {  	[sflag:s17] =	ssyncset.done $0x0  }
0x2a: {  	[sflag:s17] =	ssyncadd.s32 $0xFFFFC000  }
0x2b: {  	[spmem:s13] =	stream.linear.scatter [tilespmem:s16], [sflag:$0x5], $0x4000, $0x38;
	[tilespmem:$0x1E800] =	vst v63  }
0x2c: {  	_ =	swait.ge [sflag:s17], $0x4000  }
0x2d: {  	[sflag:s17] =	ssyncset.done $0x0  }
0x2e: {  	[sflag:s17] =	ssyncadd.s32 $0xFFFFC000  }
0x2f: {  	[spmem:s14] =	stream.linear.scatter [tilespmem:s16], [sflag:$0x5], $0x4000, $0x38;
	[tilespmem:$0x1E800] =	vst v63  }
0x30: {  	_ =	swait.ge [sflag:s17], $0x4000  }
0x31: {  	[sflag:s17] =	ssyncset.done $0x0  }
0x32: {  	[sflag:s17] =	ssyncadd.s32 $0xFFFFC000  }
0x33: {  	[spmem:s15] =	stream.linear.scatter [tilespmem:s16], [sflag:$0x5], $0x4000, $0x38;
	[tilespmem:$0x1E800] =	vst v63  }
0x34: {  	_ =	swait.ge [sflag:s17], $0x4000  }
0x35: {  	[sflag:s17] =	ssyncset.done $0x0  }
0x36: {  	[sflag:s17] =	ssyncadd.s32 $0xFFFFC000  }
0x37: {  	s28 =	simm.s32 $0x0;
	[bflag:$0x0] =	sbarrier.arrive $0xFFFF  }
0x38: {  	[tilespmem:s28], [sflag:$0x5] =	stream.linear.gather [hbm4b:s6+s28], $0x1400, $0x38;
	[tilespmem:$0x1E800] =	vst v63  }
0x39: {  	_ =	swait.ge [sflag:s17], $0x1400  }
0x3a: {  	[sflag:s17] =	ssyncset.done $0x0  }
0x3b: {  	[sflag:s17] =	ssyncadd.s32 $0xFFFFEC00  }
0x3c: {  	[tilespmem:s18], [sflag:$0x5] =	stream.linear.gather [hbm4b:s7+s28], $0x1400, $0x38;
	[tilespmem:$0x1E800] =	vst v63  }
0x3d: {  	_ =	swait.ge [sflag:s17], $0x1400  }
0x3e: {  	[sflag:s17] =	ssyncset.done $0x0  }
0x3f: {  	[sflag:s17] =	ssyncadd.s32 $0xFFFFEC00  }
0x40: {  	[tilespmem:s16], [sflag:$0x1] =	stream.indirect.gather [hbm4b:s1+s19], $0x80, s28, s19, $0xb8;
	[tilespmem:$0x1E800] =	vst v63  }
0x41: {  	_ = 	snop  }
0x42: {  	[tilespmem:s20], [sflag:$0x2] =	stream.indirect.gather [hbm4b:s1+s19], $0x80, s19, s19, $0xb8;
	[tilespmem:$0x1E800] =	vst v63  }
0x43: {  	_ =	swait.ge [sflag:s21], $0x4000  }
0x44: {  	[sflag:s21] =	ssyncset.done $0x0  }
0x45: {  	s28 =	simm.s32 $0x1400;
	[sflag:s21] =	ssyncadd.s32 $0xFFFFC000  }
0x46: {  	[spmem:s3] =	stream.indirect.scatter.add.f32 [tilespmem:s16], [sflag:$0x3], $0x80, s28, s19, $0xb8;
	[tilespmem:$0x1E800] =	vst v63  }
0x47: {  	_ =	swait.ge [sflag:s22], $0x4000  }
0x48: {  	[sflag:s22] =	ssyncset.done $0x0  }
0x49: {  	s28 =	simm.s32 $0x100;
	[sflag:s22] =	ssyncadd.s32 $0xFFFFC000  }
0x4a: {  	[tilespmem:s16], [sflag:$0x1] =	stream.indirect.gather [hbm4b:s1+s19], $0x80, s28, s19, $0xb8;
	[tilespmem:$0x1E800] =	vst v63  }
0x4b: {  	_ =	swait.ge [sflag:s23], $0x4000  }
0x4c: {  	[sflag:s23] =	ssyncset.done $0x0  }
0x4d: {  	s28 =	simm.s32 $0x1480;
	[sflag:s23] =	ssyncadd.s32 $0xFFFFC000  }
0x4e: {  	[spmem:s3] =	stream.indirect.scatter.add.f32 [tilespmem:s20], [sflag:$0x4], $0x80, s28, s19, $0xb8;
	[tilespmem:$0x1E800] =	vst v63  }
0x4f: {  	_ =	swait.ge [sflag:s24], $0x4000  }
0x50: {  	[sflag:s24] =	ssyncset.done $0x0  }
0x51: {  	s29 =	simm.s32 $0x180;
	s28 =	simm.s32 $0x400;
	[sflag:s24] =	ssyncadd.s32 $0xFFFFC000  }
.LBB2_4:
0x52: {  	[tilespmem:s20], [sflag:$0x2] =	stream.indirect.gather [hbm4b:s1+s19], $0x80, s29, s19, $0xb8;
	[tilespmem:$0x1E800] =	vst v63  }
0x53: {  	s29 =	smov.u32 s28  }
0x54: {  	p0 =	sne.s32 s28, $0x4800;
	s28 =	sadd.s32 $0x400, s28;
	_ =	swait.ge [sflag:s21], $0x4000  }
0x55: {  	s29 =	sshra.s32 s29, $0x2;
	[sflag:s21] =	ssyncset.done $0x0  }
0x56: {  	s30 =	sadd.s32 $0x1400, s29;
	[sflag:s21] =	ssyncadd.s32 $0xFFFFC000  }
0x57: {  	[spmem:s3] =	stream.indirect.scatter.add.f32 [tilespmem:s16], [sflag:$0x3], $0x80, s30, s19, $0xb8;
	[tilespmem:$0x1E800] =	vst v63  }
0x58: {  	_ =	swait.ge [sflag:s22], $0x4000  }
0x59: {  	[sflag:s22] =	ssyncset.done $0x0  }
0x5a: {  	s30 =	sadd.s32 $0x100, s29;
	[sflag:s22] =	ssyncadd.s32 $0xFFFFC000  }
0x5b: {  	[tilespmem:s16], [sflag:$0x1] =	stream.indirect.gather [hbm4b:s1+s19], $0x80, s30, s19, $0xb8;
	[tilespmem:$0x1E800] =	vst v63  }
0x5c: {  	_ =	swait.ge [sflag:s23], $0x4000  }
0x5d: {  	[sflag:s23] =	ssyncset.done $0x0  }
.Ltmp1:
0x5e: {  	s30 =	sadd.s32 $0x1480, s29;
	[sflag:s23] =	ssyncadd.s32 $0xFFFFC000;
	(pc) =	sbr.rel @p0 .LBB2_4-.Ltmp1, $4  }
0x5f: {  	[spmem:s3] =	stream.indirect.scatter.add.f32 [tilespmem:s20], [sflag:$0x4], $0x80, s30, s19, $0xb8;
	[tilespmem:$0x1E800] =	vst v63  }
0x60: {  	_ =	swait.ge [sflag:s24], $0x4000  }
0x61: {  	[sflag:s24] =	ssyncset.done $0x0  }
0x62: {  	s29 =	sadd.s32 $0x180, s29;
	[sflag:s24] =	ssyncadd.s32 $0xFFFFC000  }
0x63: {  	[tilespmem:s20], [sflag:$0x2] =	stream.indirect.gather [hbm4b:s1+s19], $0x80, s29, s19, $0xb8;
	[tilespmem:$0x1E800] =	vst v63  }
0x64: {  	_ =	swait.ge [sflag:s21], $0x4000  }
0x65: {  	[sflag:s21] =	ssyncset.done $0x0  }
0x66: {  	[sflag:s21] =	ssyncadd.s32 $0xFFFFC000  }
0x67: {  	[spmem:s3] =	stream.indirect.scatter.add.f32 [tilespmem:s16], [sflag:$0x3], $0x80, s25, s19, $0xb8;
	[tilespmem:$0x1E800] =	vst v63  }
0x68: {  	_ =	swait.ge [sflag:s23], $0x4000  }
0x69: {  	[sflag:s23] =	ssyncset.done $0x0  }
0x6a: {  	[sflag:s23] =	ssyncadd.s32 $0xFFFFC000  }
0x6b: {  	[spmem:s3] =	stream.indirect.scatter.add.f32 [tilespmem:s20], [sflag:$0x4], $0x80, s26, s19, $0xb8;
	[tilespmem:$0x1E800] =	vst v63  }
0x6c: {  	_ =	swait.ge [sflag:s22], $0x4000  }
0x6d: {  	[sflag:s22] =	ssyncset.done $0x0  }
0x6e: {  	[sflag:s22] =	ssyncadd.s32 $0xFFFFC000  }
0x6f: {  	_ =	swait.ge [sflag:s24], $0x4000  }
0x70: {  	[sflag:s24] =	ssyncset.done $0x0  }
0x71: {  	s28 =	simm.s32 $0x0;
	[sflag:s24] =	ssyncadd.s32 $0xFFFFC000  }
0x72: {  	[tilespmem:s28], [sflag:$0x5] =	stream.linear.gather [hbm4b:s8+s28], $0x1400, $0x38;
	[tilespmem:$0x1E800] =	vst v63  }
0x73: {  	_ =	swait.ge [sflag:s17], $0x1400  }
0x74: {  	[sflag:s17] =	ssyncset.done $0x0  }
0x75: {  	[sflag:s17] =	ssyncadd.s32 $0xFFFFEC00  }
0x76: {  	[tilespmem:s18], [sflag:$0x5] =	stream.linear.gather [hbm4b:s9+s28], $0x1400, $0x38;
	[tilespmem:$0x1E800] =	vst v63  }
0x77: {  	_ =	swait.ge [sflag:s17], $0x1400  }
0x78: {  	[sflag:s17] =	ssyncset.done $0x0  }
0x79: {  	[sflag:s17] =	ssyncadd.s32 $0xFFFFEC00  }
0x7a: {  	[tilespmem:s16], [sflag:$0x1] =	stream.indirect.gather [hbm4b:s1+s19], $0x80, s28, s19, $0xb8;
	[tilespmem:$0x1E800] =	vst v63  }
0x7b: {  	_ = 	snop  }
0x7c: {  	[tilespmem:s20], [sflag:$0x2] =	stream.indirect.gather [hbm4b:s1+s19], $0x80, s19, s19, $0xb8;
	[tilespmem:$0x1E800] =	vst v63  }
0x7d: {  	_ =	swait.ge [sflag:s21], $0x4000  }
0x7e: {  	[sflag:s21] =	ssyncset.done $0x0  }
0x7f: {  	s28 =	simm.s32 $0x1400;
	[sflag:s21] =	ssyncadd.s32 $0xFFFFC000  }
0x80: {  	[spmem:s3] =	stream.indirect.scatter.add.f32 [tilespmem:s16], [sflag:$0x3], $0x80, s28, s19, $0xb8;
	[tilespmem:$0x1E800] =	vst v63  }
0x81: {  	_ =	swait.ge [sflag:s22], $0x4000  }
0x82: {  	[sflag:s22] =	ssyncset.done $0x0  }
0x83: {  	s28 =	simm.s32 $0x100;
	[sflag:s22] =	ssyncadd.s32 $0xFFFFC000  }
0x84: {  	[tilespmem:s16], [sflag:$0x1] =	stream.indirect.gather [hbm4b:s1+s19], $0x80, s28, s19, $0xb8;
	[tilespmem:$0x1E800] =	vst v63  }
0x85: {  	_ =	swait.ge [sflag:s23], $0x4000  }
0x86: {  	[sflag:s23] =	ssyncset.done $0x0  }
0x87: {  	s28 =	simm.s32 $0x1480;
	[sflag:s23] =	ssyncadd.s32 $0xFFFFC000  }
0x88: {  	[spmem:s3] =	stream.indirect.scatter.add.f32 [tilespmem:s20], [sflag:$0x4], $0x80, s28, s19, $0xb8;
	[tilespmem:$0x1E800] =	vst v63  }
0x89: {  	_ =	swait.ge [sflag:s24], $0x4000  }
0x8a: {  	[sflag:s24] =	ssyncset.done $0x0  }
0x8b: {  	s29 =	simm.s32 $0x180;
	s28 =	simm.s32 $0x400;
	[sflag:s24] =	ssyncadd.s32 $0xFFFFC000  }
.LBB2_6:
0x8c: {  	[tilespmem:s20], [sflag:$0x2] =	stream.indirect.gather [hbm4b:s1+s19], $0x80, s29, s19, $0xb8;
	[tilespmem:$0x1E800] =	vst v63  }
0x8d: {  	s29 =	smov.u32 s28  }
0x8e: {  	p0 =	sne.s32 s28, $0x4800;
	s28 =	sadd.s32 $0x400, s28;
	_ =	swait.ge [sflag:s21], $0x4000  }
0x8f: {  	s29 =	sshra.s32 s29, $0x2;
	[sflag:s21] =	ssyncset.done $0x0  }
0x90: {  	s30 =	sadd.s32 $0x1400, s29;
	[sflag:s21] =	ssyncadd.s32 $0xFFFFC000  }
0x91: {  	[spmem:s3] =	stream.indirect.scatter.add.f32 [tilespmem:s16], [sflag:$0x3], $0x80, s30, s19, $0xb8;
	[tilespmem:$0x1E800] =	vst v63  }
0x92: {  	_ =	swait.ge [sflag:s22], $0x4000  }
0x93: {  	[sflag:s22] =	ssyncset.done $0x0  }
0x94: {  	s30 =	sadd.s32 $0x100, s29;
	[sflag:s22] =	ssyncadd.s32 $0xFFFFC000  }
0x95: {  	[tilespmem:s16], [sflag:$0x1] =	stream.indirect.gather [hbm4b:s1+s19], $0x80, s30, s19, $0xb8;
	[tilespmem:$0x1E800] =	vst v63  }
0x96: {  	_ =	swait.ge [sflag:s23], $0x4000  }
0x97: {  	[sflag:s23] =	ssyncset.done $0x0  }
.Ltmp2:
0x98: {  	s30 =	sadd.s32 $0x1480, s29;
	[sflag:s23] =	ssyncadd.s32 $0xFFFFC000;
	(pc) =	sbr.rel @p0 .LBB2_6-.Ltmp2, $4  }
0x99: {  	[spmem:s3] =	stream.indirect.scatter.add.f32 [tilespmem:s20], [sflag:$0x4], $0x80, s30, s19, $0xb8;
	[tilespmem:$0x1E800] =	vst v63  }
0x9a: {  	_ =	swait.ge [sflag:s24], $0x4000  }
0x9b: {  	[sflag:s24] =	ssyncset.done $0x0  }
0x9c: {  	s29 =	sadd.s32 $0x180, s29;
	[sflag:s24] =	ssyncadd.s32 $0xFFFFC000  }
0x9d: {  	[tilespmem:s20], [sflag:$0x2] =	stream.indirect.gather [hbm4b:s1+s19], $0x80, s29, s19, $0xb8;
	[tilespmem:$0x1E800] =	vst v63  }
0x9e: {  	_ =	swait.ge [sflag:s21], $0x4000  }
0x9f: {  	[sflag:s21] =	ssyncset.done $0x0  }
0xa0: {  	[sflag:s21] =	ssyncadd.s32 $0xFFFFC000  }
0xa1: {  	[spmem:s3] =	stream.indirect.scatter.add.f32 [tilespmem:s16], [sflag:$0x3], $0x80, s25, s19, $0xb8;
	[tilespmem:$0x1E800] =	vst v63  }
0xa2: {  	_ =	swait.ge [sflag:s23], $0x4000  }
0xa3: {  	[sflag:s23] =	ssyncset.done $0x0  }
0xa4: {  	[sflag:s23] =	ssyncadd.s32 $0xFFFFC000  }
0xa5: {  	[spmem:s3] =	stream.indirect.scatter.add.f32 [tilespmem:s20], [sflag:$0x4], $0x80, s26, s19, $0xb8;
	[tilespmem:$0x1E800] =	vst v63  }
0xa6: {  	_ =	swait.ge [sflag:s22], $0x4000  }
0xa7: {  	[sflag:s22] =	ssyncset.done $0x0  }
0xa8: {  	[sflag:s22] =	ssyncadd.s32 $0xFFFFC000  }
0xa9: {  	_ =	swait.ge [sflag:s24], $0x4000  }
0xaa: {  	s28 =	sshll.u32 s0, $0x6;
	s4 =	sadd.s32 $0x1, s4;
	[sflag:s24] =	ssyncset.done $0x0  }
0xab: {  	s31 =	sshrl.u32 s5, $0x3;
	p0 =	sne.s32 s4, s11;
	[sflag:s24] =	ssyncadd.s32 $0xFFFFC000  }
.Ltmp3:
0xac: {  	s28 =	sor.u32 $0x1C05, s28;
	[bflag:$0x0] =	sbarrier.arrive $0xFFFF;
	(pc) =	sbr.rel @p0 .LBB2_1-.Ltmp3, $4  }
0xad: {  	[hbm:s10], [sflag:s28] =	dma.local [spmem:s31], $0x2800  }
0xae: {  	_ =	swait.ge [sflag:s17], $0x2800  }
0xaf: {  	[sflag:s17] =	ssyncset.done $0x0  }
0xb0: {  	[sflag:s17] =	ssyncadd.s32 $0xFFFFD800  }
0xb1: {  	_ =	sfence.sel $0x180000  }
0xb2: {  	[bflag:$0x0] =	sbarrier.arrive $0xFFFF  }
0xb3: {  	p0 =	sne.s32 s0, $0x0;
	_ =	strace $0x9000004D  }
0xb4: {  	s0 =	sadd.s32 @!p0 $0x100000, s2;
	[bflag:$0x2] =	sbarrier.arrive $0xFFFF  }
0xb5: {  	[sflag:s0] =	ssyncadd.tile.s32 @!p0 $0x1;
	_ =	shalt  }
.Lfunc_end2:
_tile_overlayer_lowered:
.L_overlay_start_2:
0xb6: {  	(tag) =	ssettag $0x2  }
0xb7: {  	s0 =	rddreg [dreg:$0x0];
	s2 =	stileid.u32  }
0xb8: {  	s1 =	rddreg [dreg:$0x1];
	p0 =	sne.s32 s2, $0x0  }
0xb9: {  	s3 =	rddreg [dreg:$0x2];
	[bflag:$0x3] =	sbarrier.arrive $0xFFFF;
	s2 =	simm.s32 @!p0 $0x1C05  }
0xba: {  	[timem:s3], [sflag:s2] =	dma.local @!p0 [hbm:s0], s1  }
0xbb: {  	s0 =	simm.s32 @!p0 $0x5  }
0xbc: {  	_ =	swait.ge @!p0 [sflag:s0], s1  }
0xbd: {  	s1 =	ssub.s32 @!p0 $0x0, s1;
	[sflag:s0] =	ssyncset.done @!p0 $0x0  }
0xbe: {  	[sflag:s0] =	ssyncadd.s32 @!p0 s1  }
0xbf: {  	[bflag:$0x3] =	sbarrier.arrive $0xFFFF  }
0xc0: {  	_ =	shalt  }

// kernel: kernel.8.cloned.1.call-start
scs
__scs_entry_jumppad:
0x0: {  	(pc) =	sbr.rel $0x88, $3  }
0x1: {  	(tag) =	ssettag $0x0;
	lr =	simm.s32 $0x1  }
0x2: {  	[smem:$0x3F92] =	sst lr;
	_ =	strace $0xD0000000  }
0x3: {  	_ = 	snop  }
0x4: {  	_ = 	snop  }
0x5: {  	_ = 	snop  }
0x6: {  	_ = 	snop  }
0x7: {  	_ = 	snop  }
__scs_overlays_trampoline_lowered:
0x8: {  	[smem:$0x3FA1] =	sst s0  }
0x9: {  	[smem:$0x3FA2] =	sst s1  }
0xa: {  	[smem:$0x3FA3] =	sst s2  }
0xb: {  	[smem:$0x3FA4] =	sst s3  }
0xc: {  	[smem:$0x3FA5] =	sst s4  }
0xd: {  	[smem:$0x3FA6] =	sst s5  }
0xe: {  	[smem:$0x3FA7] =	sst s6  }
0xf: {  	[smem:$0x3FA8] =	sst s7  }
0x10: {  	[smem:$0x3FA9] =	sst s8  }
0x11: {  	[smem:$0x3FAA] =	sst s9;
	s0 =	simm.s32 @!p0 $0x0  }
0x12: {  	s1 =	sld [smem:$0x3F90];
	s0 =	simm.s32 @p0 $0x1  }
0x13: {  	[smem:$0x3FAB] =	sst s0;
	s0 =	simm.s32 @!p1 $0x0  }
0x14: {  	s2 =	sld [smem:$0x3F8F];
	s0 =	simm.s32 @p1 $0x1  }
0x15: {  	[smem:$0x3FAC] =	sst s0;
	s0 =	simm.s32 @!p2 $0x0  }
0x16: {  	s3 =	sld [smem:$0x3FDB];
	s0 =	simm.s32 @p2 $0x1  }
0x17: {  	s4 =	simm.s32 $0x1BF5;
	[smem:$0x3FAE] =	sst s0  }
0x18: {  	s0 =	sld [smem:$0x3F91];
	_ =	swait.ge [sflag:s4], $0x0  }
0x19: {  	s7 =	sld [smem:$0x3F92]  }
0x1a: {  	s8 =	sadd.s32 $0xFFFFE003, lr  }
0x1b: {  	s9 =	sadd.s32 $0xFFFFFEF7, lr;
	s5 =	simm.s32 $0xFFFFFFFF;
	p2 =	slt.u32 s8, $0xFFFFF086  }
0x1c: {  	p1 =	slt.u32 s9, $0xF7A;
	s5 =	simm.s32 @!p2 $0x0  }
0x1d: {  	s5 =	simm.s32 @p1 $0x1;
	p0 =	seq.s32 s7, s2  }
0x1e: {  	s7 =	smul.u32 @!p0 $0xF7A, s2;
	p2 =	seq.s32 @!p0 s5, $0x0  }
0x1f: {  	s9 =	smul.u32 $0xF7A, s1;
	s8 =	simm.s32 @!p0 $0x1BF5;
	p2 =	por !p2, p0  }
0x20: {  	[sflag:s8] =	ssyncset.s32 @!p0 $0xFFFFF086;
	s6 =	sadd.s32 @!p0 s3, s7;
	s7 =	simm.s32 @!p0 $0x108  }
0x21: {  	s3 =	sadd.s32 s3, s9;
	s6 =	sadd.s32 @!p0 $0x88, s6;
	s7 =	simm.s32 @p2 $0x1082  }
0x22: {  	[simem:s7], [sflag:s8] =	dma.local @!p0 [hbm:s6], $0xF7A  }
0x23: {  	s9 =	sor.u32 $0xD0000000, s2;
	s6 =	simm.s32 $0x108;
	_ =	swait.ge @!p0 [sflag:s8], $0x0  }
0x24: {  	s3 =	sadd.s32 $0x88, s3;
	s6 =	simm.s32 @!p1 $0x1082;
	[sflag:s4] =	ssyncset.s32 $0xFFFFF086  }
0x25: {  	[simem:s6], [sflag:s4] =	dma.local [hbm:s3], $0xF7A  }
0x26: {  	[smem:$0x3F92] =	sst s1;
	(tag) =	ssettag s2;
	_ =	strace s9  }
0x27: {  	s1 =	sld [smem:$0x3FA2]  }
0x28: {  	s2 =	sld [smem:$0x3FA3]  }
0x29: {  	s4 =	sld [smem:$0x3FA5]  }
0x2a: {  	p0 =	seq.s32 s5, $0x0;
	s5 =	sld [smem:$0x3FA6]  }
0x2b: {  	s6 =	sld [smem:$0x3FA7]  }
0x2c: {  	s7 =	sld [smem:$0x3FA8]  }
0x2d: {  	s3 =	simm.s32 $0x108;
	s8 =	sld [smem:$0x3FA9]  }
0x2e: {  	s3 =	simm.s32 @!p0 $0x1082;
	s9 =	sld [smem:$0x3FAA]  }
0x2f: {  	lr =	sadd.s32 s0, s3;
	s0 =	sld [smem:$0x3FA1]  }
0x30: {  	s3 =	sld [smem:$0x3FA4]  }
0x31: {  	[smem:$0x3FAD] =	sst s10  }
0x32: {  	s10 =	sld [smem:$0x3FAB];
	_ =	sdelay $0x3  }
0x33: {  	p0 =	seq.s32 s10, $0x1;
	s10 =	sld [smem:$0x3FAD];
	_ =	sdelay $0x3  }
0x34: {  	[smem:$0x3FAD] =	sst s10  }
0x35: {  	s10 =	sld [smem:$0x3FAC];
	_ =	sdelay $0x3  }
0x36: {  	p1 =	seq.s32 s10, $0x1;
	s10 =	sld [smem:$0x3FAD];
	_ =	sdelay $0x3  }
0x37: {  	[smem:$0x3FAD] =	sst s10  }
0x38: {  	s10 =	sld [smem:$0x3FAE]  }
0x39: {  	_ = 	snop;
	(pc) =	sbr.ind lr, $3  }
0x3a: {  	_ = 	snop  }
0x3b: {  	_ = 	snop  }
0x3c: {  	p2 =	seq.s32 s10, $0x1;
	s10 =	sld [smem:$0x3FAD]  }
0x3d: {  	_ =	shalt  }
0x3e: {  	_ =	shalt  }
0x3f: {  	_ =	shalt  }
0x40: {  	_ =	shalt  }
0x41: {  	_ =	shalt  }
0x42: {  	_ =	shalt  }
0x43: {  	_ =	shalt  }
0x44: {  	_ =	shalt  }
0x45: {  	_ =	shalt  }
0x46: {  	_ =	shalt  }
0x47: {  	_ =	shalt  }
0x48: {  	_ =	shalt  }
0x49: {  	_ =	shalt  }
0x4a: {  	_ =	shalt  }
0x4b: {  	_ =	shalt  }
0x4c: {  	_ =	shalt  }
0x4d: {  	_ =	shalt  }
0x4e: {  	_ =	shalt  }
0x4f: {  	_ =	shalt  }
0x50: {  	_ =	shalt  }
0x51: {  	_ =	shalt  }
0x52: {  	_ =	shalt  }
0x53: {  	_ =	shalt  }
0x54: {  	_ =	shalt  }
0x55: {  	_ =	shalt  }
0x56: {  	_ =	shalt  }
0x57: {  	_ =	shalt  }
0x58: {  	_ =	shalt  }
0x59: {  	_ =	shalt  }
0x5a: {  	_ =	shalt  }
0x5b: {  	_ =	shalt  }
0x5c: {  	_ =	shalt  }
0x5d: {  	_ =	shalt  }
0x5e: {  	_ =	shalt  }
0x5f: {  	_ =	shalt  }
0x60: {  	_ =	shalt  }
0x61: {  	_ =	shalt  }
0x62: {  	_ =	shalt  }
0x63: {  	_ =	shalt  }
0x64: {  	_ =	shalt  }
0x65: {  	_ =	shalt  }
0x66: {  	_ =	shalt  }
0x67: {  	_ =	shalt  }
0x68: {  	_ =	shalt  }
0x69: {  	_ =	shalt  }
0x6a: {  	_ =	shalt  }
0x6b: {  	_ =	shalt  }
0x6c: {  	_ =	shalt  }
0x6d: {  	_ =	shalt  }
0x6e: {  	_ =	shalt  }
0x6f: {  	_ =	shalt  }
0x70: {  	_ =	shalt  }
0x71: {  	_ =	shalt  }
0x72: {  	_ =	shalt  }
0x73: {  	_ =	shalt  }
0x74: {  	_ =	shalt  }
0x75: {  	_ =	shalt  }
0x76: {  	_ =	shalt  }
0x77: {  	_ =	shalt  }
0x78: {  	_ =	shalt  }
0x79: {  	_ =	shalt  }
0x7a: {  	_ =	shalt  }
0x7b: {  	_ =	shalt  }
0x7c: {  	_ =	shalt  }
0x7d: {  	_ =	shalt  }
0x7e: {  	_ =	shalt  }
0x7f: {  	_ =	shalt  }
0x80: {  	_ =	shalt  }
0x81: {  	_ =	shalt  }
0x82: {  	_ =	shalt  }
0x83: {  	_ =	shalt  }
0x84: {  	_ =	shalt  }
0x85: {  	_ =	shalt  }
0x86: {  	_ =	shalt  }
0x87: {  	_ =	shalt  }
.Lfunc_end0:
.L_simem_size_0:
called_computation_lowered:
.L_overlay_start_0:
0x88: {  	s2 =	sld [smem:$0x3FD9]  }
0x89: {  	s3 =	sld [smem:$0x3FFE];
	_ =	sdelay $0x1  }
0x8a: {  	s1 =	srdreg.scid  }
0x8b: {  	s0 =	sand.u32 $0x1, s1  }
0x8c: {  	s14 =	sshll.u32 s0, $0xA;
	s2 =	sadd.s32 s3, s2  }
0x8d: {  	s2 =	sadd.s32 s2, s14  }
0x8e: {  	[smem:$0x3FB9] =	sst s2  }
0x8f: {  	_ = 	snop  }
0x90: {  	s2 =	sld [smem:$0x3FD0];
	_ =	sdelay $0x2  }
0x91: {  	s15 =	simm.s32 $0xA;
	s4 =	simm.s32 $0x10  }
0x92: {  	[smem:s4], [sflag:s15] =	dma.local [hbm:s2], $0x1  }
0x93: {  	_ =	swait.eq [sflag:s15], $0x1  }
0x94: {  	[sflag:s15] =	ssyncset.done $0x0  }
0x95: {  	[sflag:s15] =	ssyncadd.s32 $0xFFFFFFFF  }
0x96: {  	s16 =	sld [smem:$0x10];
	(tm) =	ssettm $0x1  }
0x97: {  	s17 =	sld [smem:$0x3FFB];
	_ =	sdelay $0x3  }
0x98: {  	_ =	strace s17  }
0x99: {  	s3 =	sld [smem:$0x3FFC];
	_ =	sdelay $0x3  }
0x9a: {  	_ =	strace s3  }
0x9b: {  	s3 =	sld [smem:$0x3FFD];
	_ =	sdelay $0x3  }
0x9c: {  	_ =	strace s3  }
0x9d: {  	_ =	strace $0x8FFFFFFF  }
0x9e: {  	s18 =	sld [smem:$0x3FDB];
	_ =	sdelay $0x1  }
0x9f: {  	s19 =	simm.s32 $_scs_section_size  }
0xa0: {  	s5 =	simm.s32 $_size__tile_overlayer_lowered;
	s6 =	simm.s32 $_tile_overlayer_lowered  }
0xa1: {  	s22 =	simm.s32 $0x1BFF;
	s21 =	sshll.u32 s6, $0x1;
	s3 =	sadd.s32 s19, s18  }
0xa2: {  	s7 =	simm.s32 $0x0;
	s20 =	sshll.u32 s5, $0x1;
	s5 =	sadd.s32 s21, s3  }
0xa3: {  	[timem:s7], [sflag:s22] =	dma.local [hbm:s5], s20  }
0xa4: {  	_ =	swait.ge [sflag:s22], s20  }
0xa5: {  	s4 =	ssub.s32 $0x0, s20;
	[sflag:s22] =	ssyncset.done $0x0  }
0xa6: {  	[sflag:s22] =	ssyncadd.s32 s4;
	_ =	sdelay $0x1  }
0xa7: {  	s23 =	simm.s32 $0x1B8B  }
0xa8: {  	_ =	swait.ge [sflag:s23], $0x1  }
0xa9: {  	[sflag:s23] =	ssyncset.done $0x0  }
0xaa: {  	s25 =	simm.s32 $0x1B8E;
	s24 =	sld [smem:$0x3FFE];
	[sflag:s23] =	ssyncadd.s32 $0xFFFFFFFF  }
0xab: {  	s26 =	simm.s32 $execute0_lowered;
	[smem:$0x3FD2] =	sst s25  }
0xac: {  	s5 =	sshll.u32 s26, $0x1;
	_ =	strace $0x80000046;
	[dreg:$0x1] =	wrdreg $0xFFFFFFFF  }
0xad: {  	s28 =	simm.s32 $_size_execute0_lowered;
	s3 =	sadd.s32 s3, s5;
	[dreg:$0x0] =	wrdreg $0x0  }
0xae: {  	s5 =	sshll.u32 s28, $0x1;
	[dreg:$0x2] =	wrdreg s3  }
0xaf: {  	[dreg:$0x3] =	wrdreg s5  }
0xb0: {  	[dreg:$0x4] =	wrdreg $0xC0  }
0xb1: {  	_ =	task [dreg:s7], $0x5FFFF  }
0xb2: {  	[dreg:$0x1] =	wrdreg $0xFFFFFFFF  }
0xb3: {  	[dreg:$0x0] =	wrdreg $0x60  }
0xb4: {  	[dreg:$0x2] =	wrdreg s24  }
0xb5: {  	[dreg:$0x3] =	wrdreg s16  }
0xb6: {  	[dreg:$0x4] =	wrdreg $0x2B000  }
0xb7: {  	[dreg:$0x5] =	wrdreg $0x9  }
0xb8: {  	_ =	task.clear_ibuf [dreg:s7], $0x6FFFF;
	_ =	strace $0x90000046  }
0xb9: {  	s29 =	simm.s32 $0x9;
	_ =	strace $0x80000048  }
0xba: {  	_ =	swait.ge [sflag:s29], $0x1  }
0xbb: {  	[sflag:s29] =	ssyncadd.s32 $0xFFFFFFFF  }
0xbc: {  	_ =	strace $0x90000048  }
0xbd: {  	_ =	sfence  }
0xbe: {  	s30 =	sld [smem:$0x0];
	_ =	sdelay $0x2  }
0xbf: {  	s31 =	sshll.u32 s1, $0xD;
	s1 =	sshrl.u32 s1, $0x2  }
0xc0: {  	s3 =	sand.u32 $0x4000, s31;
	s1 =	sadd.s32 s1, s30  }
0xc1: {  	s0 =	sor.u32 s3, s0;
	s1 =	sshll.u32 s1, $0x11  }
0xc2: {  	s0 =	sor.u32 s1, s0  }
0xc3: {  	s0 =	sadd.s32 $0x8F2B, s0  }
0xc4: {  	[sflag:s0] =	ssyncadd.remote.s32 $0x1  }
0xc5: {  	_ =	sfence.sel $0xFFFF  }
0xc6: {  	[dreg:$0x0] =	wrdreg $0xFFFFFFFF;
	(pc) =	sbr.abs _section_cstart, $3  }
0xc7: {  	[dreg:$0x1] =	wrdreg $0xFFFFFFFF  }
0xc8: {  	_ =	task.clear_ibuf [dreg:s7], $0x2FFFF;
	_ =	strace $0x9FFFFFFF  }
0xc9: {  	(tm) =	ssettm $0x7FFFFFFF  }
tec
execute0_lowered:
.L_overlay_start_1:
0x0: {  	(tag) =	ssettag $0x1  }
0x1: {  	s4 =	rddreg [dreg:$0x0]  }
0x2: {  	s6 =	rddreg [dreg:$0x1]  }
0x3: {  	s2 =	rddreg [dreg:$0x2]  }
0x4: {  	s3 =	srdreg.scid;
	s1 =	stileid.u32  }
0x5: {  	s0 =	rddreg [dreg:$0x3];
	s14 =	simm.s32 $0x20;
	s15 =	simm.s32 $0x10  }
0x6: {  	s16 =	simm.s32 $0x0;
	s5 =	sand.u32 $0x1, s3;
	s8 =	smul.u32 $0xA00, s1  }
0x7: {  	s7 =	sshll.u32 s1, $0x1;
	s3 =	simm.s32 $0x0;
	s11 =	smul.u32 $0x500, s1  }
0x8: {  	s12 =	sshll.u32 s1, $0x6;
	s7 =	sor.u32 s5, s7;
	[smem:$0x7FF] =	sst s3  }
0x9: {  	s9 =	ssub.s32 $0x2, s5;
	s5 =	sshll.u32 s5, $0x7;
	s12 =	sor.u32 $0x1C01, s12  }
0xa: {  	s7 =	smul.u32 $0x2800, s7;
	_ =	strace $0x80000047;
	s10 =	sshrl.u32 s9, $0x1  }
0xb: {  	s8 =	sshrl.u32 s8, $0x2;
	s30 =	sor.u32 s5, s11;
	s11 =	simm.s32 $0x2800  }
0xc: {  	s9 =	ssub.s32 s9, s10;
	s31 =	sshrl.u32 s30, $0x3;
	s7 =	sshrl.u32 s7, $0x3  }
0xd: {  	s10 =	simm.s32 $0x80;
	s6 =	sadd.s32 s6, s31;
	s7 =	sadd.s32 s4, s7  }
0xe: {  	s4 =	sadd.s32 s8, s2;
	s8 =	simm.s32 $0x2880;
	s5 =	sadd.s32 $0xDA00, s7  }
0xf: {  	v0 =	vimm.f32 $0.0e+00;
	v1 =	vimm.f32 $1.000000000e+00;
	s7 =	smax.u32 s9, $0x1;
	s9 =	simm.s32 $0x1;
	s13 =	sshrl.u32 s4, $0x3  }
.LBB2_1:
0x10: {  	[tilespmem:$0x2880] =	vst v0  }
0x11: {  	[tilespmem:$0x2890] =	vst v0  }
0x12: {  	[tilespmem:$0x28A0] =	vst v0  }
0x13: {  	[tilespmem:$0x28B0] =	vst v0  }
0x14: {  	[tilespmem:$0x28C0] =	vst v0  }
0x15: {  	[tilespmem:$0x28D0] =	vst v0  }
0x16: {  	[tilespmem:$0x28E0] =	vst v0  }
0x17: {  	[tilespmem:$0x28F0] =	vst v0  }
0x18: {  	[tilespmem:$0x2900] =	vst v0  }
0x19: {  	[tilespmem:$0x2910] =	vst v0  }
0x1a: {  	[tilespmem:$0x2920] =	vst v0  }
0x1b: {  	[tilespmem:$0x2930] =	vst v0  }
0x1c: {  	[tilespmem:$0x2940] =	vst v0  }
0x1d: {  	[tilespmem:$0x2950] =	vst v0  }
0x1e: {  	[tilespmem:$0x2960] =	vst v0  }
0x1f: {  	[tilespmem:$0x2970] =	vst v0  }
0x20: {  	[tilespmem:$0x2980] =	vst v0  }
0x21: {  	[tilespmem:$0x2990] =	vst v0  }
0x22: {  	[tilespmem:$0x29A0] =	vst v0  }
0x23: {  	[tilespmem:$0x29B0] =	vst v0  }
0x24: {  	[tilespmem:$0x29C0] =	vst v0  }
0x25: {  	[tilespmem:$0x29D0] =	vst v0  }
0x26: {  	[tilespmem:$0x29E0] =	vst v0  }
0x27: {  	[tilespmem:$0x29F0] =	vst v0  }
0x28: {  	[tilespmem:$0x2A00] =	vst v0  }
0x29: {  	[tilespmem:$0x2A10] =	vst v0  }
0x2a: {  	[tilespmem:$0x2A20] =	vst v0  }
0x2b: {  	[tilespmem:$0x2A30] =	vst v0  }
0x2c: {  	[tilespmem:$0x2A40] =	vst v0  }
0x2d: {  	[tilespmem:$0x2A50] =	vst v0  }
0x2e: {  	[tilespmem:$0x2A60] =	vst v0  }
0x2f: {  	[tilespmem:$0x2A70] =	vst v0  }
0x30: {  	[tilespmem:$0x2A80] =	vst v0  }
0x31: {  	[tilespmem:$0x2A90] =	vst v0  }
0x32: {  	[tilespmem:$0x2AA0] =	vst v0  }
0x33: {  	[tilespmem:$0x2AB0] =	vst v0  }
0x34: {  	[tilespmem:$0x2AC0] =	vst v0  }
0x35: {  	[tilespmem:$0x2AD0] =	vst v0  }
0x36: {  	[tilespmem:$0x2AE0] =	vst v0  }
0x37: {  	[tilespmem:$0x2AF0] =	vst v0  }
0x38: {  	[tilespmem:$0x2800] =	vst v1  }
0x39: {  	[tilespmem:$0x2810] =	vst v1  }
0x3a: {  	[tilespmem:$0x2820] =	vst v1  }
0x3b: {  	[tilespmem:$0x2830] =	vst v1  }
0x3c: {  	[tilespmem:$0x2840] =	vst v1  }
0x3d: {  	[tilespmem:$0x2850] =	vst v1  }
0x3e: {  	[tilespmem:$0x2860] =	vst v1  }
0x3f: {  	[tilespmem:$0x2870] =	vst v1  }
0x40: {  	[spmem:s4] =	stream.linear.scatter [tilespmem:s8], [sflag:$0x1], $0x280, $0x38;
	[tilespmem:$0x2D80] =	vst v63  }
0x41: {  	_ =	swait.ge [sflag:s9], $0x280  }
0x42: {  	[sflag:s9] =	ssyncset.done $0x0  }
0x43: {  	[sflag:s9] =	ssyncadd.s32 $0xFFFFFD80  }
0x44: {  	[bflag:$0x0] =	sbarrier.arrive $0xFFFF  }
0x45: {  	[tilespmem:s3], [sflag:$0x1] =	stream.linear.gather [hbm4b:s5+s3], $0x2800, $0x38;
	[tilespmem:$0x2D80] =	vst v63  }
0x46: {  	_ =	swait.ge [sflag:s9], $0x2800  }
0x47: {  	[sflag:s9] =	ssyncset.done $0x0  }
0x48: {  	s17 =	simm.s32 $0x0;
	[sflag:s9] =	ssyncadd.s32 $0xFFFFD800  }
0x49: {  	[spmem:s2] =	stream.indirect.scatter.add.f32 [tilespmem:s11], [sflag:$0x1], $0x1, s17, s10, $0xb8;
	[tilespmem:$0x2D80] =	vst v63  }
0x4a: {  	_ =	swait.ge [sflag:s9], $0x80  }
0x4b: {  	s17 =	simm.s32 $0x200;
	[sflag:s9] =	ssyncset.done $0x0  }
.LBB2_2:
0x4c: {  	s18 =	sshra.s32 s17, $0x2;
	[sflag:s9] =	ssyncadd.s32 $0xFFFFFF80;
	p0 =	sne.s32 s17, $0x9E00  }
0x4d: {  	[spmem:s2] =	stream.indirect.scatter.add.f32 [tilespmem:s11], [sflag:$0x1], $0x1, s18, s10, $0xb8;
	[tilespmem:$0x2D80] =	vst v63  }
.Ltmp0:
0x4e: {  	_ = 	snop;
	(pc) =	sbr.rel @p0 .LBB2_2-.Ltmp0, $4  }
0x4f: {  	_ = 	snop  }
0x50: {  	s17 =	sadd.s32 $0x200, s17  }
0x51: {  	_ =	swait.ge [sflag:s9], $0x80  }
0x52: {  	[sflag:s9] =	ssyncset.done $0x0  }
0x53: {  	s16 =	sadd.s32 $0x1, s16  }
0x54: {  	[sflag:s9] =	ssyncadd.s32 $0xFFFFFF80;
	p0 =	sne.s32 s16, s7  }
.Ltmp1:
0x55: {  	[bflag:$0x0] =	sbarrier.arrive $0xFFFF;
	(pc) =	sbr.rel @p0 .LBB2_1-.Ltmp1, $4  }
0x56: {  	[hbm:s6@s14], [sflag:s12] =	dma.strided [spmem:s13@s15], $0x50, s9, $0x10   }
0x57: {  	_ =	swait.ge [sflag:s9], $0x50  }
0x58: {  	[sflag:s9] =	ssyncset.done $0x0  }
0x59: {  	[sflag:s9] =	ssyncadd.s32 $0xFFFFFFB0  }
0x5a: {  	_ =	sfence.sel $0x180000  }
0x5b: {  	[bflag:$0x0] =	sbarrier.arrive $0xFFFF  }
0x5c: {  	p0 =	sne.s32 s1, $0x0;
	_ =	strace $0x90000047  }
0x5d: {  	s0 =	sadd.s32 @!p0 $0x100000, s0;
	[bflag:$0x2] =	sbarrier.arrive $0xFFFF  }
0x5e: {  	[sflag:s0] =	ssyncadd.tile.s32 @!p0 $0x1;
	_ =	shalt  }
.Lfunc_end2:
_tile_overlayer_lowered:
.L_overlay_start_2:
0x5f: {  	(tag) =	ssettag $0x2  }
0x60: {  	s0 =	rddreg [dreg:$0x0];
	s2 =	stileid.u32  }
0x61: {  	s1 =	rddreg [dreg:$0x1];
	p0 =	sne.s32 s2, $0x0  }
0x62: {  	s3 =	rddreg [dreg:$0x2];
	[bflag:$0x3] =	sbarrier.arrive $0xFFFF;
	s2 =	simm.s32 @!p0 $0x1C01  }
0x63: {  	[timem:s3], [sflag:s2] =	dma.local @!p0 [hbm:s0], s1  }
0x64: {  	s0 =	simm.s32 @!p0 $0x1  }
0x65: {  	_ =	swait.ge @!p0 [sflag:s0], s1  }
0x66: {  	s1 =	ssub.s32 @!p0 $0x0, s1;
	[sflag:s0] =	ssyncset.done @!p0 $0x0  }
0x67: {  	[sflag:s0] =	ssyncadd.s32 @!p0 s1  }
0x68: {  	[bflag:$0x3] =	sbarrier.arrive $0xFFFF  }
0x69: {  	_ =	shalt  }

</sc_bundles>
